<compile_context>
chip_gen: v7x
topology: tpu7x:2x2x1
jax: 0.10.2.dev20260603
libtpu: 0.0.44.dev20260713+nightly
codegen_flags: <defaults>
</compile_context>

<pallas_src>
import functools

import jax
import jax.numpy as jnp
from jax import lax
from jax.experimental import pallas as pl
from jax.experimental.pallas import tpu as pltpu
from jax.experimental.pallas import tpu_sc as plsc

NN = 10000
EE = 320000
HH = 128
CTX = 5
LL = 4096
NC = 2
NS = 16
NW = NC * NS
CHUNK = 128
CPT = 80
EPAD = NW * CPT * CHUNK
NPAD = 10240
RPT = NPAD // NS
GIDX = LL * CTX + LL
GPT = GIDX // NW
GCH = GPT // CHUNK


def _sc_mesh():
    return plsc.VectorSubcoreMesh(
        core_axis_name="c", subcore_axis_name="s", num_cores=NC, num_subcores=NS)




DW = HH


def _sc_degree(dst_flat, ones_row, zeros_nd):

    @functools.partial(
        pl.kernel,
        mesh=_sc_mesh(),
        out_type=jax.ShapeDtypeStruct((NC * NPAD, DW), jnp.float32),
        scratch_types=[
            pltpu.VMEM((CHUNK,), jnp.int32),
            pltpu.VMEM((CHUNK,), jnp.int32),
            pltpu.VMEM((CHUNK, DW), jnp.float32),
            pltpu.VMEM_SHARED((NPAD, DW), jnp.float32),
            pltpu.SemaphoreType.DMA,
            pltpu.SemaphoreType.DMA,
        ],
    )
    def deg_kernel(dst_hbm, ones_hbm, z_hbm, out_hbm, idx0, idx1, ones_v,
                   acc_sh, sem0, sem1):
        c = lax.axis_index("c")
        s = lax.axis_index("s")
        pltpu.sync_copy(z_hbm.at[pl.ds(s * RPT, RPT)],
                        acc_sh.at[pl.ds(s * RPT, RPT)])
        pltpu.sync_copy(ones_hbm, ones_v)
        plsc.subcore_barrier()
        base0 = (c * NS + s) * (CPT * CHUNK)
        idx = [idx0, idx1]
        sems = [sem0, sem1]
        pltpu.async_copy(dst_hbm.at[pl.ds(base0, CHUNK)], idx[0], sems[0])

        def body(g, carry):
            j0 = g * 2
            for b in range(2):
                j = j0 + b
                nb = 1 - b

                @pl.when(j + 1 < CPT)
                def _fire():
                    pltpu.async_copy(
                        dst_hbm.at[pl.ds(base0 + (j + 1) * CHUNK, CHUNK)],
                        idx[nb], sems[nb])

                pltpu.make_async_copy(
                    dst_hbm.at[pl.ds(base0 + j * CHUNK, CHUNK)],
                    idx[b], sems[b]).wait()
                pltpu.sync_copy(ones_v, acc_sh.at[idx[b]], add=True)
            return carry

        lax.fori_loop(0, CPT // 2, body, 0)
        plsc.subcore_barrier()
        pltpu.sync_copy(acc_sh.at[pl.ds(s * RPT, RPT)],
                        out_hbm.at[pl.ds(c * NPAD + s * RPT, RPT)])

    return deg_kernel(dst_flat, ones_row, zeros_nd)


_SRING = 4


def _sc_scatter(g, src_flat, dst2d, zeros_h):

    @functools.partial(
        pl.kernel,
        mesh=_sc_mesh(),
        out_type=jax.ShapeDtypeStruct((NC * NPAD, HH), jnp.float32),
        scratch_types=[
            pltpu.VMEM((CPT, CHUNK), jnp.int32),
        ] + [pltpu.VMEM((CHUNK,), jnp.int32)] * _SRING + [
            pltpu.VMEM((CHUNK, HH), jnp.float32),
            pltpu.VMEM((CHUNK, HH), jnp.float32),
            pltpu.VMEM_SHARED((NPAD, HH), jnp.float32),
        ] + [pltpu.SemaphoreType.DMA] * (_SRING + 4),
    )
    def msg_kernel(g_hbm, src_hbm, dst_hbm, z_hbm, out_hbm,
                   didx, si0, si1, si2, si3, rows0, rows1, acc_sh,
                   ss0, ss1, ss2, ss3, sem0, sem1, ts0, ts1):
        c = lax.axis_index("c")
        s = lax.axis_index("s")
        w = c * NS + s
        base0 = w * (CPT * CHUNK)
        pltpu.sync_copy(z_hbm.at[pl.ds(s * RPT, RPT)], acc_sh.at[pl.ds(s * RPT, RPT)])
        pltpu.sync_copy(dst_hbm.at[pl.ds(w * CPT, CPT)], didx)
        plsc.subcore_barrier()
        sidx = [si0, si1, si2, si3]
        ssems = [ss0, ss1, ss2, ss3]
        rows = [rows0, rows1]
        sems = [sem0, sem1]
        tsems = [ts0, ts1]

        def si_src(j):
            return src_hbm.at[pl.ds(base0 + j * CHUNK, CHUNK)]

        for k in range(_SRING - 1):
            pltpu.async_copy(si_src(k), sidx[k], ssems[k])
        pltpu.make_async_copy(si_src(0), sidx[0], ssems[0]).wait()
        pltpu.async_copy(g_hbm.at[sidx[0]], rows[0], sems[0])

        def body(g_, carry):
            j0 = g_ * _SRING
            for b in range(_SRING):
                j = j0 + b
                rb = b % 2
                nrb = 1 - rb
                nsb = (b + _SRING - 1) % _SRING

                @pl.when(j + _SRING - 1 < CPT)
                def _fire_sidx():
                    pltpu.async_copy(si_src(j + _SRING - 1), sidx[nsb],
                                     ssems[nsb])

                @pl.when(j + 1 < CPT)
                def _fire_gather():
                    @pl.when(j >= 1)
                    def _drain_prev_scatter():
                        pltpu.make_async_copy(
                            rows[nrb], acc_sh.at[didx.at[j - 1]],
                            tsems[nrb]).wait()

                    nb = (b + 1) % _SRING
                    pltpu.make_async_copy(si_src(j + 1), sidx[nb],
                                          ssems[nb]).wait()
                    pltpu.async_copy(g_hbm.at[sidx[nb]], rows[nrb], sems[nrb])

                pltpu.make_async_copy(g_hbm.at[sidx[b]], rows[rb],
                                      sems[rb]).wait()
                pltpu.async_copy(rows[rb], acc_sh.at[didx.at[j]], tsems[rb],
                                 add=True)
            return carry

        lax.fori_loop(0, CPT // _SRING, body, 0)
        pltpu.make_async_copy(rows[0], acc_sh.at[didx.at[CPT - 2]],
                              tsems[0]).wait()
        pltpu.make_async_copy(rows[1], acc_sh.at[didx.at[CPT - 1]],
                              tsems[1]).wait()
        plsc.subcore_barrier()
        pltpu.sync_copy(acc_sh.at[pl.ds(s * RPT, RPT)],
                        out_hbm.at[pl.ds(c * NPAD + s * RPT, RPT)])

    return msg_kernel(g, src_flat, dst2d, zeros_h)


def _sc_gather(table, idx_all):

    @functools.partial(
        pl.kernel,
        mesh=_sc_mesh(),
        out_type=jax.ShapeDtypeStruct((GIDX, HH), jnp.float32),
        scratch_types=[
            pltpu.VMEM((CHUNK,), jnp.int32),
            pltpu.VMEM((CHUNK,), jnp.int32),
            pltpu.VMEM((CHUNK, HH), jnp.float32),
            pltpu.VMEM((CHUNK, HH), jnp.float32),
            pltpu.SemaphoreType.DMA,
            pltpu.SemaphoreType.DMA,
        ],
    )
    def gather_kernel(tab_hbm, idx_hbm, out_hbm, idx0, idx1, rows0, rows1,
                      sem0, sem1):
        c = lax.axis_index("c")
        s = lax.axis_index("s")
        base0 = (c * NS + s) * GPT
        idx = [idx0, idx1]
        rows = [rows0, rows1]
        sems = [sem0, sem1]
        pltpu.sync_copy(idx_hbm.at[pl.ds(base0, CHUNK)], idx[0])
        pltpu.async_copy(tab_hbm.at[idx[0]], rows[0], sems[0])

        def body(g_, carry):
            j0 = g_ * 2
            for b in range(2):
                j = j0 + b
                nb = 1 - b

                @pl.when(j + 1 < GCH)
                def _fire():
                    bn = base0 + (j + 1) * CHUNK
                    pltpu.sync_copy(idx_hbm.at[pl.ds(bn, CHUNK)], idx[nb])
                    pltpu.async_copy(tab_hbm.at[idx[nb]], rows[nb], sems[nb])

                pltpu.make_async_copy(tab_hbm.at[idx[b]], rows[b], sems[b]).wait()
                pltpu.sync_copy(rows[b], out_hbm.at[pl.ds(base0 + j * CHUNK, CHUNK)])
            return carry

        lax.fori_loop(0, GCH // 2, body, 0)

    return gather_kernel(table, idx_all)



_ROWS = 1024


def _dot(a, b):
    return jnp.dot(a, b, preferred_element_type=jnp.float32,
                   precision=lax.Precision.HIGHEST)


def _tc_g_dinv(deg_pair, x_pad, W):

    def body(deg_ref, x_ref, w_ref, g_ref, dv_ref):
        dinv = lax.rsqrt(deg_ref[0] + deg_ref[1] + 1.0)
        g_ref[...] = _dot(x_ref[...], w_ref[...]) * dinv
        dv_ref[...] = dinv

    return pl.pallas_call(
        body,
        grid=(NPAD // _ROWS,),
        in_specs=[
            pl.BlockSpec((2, _ROWS, DW), lambda r: (0, r, 0)),
            pl.BlockSpec((_ROWS, HH), lambda r: (r, 0)),
            pl.BlockSpec((HH, HH), lambda r: (0, 0)),
        ],
        out_specs=[pl.BlockSpec((_ROWS, HH), lambda r: (r, 0))] * 2,
        out_shape=[jax.ShapeDtypeStruct((NPAD, HH), jnp.float32)] * 2,
    )(deg_pair, x_pad, W)


def _tc_layer2(p, g, dinvb, b2, W):

    def body(p_ref, g_ref, dv_ref, b_ref, w_ref, o_ref):
        acc = p_ref[0] + p_ref[1] + g_ref[...]
        fv = jnp.maximum(acc * dv_ref[...] + b_ref[...], 0.0)
        o_ref[...] = _dot(fv, w_ref[...]) * dv_ref[...]

    return pl.pallas_call(
        body,
        grid=(NPAD // _ROWS,),
        in_specs=[
            pl.BlockSpec((2, _ROWS, HH), lambda r: (0, r, 0)),
            pl.BlockSpec((_ROWS, HH), lambda r: (r, 0)),
            pl.BlockSpec((_ROWS, HH), lambda r: (r, 0)),
            pl.BlockSpec((1, HH), lambda r: (0, 0)),
            pl.BlockSpec((HH, HH), lambda r: (0, 0)),
        ],
        out_specs=pl.BlockSpec((_ROWS, HH), lambda r: (r, 0)),
        out_shape=jax.ShapeDtypeStruct((NPAD, HH), jnp.float32),
    )(p, g, dinvb, b2, W)


def _tc_out(p, g2, dinvb, b2):

    def body(p_ref, g_ref, dv_ref, b_ref, o_ref):
        o_ref[...] = ((p_ref[0] + p_ref[1] + g_ref[...]) * dv_ref[...]
                      + b_ref[...])

    return pl.pallas_call(
        body,
        grid=(NPAD // _ROWS,),
        in_specs=[
            pl.BlockSpec((2, _ROWS, HH), lambda r: (0, r, 0)),
            pl.BlockSpec((_ROWS, HH), lambda r: (r, 0)),
            pl.BlockSpec((_ROWS, HH), lambda r: (r, 0)),
            pl.BlockSpec((1, HH), lambda r: (0, 0)),
        ],
        out_specs=pl.BlockSpec((_ROWS, HH), lambda r: (r, 0)),
        out_shape=jax.ShapeDtypeStruct((NPAD, HH), jnp.float32),
    )(p, g2, dinvb, b2)


def _tc_resize(ctx_flat, lab, W_resize, br2):
    R = 1024

    def body(ctx_ref, lab_ref, w_ref, b_ref, o_ref):
        o_ref[...] = lab_ref[...] * (_dot(ctx_ref[...], w_ref[...]) + b_ref[...])

    return pl.pallas_call(
        body,
        grid=(LL // R,),
        in_specs=[
            pl.BlockSpec((R, CTX * HH), lambda r: (r, 0)),
            pl.BlockSpec((R, HH), lambda r: (r, 0)),
            pl.BlockSpec((CTX * HH, HH), lambda r: (0, 0)),
            pl.BlockSpec((1, HH), lambda r: (0, 0)),
        ],
        out_specs=pl.BlockSpec((R, HH), lambda r: (r, 0)),
        out_shape=jax.ShapeDtypeStruct((LL, HH), jnp.float32),
    )(ctx_flat, lab, W_resize, br2)




def kernel(x, edge_index, labeled_idx, context_idx, W_gcn, b_gcn, W_resize, b_resize):
    src = edge_index[0]
    dst = edge_index[1]
    pad_n = EPAD - EE
    fill = NN + (jnp.arange(pad_n, dtype=jnp.int32) % (NPAD - NN))
    src_f = jnp.concatenate([src, fill])
    dst_f = jnp.concatenate([dst, fill])
    x_pad = jnp.pad(x, ((0, NPAD - NN), (0, 0)))
    zH = jnp.zeros((NPAD, HH), jnp.float32)
    zND = jnp.zeros((NPAD, DW), jnp.float32)
    onesD = jnp.ones((CHUNK, DW), jnp.float32)
    b2 = b_gcn.reshape(1, HH)
    br2 = b_resize.reshape(1, HH)

    dst2 = dst_f.reshape(NW * CPT, CHUNK)

    deg_pair = _sc_degree(dst_f, onesD, zND).reshape(NC, NPAD, DW)
    g, dinvb = _tc_g_dinv(deg_pair, x_pad, W_gcn)
    p1 = _sc_scatter(g, src_f, dst2, zH).reshape(NC, NPAD, HH)
    g2 = _tc_layer2(p1, g, dinvb, b2, W_gcn)
    p2 = _sc_scatter(g2, src_f, dst2, zH).reshape(NC, NPAD, HH)
    out2 = _tc_out(p2, g2, dinvb, b2)
    idx_all = jnp.concatenate([context_idx.reshape(-1), labeled_idx])
    rows = _sc_gather(out2, idx_all)
    ctx_flat = rows[:LL * CTX].reshape(LL, CTX * HH)
    lab = rows[LL * CTX:]
    return _tc_resize(ctx_flat, lab, W_resize, br2)

# --- scband reference (transcript-rebuilt; emitter-appended) ---
"""Pipeline reference for scband-utango-85426899518009 (READ-ONLY COPY).

The authoritative reference and input builder live on the scoring server;
editing this copy changes nothing except your own understanding.
"""

import jax, jax.numpy as jnp
import numpy as np

N = 10000
E = 320000
H = 128
MAX_CTX = 5
L = 4096
GCN_LAYERS = 3


def gcn_conv(x, edge_index, W, b):
    n = x.shape[0]
    src = edge_index[0]
    dst = edge_index[1]
    loops = jnp.arange(n, dtype=src.dtype)
    src = jnp.concatenate([src, loops])
    dst = jnp.concatenate([dst, loops])
    deg = jax.ops.segment_sum(jnp.ones_like(dst, dtype=x.dtype), dst, num_segments=n)
    dinv = jnp.where(deg > 0, jax.lax.rsqrt(jnp.maximum(deg, 1e-12)), 0.0)
    norm = dinv[src] * dinv[dst]
    h = x @ W
    msgs = h[src] * norm[:, None]
    out = jax.ops.segment_sum(msgs, dst, num_segments=n)
    return out + b


def setup_inputs(seed: int = 0):
    key = jax.random.key(seed)
    ks = jax.random.split(key, 8)
    x = jax.random.normal(ks[0], (N, H), dtype=jnp.float32)
    edge_index = jax.random.randint(ks[1], (2, E), 0, N, dtype=jnp.int32)
    labeled_idx = jax.random.randint(ks[2], (L,), 0, N, dtype=jnp.int32)
    context_idx = jax.random.randint(ks[3], (L, MAX_CTX), 0, N, dtype=jnp.int32)
    W_gcn = jax.random.normal(ks[4], (H, H), dtype=jnp.float32) * (1.0 / np.sqrt(H))
    b_gcn = jnp.zeros((H,), dtype=jnp.float32)
    W_resize = jax.random.normal(ks[5], (H * MAX_CTX, H), dtype=jnp.float32) * 0.02
    b_resize = jnp.zeros((H,), dtype=jnp.float32)
    return {"x": x, "edge_index": edge_index, "labeled_idx": labeled_idx,
            "context_idx": context_idx, "W_gcn": W_gcn, "b_gcn": b_gcn,
            "W_resize": W_resize, "b_resize": b_resize}


def reference(x, edge_index, labeled_idx, context_idx, W_gcn, b_gcn, W_resize, b_resize):
    # Faithful to original control flow: first (gcn_layers-1) iterations each
    # recompute GCN from the ORIGINAL node features (bug preserved), relu applied;
    # dropout is identity at inference. Final pass runs GCN on last feature_vec.
    feature_vec = x
    for _ in range(GCN_LAYERS - 1):
        feature_vec = jax.nn.relu(gcn_conv(x, edge_index, W_gcn, b_gcn))
    feature_vec = gcn_conv(feature_vec, edge_index, W_gcn, b_gcn)
    # Context gather: each labeled node has MAX_CTX context node indices,
    # gathered embeddings are flattened and resized (Linear h*max_context -> h).
    ctx = feature_vec[context_idx]            # [L, MAX_CTX, H]
    ctx = ctx.reshape(L, MAX_CTX * H)
    ctx = ctx @ W_resize + b_resize           # [L, H]
    rep = feature_vec[labeled_idx] * ctx      # [L, H]
    # sklearn AgglomerativeClustering on rep is non-differentiable CPU post-
    # processing; the tensor program output is the stacked rep vectors.
    return rep

if __name__ == "__main__":
    import jax
    _d = setup_inputs()
    print(jax.jit(kernel)(*tuple(_d.values())))

</pallas_src>

<mosaic_0001>
#map = affine_map<(d0, d1) -> (0, 0)>
#map1 = affine_map<(d0, d1) -> (0)>
module attributes {stable_mosaic.version = 14 : i64} {
  func.func @msg_kernel(%arg0: i32, %arg1: i32, %arg2: memref<10240x128xf32, #tpu.memory_space<hbm>>, %arg3: memref<327680xi32, #tpu.memory_space<hbm>>, %arg4: memref<2560x128xi32, #tpu.memory_space<hbm>>, %arg5: memref<10240x128xf32, #tpu.memory_space<hbm>>, %arg6: memref<20480x128xf32, #tpu.memory_space<hbm>>, %arg7: memref<80x128xi32, #tpu.memory_space<vmem>>, %arg8: memref<128xi32, #tpu.memory_space<vmem>>, %arg9: memref<128xi32, #tpu.memory_space<vmem>>, %arg10: memref<128xi32, #tpu.memory_space<vmem>>, %arg11: memref<128xi32, #tpu.memory_space<vmem>>, %arg12: memref<128x128xf32, #tpu.memory_space<vmem>>, %arg13: memref<128x128xf32, #tpu.memory_space<vmem>>, %arg14: memref<10240x128xf32, #tpu.memory_space<vmem_shared>>, %arg15: memref<!tpu.dma_semaphore, #tpu.memory_space<semaphore_mem>>, %arg16: memref<!tpu.dma_semaphore, #tpu.memory_space<semaphore_mem>>, %arg17: memref<!tpu.dma_semaphore, #tpu.memory_space<semaphore_mem>>, %arg18: memref<!tpu.dma_semaphore, #tpu.memory_space<semaphore_mem>>, %arg19: memref<!tpu.dma_semaphore, #tpu.memory_space<semaphore_mem>>, %arg20: memref<!tpu.dma_semaphore, #tpu.memory_space<semaphore_mem>>, %arg21: memref<!tpu.dma_semaphore, #tpu.memory_space<semaphore_mem>>, %arg22: memref<!tpu.dma_semaphore, #tpu.memory_space<semaphore_mem>>) attributes {dimension_semantics = [#tpu.dimension_semantics<core_parallel>, #tpu.dimension_semantics<subcore_parallel>], iteration_bounds = array<i64: 2, 16>, scalar_prefetch = 0 : i64, scratch_operands = 16 : i64, tpu.core_type = #tpu.core_type<sc_vector_subcore>, window_params = [{transform_indices = #map}, {transform_indices = #map1}, {transform_indices = #map}, {transform_indices = #map}, {transform_indices = #map}]} {
    %mul3A = arith.constant 16 : i32
    %mul3A_0 = arith.muli %arg0, %mul3A : i32
    %add3A = arith.addi %mul3A_0, %arg1 : i32
    %mul3A_1 = arith.constant 10240 : i32
    %mul3A_2 = arith.muli %add3A, %mul3A_1 : i32
    %mul3A_3 = arith.constant 640 : i32
    %mul3A_4 = arith.muli %arg1, %mul3A_3 : i32
    %mul3A_5 = arith.constant 640 : i32
    %mul3A_6 = arith.muli %arg1, %mul3A_5 : i32
    "tpu.region"() ({
      %run_scoped3A = tpu.sem_alloc : memref<!tpu.dma_semaphore, #tpu.memory_space<semaphore_mem>>
      %dma_start3A_53 = arith.constant 0 : i32
      %dma_start3A_54 = tpu.memref_slice %arg14[%mul3A_6, %dma_start3A_53] : memref<10240x128xf32, #tpu.memory_space<vmem_shared>> -> memref<640x128xf32, #tpu.memory_space<vmem_shared>>
      %dma_start3A_55 = arith.constant 0 : i32
      %dma_start3A_56 = tpu.memref_slice %arg5[%mul3A_4, %dma_start3A_55] : memref<10240x128xf32, #tpu.memory_space<hbm>> -> memref<640x128xf32, #tpu.memory_space<hbm>>
      tpu.enqueue_dma source(%dma_start3A_56 : memref<640x128xf32, #tpu.memory_space<hbm>>) target(%dma_start3A_54 : memref<640x128xf32, #tpu.memory_space<vmem_shared>>) target_semaphore(%run_scoped3A : memref<!tpu.dma_semaphore, #tpu.memory_space<semaphore_mem>>)
      %dma_wait3A_57 = arith.constant 0 : i32
      %dma_wait3A_58 = tpu.memref_slice %arg14[%mul3A_6, %dma_wait3A_57] : memref<10240x128xf32, #tpu.memory_space<vmem_shared>> -> memref<640x128xf32, #tpu.memory_space<vmem_shared>>
      %dma_wait3A_59 = arith.constant 0 : i32
      %dma_wait3A_60 = tpu.memref_slice %arg5[%mul3A_4, %dma_wait3A_59] : memref<10240x128xf32, #tpu.memory_space<hbm>> -> memref<640x128xf32, #tpu.memory_space<hbm>>
      tpu.wait_dma2 semaphore(%run_scoped3A : memref<!tpu.dma_semaphore, #tpu.memory_space<semaphore_mem>>) src(%dma_wait3A_60 : memref<640x128xf32, #tpu.memory_space<hbm>>) dst(%dma_wait3A_58 : memref<640x128xf32, #tpu.memory_space<vmem_shared>>)
      tpu.yield
    }) : () -> ()
    %mul3A_7 = arith.constant 80 : i32
    %mul3A_8 = arith.muli %add3A, %mul3A_7 : i32
    "tpu.region"() ({
      %run_scoped3A = tpu.sem_alloc : memref<!tpu.dma_semaphore, #tpu.memory_space<semaphore_mem>>
      %dma_start3A_53 = arith.constant 0 : i32
      %dma_start3A_54 = tpu.memref_slice %arg4[%mul3A_8, %dma_start3A_53] : memref<2560x128xi32, #tpu.memory_space<hbm>> -> memref<80x128xi32, #tpu.memory_space<hbm>>
      %dma_start3A_55 = arith.constant 0 : i32
      %dma_start3A_56 = tpu.memref_slice %arg4[%mul3A_8, %dma_start3A_55] : memref<2560x128xi32, #tpu.memory_space<hbm>> -> memref<80x128xi32, #tpu.memory_space<hbm>>
      tpu.enqueue_dma source(%dma_start3A_56 : memref<80x128xi32, #tpu.memory_space<hbm>>) target(%arg7 : memref<80x128xi32, #tpu.memory_space<vmem>>) target_semaphore(%run_scoped3A : memref<!tpu.dma_semaphore, #tpu.memory_space<semaphore_mem>>)
      %dma_wait3A_57 = arith.constant 0 : i32
      %dma_wait3A_58 = tpu.memref_slice %arg4[%mul3A_8, %dma_wait3A_57] : memref<2560x128xi32, #tpu.memory_space<hbm>> -> memref<80x128xi32, #tpu.memory_space<hbm>>
      %dma_wait3A_59 = arith.constant 0 : i32
      %dma_wait3A_60 = tpu.memref_slice %arg4[%mul3A_8, %dma_wait3A_59] : memref<2560x128xi32, #tpu.memory_space<hbm>> -> memref<80x128xi32, #tpu.memory_space<hbm>>
      tpu.wait_dma2 semaphore(%run_scoped3A : memref<!tpu.dma_semaphore, #tpu.memory_space<semaphore_mem>>) src(%dma_wait3A_60 : memref<80x128xi32, #tpu.memory_space<hbm>>) dst(%arg7 : memref<80x128xi32, #tpu.memory_space<vmem>>)
      tpu.yield
    }) : () -> ()
    %barrier3A = arith.constant 0 : index
    tpu.barrier barrier_id(%barrier3A)
    %add3A_9 = arith.constant 0 : i32
    %add3A_10 = arith.addi %mul3A_2, %add3A_9 : i32
    %dma_start3A = tpu.memref_slice %arg3[%add3A_10] : memref<327680xi32, #tpu.memory_space<hbm>> -> memref<128xi32, #tpu.memory_space<hbm>>
    %dma_start3A_11 = tpu.memref_slice %arg3[%add3A_10] : memref<327680xi32, #tpu.memory_space<hbm>> -> memref<128xi32, #tpu.memory_space<hbm>>
    tpu.enqueue_dma source(%dma_start3A_11 : memref<128xi32, #tpu.memory_space<hbm>>) target(%arg8 : memref<128xi32, #tpu.memory_space<vmem>>) target_semaphore(%arg15 : memref<!tpu.dma_semaphore, #tpu.memory_space<semaphore_mem>>)
    %add3A_12 = arith.constant 128 : i32
    %add3A_13 = arith.addi %mul3A_2, %add3A_12 : i32
    %dma_start3A_14 = tpu.memref_slice %arg3[%add3A_13] : memref<327680xi32, #tpu.memory_space<hbm>> -> memref<128xi32, #tpu.memory_space<hbm>>
    %dma_start3A_15 = tpu.memref_slice %arg3[%add3A_13] : memref<327680xi32, #tpu.memory_space<hbm>> -> memref<128xi32, #tpu.memory_space<hbm>>
    tpu.enqueue_dma source(%dma_start3A_15 : memref<128xi32, #tpu.memory_space<hbm>>) target(%arg9 : memref<128xi32, #tpu.memory_space<vmem>>) target_semaphore(%arg16 : memref<!tpu.dma_semaphore, #tpu.memory_space<semaphore_mem>>)
    %add3A_16 = arith.constant 256 : i32
    %add3A_17 = arith.addi %mul3A_2, %add3A_16 : i32
    %dma_start3A_18 = tpu.memref_slice %arg3[%add3A_17] : memref<327680xi32, #tpu.memory_space<hbm>> -> memref<128xi32, #tpu.memory_space<hbm>>
    %dma_start3A_19 = tpu.memref_slice %arg3[%add3A_17] : memref<327680xi32, #tpu.memory_space<hbm>> -> memref<128xi32, #tpu.memory_space<hbm>>
    tpu.enqueue_dma source(%dma_start3A_19 : memref<128xi32, #tpu.memory_space<hbm>>) target(%arg10 : memref<128xi32, #tpu.memory_space<vmem>>) target_semaphore(%arg17 : memref<!tpu.dma_semaphore, #tpu.memory_space<semaphore_mem>>)
    %add3A_20 = arith.constant 0 : i32
    %add3A_21 = arith.addi %mul3A_2, %add3A_20 : i32
    %dma_wait3A = tpu.memref_slice %arg3[%add3A_21] : memref<327680xi32, #tpu.memory_space<hbm>> -> memref<128xi32, #tpu.memory_space<hbm>>
    %dma_wait3A_22 = tpu.memref_slice %arg3[%add3A_21] : memref<327680xi32, #tpu.memory_space<hbm>> -> memref<128xi32, #tpu.memory_space<hbm>>
    tpu.wait_dma2 semaphore(%arg15 : memref<!tpu.dma_semaphore, #tpu.memory_space<semaphore_mem>>) src(%dma_wait3A_22 : memref<128xi32, #tpu.memory_space<hbm>>) dst(%arg8 : memref<128xi32, #tpu.memory_space<vmem>>)
    %dma_start3A_23 = arith.constant 0 : i32
    %dma_start3A_24 = arith.constant 0 : i32
    %dma_start3A_25 = tpu.memref_slice %arg2[%dma_start3A_23, %dma_start3A_24] : memref<10240x128xf32, #tpu.memory_space<hbm>> -> memref<10240x128xf32, #tpu.memory_space<hbm>>
    tpu.enqueue_indirect_dma source(%dma_start3A_25 : memref<10240x128xf32, #tpu.memory_space<hbm>>) target(%arg12 : memref<128x128xf32, #tpu.memory_space<vmem>>) offsets(%arg8 : memref<128xi32, #tpu.memory_space<vmem>>) semaphore(%arg19 : memref<!tpu.dma_semaphore, #tpu.memory_space<semaphore_mem>>)
    %scan3A = arith.constant 0 : i32
    %scan3A_26 = arith.constant 0 : i32
    %scan3A_27 = arith.constant 20 : i32
    %scan3A_28 = arith.addi %scan3A_26, %scan3A_27 : i32
    %scan3A_29 = arith.constant 1 : i32
    scf.for %scan3A_53 = %scan3A_26 to %scan3A_28 step %scan3A_29  : i32 {
      %mul3A_54 = arith.constant 4 : i32
      %mul3A_55 = arith.muli %scan3A_53, %mul3A_54 : i32
      %add3A_56 = arith.constant 0 : i32
      %add3A_57 = arith.addi %mul3A_55, %add3A_56 : i32
      %add3A_58 = arith.constant 4 : i32
      %add3A_59 = arith.addi %add3A_57, %add3A_58 : i32
      %sub3A = arith.constant 1 : i32
      %sub3A_60 = arith.subi %add3A_59, %sub3A : i32
      %lt3A = arith.constant 80 : i32
      %lt3A_61 = arith.cmpi slt, %sub3A_60, %lt3A : i32
      %convert_element_type3A = arith.extui %lt3A_61 : i1 to i32
      %cond3A = arith.constant 0 : i32
      %cond3A_62 = arith.cmpi ne, %convert_element_type3A, %cond3A : i32
      scf.if %cond3A_62 {
        %add3A_160 = arith.constant 4 : i32
        %add3A_161 = arith.addi %add3A_57, %add3A_160 : i32
        %sub3A_162 = arith.constant 1 : i32
        %sub3A_163 = arith.subi %add3A_161, %sub3A_162 : i32
        %mul3A_164 = arith.constant 128 : i32
        %mul3A_165 = arith.muli %sub3A_163, %mul3A_164 : i32
        %add3A_166 = arith.addi %mul3A_2, %mul3A_165 : i32
        %dma_start3A_167 = tpu.memref_slice %arg3[%add3A_166] : memref<327680xi32, #tpu.memory_space<hbm>> -> memref<128xi32, #tpu.memory_space<hbm>>
        %dma_start3A_168 = tpu.memref_slice %arg3[%add3A_166] : memref<327680xi32, #tpu.memory_space<hbm>> -> memref<128xi32, #tpu.memory_space<hbm>>
        tpu.enqueue_dma source(%dma_start3A_168 : memref<128xi32, #tpu.memory_space<hbm>>) target(%arg11 : memref<128xi32, #tpu.memory_space<vmem>>) target_semaphore(%arg18 : memref<!tpu.dma_semaphore, #tpu.memory_space<semaphore_mem>>)
      } else {
      }
      %add3A_63 = arith.constant 1 : i32
      %add3A_64 = arith.addi %add3A_57, %add3A_63 : i32
      %lt3A_65 = arith.constant 80 : i32
      %lt3A_66 = arith.cmpi slt, %add3A_64, %lt3A_65 : i32
      %convert_element_type3A_67 = arith.extui %lt3A_66 : i1 to i32
      %cond3A_68 = arith.constant 0 : i32
      %cond3A_69 = arith.cmpi ne, %convert_element_type3A_67, %cond3A_68 : i32
      scf.if %cond3A_69 {
        %ge3A = arith.constant 1 : i32
        %ge3A_160 = arith.cmpi sge, %add3A_57, %ge3A : i32
        %convert_element_type3A_161 = arith.extui %ge3A_160 : i1 to i32
        %cond3A_162 = arith.constant 0 : i32
        %cond3A_163 = arith.cmpi ne, %convert_element_type3A_161, %cond3A_162 : i32
        scf.if %cond3A_163 {
          %sub3A_174 = arith.constant 1 : i32
          %sub3A_175 = arith.subi %add3A_57, %sub3A_174 : i32
          %dma_wait3A_176 = arith.constant 0 : i32
          %dma_wait3A_177 = tpu.memref_slice %arg7[%sub3A_175, %dma_wait3A_176] : memref<80x128xi32, #tpu.memory_space<vmem>> -> memref<1x128xi32, #tpu.memory_space<vmem>>
          %dma_wait3A_178 = tpu.memref_squeeze %dma_wait3A_177 : memref<1x128xi32, #tpu.memory_space<vmem>> -> memref<128xi32, #tpu.memory_space<vmem>>
          %dma_wait3A_179 = arith.constant 0 : i32
          %dma_wait3A_180 = arith.constant 0 : i32
          %dma_wait3A_181 = tpu.memref_slice %arg14[%dma_wait3A_179, %dma_wait3A_180] : memref<10240x128xf32, #tpu.memory_space<vmem_shared>> -> memref<10240x128xf32, #tpu.memory_space<vmem_shared>>
          tpu.wait_indirect_dma semaphore(%arg22 : memref<!tpu.dma_semaphore, #tpu.memory_space<semaphore_mem>>) src(%arg13 : memref<128x128xf32, #tpu.memory_space<vmem>>) dst(%dma_wait3A_181 : memref<10240x128xf32, #tpu.memory_space<vmem_shared>>)
        } else {
        }
        %add3A_164 = arith.constant 1 : i32
        %add3A_165 = arith.addi %add3A_57, %add3A_164 : i32
        %mul3A_166 = arith.constant 128 : i32
        %mul3A_167 = arith.muli %add3A_165, %mul3A_166 : i32
        %add3A_168 = arith.addi %mul3A_2, %mul3A_167 : i32
        %dma_wait3A_169 = tpu.memref_slice %arg3[%add3A_168] : memref<327680xi32, #tpu.memory_space<hbm>> -> memref<128xi32, #tpu.memory_space<hbm>>
        %dma_wait3A_170 = tpu.memref_slice %arg3[%add3A_168] : memref<327680xi32, #tpu.memory_space<hbm>> -> memref<128xi32, #tpu.memory_space<hbm>>
        tpu.wait_dma2 semaphore(%arg16 : memref<!tpu.dma_semaphore, #tpu.memory_space<semaphore_mem>>) src(%dma_wait3A_170 : memref<128xi32, #tpu.memory_space<hbm>>) dst(%arg9 : memref<128xi32, #tpu.memory_space<vmem>>)
        %dma_start3A_171 = arith.constant 0 : i32
        %dma_start3A_172 = arith.constant 0 : i32
        %dma_start3A_173 = tpu.memref_slice %arg2[%dma_start3A_171, %dma_start3A_172] : memref<10240x128xf32, #tpu.memory_space<hbm>> -> memref<10240x128xf32, #tpu.memory_space<hbm>>
        tpu.enqueue_indirect_dma source(%dma_start3A_173 : memref<10240x128xf32, #tpu.memory_space<hbm>>) target(%arg13 : memref<128x128xf32, #tpu.memory_space<vmem>>) offsets(%arg9 : memref<128xi32, #tpu.memory_space<vmem>>) semaphore(%arg20 : memref<!tpu.dma_semaphore, #tpu.memory_space<semaphore_mem>>)
      } else {
      }
      %dma_wait3A_70 = arith.constant 0 : i32
      %dma_wait3A_71 = arith.constant 0 : i32
      %dma_wait3A_72 = tpu.memref_slice %arg2[%dma_wait3A_70, %dma_wait3A_71] : memref<10240x128xf32, #tpu.memory_space<hbm>> -> memref<10240x128xf32, #tpu.memory_space<hbm>>
      tpu.wait_indirect_dma semaphore(%arg19 : memref<!tpu.dma_semaphore, #tpu.memory_space<semaphore_mem>>) src(%dma_wait3A_72 : memref<10240x128xf32, #tpu.memory_space<hbm>>) dst(%arg12 : memref<128x128xf32, #tpu.memory_space<vmem>>)
      %dma_start3A_73 = arith.constant 0 : i32
      %dma_start3A_74 = tpu.memref_slice %arg7[%add3A_57, %dma_start3A_73] : memref<80x128xi32, #tpu.memory_space<vmem>> -> memref<1x128xi32, #tpu.memory_space<vmem>>
      %dma_start3A_75 = tpu.memref_squeeze %dma_start3A_74 : memref<1x128xi32, #tpu.memory_space<vmem>> -> memref<128xi32, #tpu.memory_space<vmem>>
      %dma_start3A_76 = arith.constant 0 : i32
      %dma_start3A_77 = arith.constant 0 : i32
      %dma_start3A_78 = tpu.memref_slice %arg14[%dma_start3A_76, %dma_start3A_77] : memref<10240x128xf32, #tpu.memory_space<vmem_shared>> -> memref<10240x128xf32, #tpu.memory_space<vmem_shared>>
      tpu.enqueue_indirect_dma source(%arg12 : memref<128x128xf32, #tpu.memory_space<vmem>>) target(%dma_start3A_78 : memref<10240x128xf32, #tpu.memory_space<vmem_shared>>) offsets(%dma_start3A_75 : memref<128xi32, #tpu.memory_space<vmem>>) semaphore(%arg21 : memref<!tpu.dma_semaphore, #tpu.memory_space<semaphore_mem>>) {add = true}
      %add3A_79 = arith.constant 1 : i32
      %add3A_80 = arith.addi %mul3A_55, %add3A_79 : i32
      %add3A_81 = arith.constant 4 : i32
      %add3A_82 = arith.addi %add3A_80, %add3A_81 : i32
      %sub3A_83 = arith.constant 1 : i32
      %sub3A_84 = arith.subi %add3A_82, %sub3A_83 : i32
      %lt3A_85 = arith.constant 80 : i32
      %lt3A_86 = arith.cmpi slt, %sub3A_84, %lt3A_85 : i32
      %convert_element_type3A_87 = arith.extui %lt3A_86 : i1 to i32
      %cond3A_88 = arith.constant 0 : i32
      %cond3A_89 = arith.cmpi ne, %convert_element_type3A_87, %cond3A_88 : i32
      scf.if %cond3A_89 {
        %add3A_160 = arith.constant 4 : i32
        %add3A_161 = arith.addi %add3A_80, %add3A_160 : i32
        %sub3A_162 = arith.constant 1 : i32
        %sub3A_163 = arith.subi %add3A_161, %sub3A_162 : i32
        %mul3A_164 = arith.constant 128 : i32
        %mul3A_165 = arith.muli %sub3A_163, %mul3A_164 : i32
        %add3A_166 = arith.addi %mul3A_2, %mul3A_165 : i32
        %dma_start3A_167 = tpu.memref_slice %arg3[%add3A_166] : memref<327680xi32, #tpu.memory_space<hbm>> -> memref<128xi32, #tpu.memory_space<hbm>>
        %dma_start3A_168 = tpu.memref_slice %arg3[%add3A_166] : memref<327680xi32, #tpu.memory_space<hbm>> -> memref<128xi32, #tpu.memory_space<hbm>>
        tpu.enqueue_dma source(%dma_start3A_168 : memref<128xi32, #tpu.memory_space<hbm>>) target(%arg8 : memref<128xi32, #tpu.memory_space<vmem>>) target_semaphore(%arg15 : memref<!tpu.dma_semaphore, #tpu.memory_space<semaphore_mem>>)
      } else {
      }
      %add3A_90 = arith.constant 1 : i32
      %add3A_91 = arith.addi %add3A_80, %add3A_90 : i32
      %lt3A_92 = arith.constant 80 : i32
      %lt3A_93 = arith.cmpi slt, %add3A_91, %lt3A_92 : i32
      %convert_element_type3A_94 = arith.extui %lt3A_93 : i1 to i32
      %cond3A_95 = arith.constant 0 : i32
      %cond3A_96 = arith.cmpi ne, %convert_element_type3A_94, %cond3A_95 : i32
      scf.if %cond3A_96 {
        %ge3A = arith.constant 1 : i32
        %ge3A_160 = arith.cmpi sge, %add3A_80, %ge3A : i32
        %convert_element_type3A_161 = arith.extui %ge3A_160 : i1 to i32
        %cond3A_162 = arith.constant 0 : i32
        %cond3A_163 = arith.cmpi ne, %convert_element_type3A_161, %cond3A_162 : i32
        scf.if %cond3A_163 {
          %sub3A_174 = arith.constant 1 : i32
          %sub3A_175 = arith.subi %add3A_80, %sub3A_174 : i32
          %dma_wait3A_176 = arith.constant 0 : i32
          %dma_wait3A_177 = tpu.memref_slice %arg7[%sub3A_175, %dma_wait3A_176] : memref<80x128xi32, #tpu.memory_space<vmem>> -> memref<1x128xi32, #tpu.memory_space<vmem>>
          %dma_wait3A_178 = tpu.memref_squeeze %dma_wait3A_177 : memref<1x128xi32, #tpu.memory_space<vmem>> -> memref<128xi32, #tpu.memory_space<vmem>>
          %dma_wait3A_179 = arith.constant 0 : i32
          %dma_wait3A_180 = arith.constant 0 : i32
          %dma_wait3A_181 = tpu.memref_slice %arg14[%dma_wait3A_179, %dma_wait3A_180] : memref<10240x128xf32, #tpu.memory_space<vmem_shared>> -> memref<10240x128xf32, #tpu.memory_space<vmem_shared>>
          tpu.wait_indirect_dma semaphore(%arg21 : memref<!tpu.dma_semaphore, #tpu.memory_space<semaphore_mem>>) src(%arg12 : memref<128x128xf32, #tpu.memory_space<vmem>>) dst(%dma_wait3A_181 : memref<10240x128xf32, #tpu.memory_space<vmem_shared>>)
        } else {
        }
        %add3A_164 = arith.constant 1 : i32
        %add3A_165 = arith.addi %add3A_80, %add3A_164 : i32
        %mul3A_166 = arith.constant 128 : i32
        %mul3A_167 = arith.muli %add3A_165, %mul3A_166 : i32
        %add3A_168 = arith.addi %mul3A_2, %mul3A_167 : i32
        %dma_wait3A_169 = tpu.memref_slice %arg3[%add3A_168] : memref<327680xi32, #tpu.memory_space<hbm>> -> memref<128xi32, #tpu.memory_space<hbm>>
        %dma_wait3A_170 = tpu.memref_slice %arg3[%add3A_168] : memref<327680xi32, #tpu.memory_space<hbm>> -> memref<128xi32, #tpu.memory_space<hbm>>
        tpu.wait_dma2 semaphore(%arg17 : memref<!tpu.dma_semaphore, #tpu.memory_space<semaphore_mem>>) src(%dma_wait3A_170 : memref<128xi32, #tpu.memory_space<hbm>>) dst(%arg10 : memref<128xi32, #tpu.memory_space<vmem>>)
        %dma_start3A_171 = arith.constant 0 : i32
        %dma_start3A_172 = arith.constant 0 : i32
        %dma_start3A_173 = tpu.memref_slice %arg2[%dma_start3A_171, %dma_start3A_172] : memref<10240x128xf32, #tpu.memory_space<hbm>> -> memref<10240x128xf32, #tpu.memory_space<hbm>>
        tpu.enqueue_indirect_dma source(%dma_start3A_173 : memref<10240x128xf32, #tpu.memory_space<hbm>>) target(%arg12 : memref<128x128xf32, #tpu.memory_space<vmem>>) offsets(%arg10 : memref<128xi32, #tpu.memory_space<vmem>>) semaphore(%arg19 : memref<!tpu.dma_semaphore, #tpu.memory_space<semaphore_mem>>)
      } else {
      }
      %dma_wait3A_97 = arith.constant 0 : i32
      %dma_wait3A_98 = arith.constant 0 : i32
      %dma_wait3A_99 = tpu.memref_slice %arg2[%dma_wait3A_97, %dma_wait3A_98] : memref<10240x128xf32, #tpu.memory_space<hbm>> -> memref<10240x128xf32, #tpu.memory_space<hbm>>
      tpu.wait_indirect_dma semaphore(%arg20 : memref<!tpu.dma_semaphore, #tpu.memory_space<semaphore_mem>>) src(%dma_wait3A_99 : memref<10240x128xf32, #tpu.memory_space<hbm>>) dst(%arg13 : memref<128x128xf32, #tpu.memory_space<vmem>>)
      %dma_start3A_100 = arith.constant 0 : i32
      %dma_start3A_101 = tpu.memref_slice %arg7[%add3A_80, %dma_start3A_100] : memref<80x128xi32, #tpu.memory_space<vmem>> -> memref<1x128xi32, #tpu.memory_space<vmem>>
      %dma_start3A_102 = tpu.memref_squeeze %dma_start3A_101 : memref<1x128xi32, #tpu.memory_space<vmem>> -> memref<128xi32, #tpu.memory_space<vmem>>
      %dma_start3A_103 = arith.constant 0 : i32
      %dma_start3A_104 = arith.constant 0 : i32
      %dma_start3A_105 = tpu.memref_slice %arg14[%dma_start3A_103, %dma_start3A_104] : memref<10240x128xf32, #tpu.memory_space<vmem_shared>> -> memref<10240x128xf32, #tpu.memory_space<vmem_shared>>
      tpu.enqueue_indirect_dma source(%arg13 : memref<128x128xf32, #tpu.memory_space<vmem>>) target(%dma_start3A_105 : memref<10240x128xf32, #tpu.memory_space<vmem_shared>>) offsets(%dma_start3A_102 : memref<128xi32, #tpu.memory_space<vmem>>) semaphore(%arg22 : memref<!tpu.dma_semaphore, #tpu.memory_space<semaphore_mem>>) {add = true}
      %add3A_106 = arith.constant 2 : i32
      %add3A_107 = arith.addi %mul3A_55, %add3A_106 : i32
      %add3A_108 = arith.constant 4 : i32
      %add3A_109 = arith.addi %add3A_107, %add3A_108 : i32
      %sub3A_110 = arith.constant 1 : i32
      %sub3A_111 = arith.subi %add3A_109, %sub3A_110 : i32
      %lt3A_112 = arith.constant 80 : i32
      %lt3A_113 = arith.cmpi slt, %sub3A_111, %lt3A_112 : i32
      %convert_element_type3A_114 = arith.extui %lt3A_113 : i1 to i32
      %cond3A_115 = arith.constant 0 : i32
      %cond3A_116 = arith.cmpi ne, %convert_element_type3A_114, %cond3A_115 : i32
      scf.if %cond3A_116 {
        %add3A_160 = arith.constant 4 : i32
        %add3A_161 = arith.addi %add3A_107, %add3A_160 : i32
        %sub3A_162 = arith.constant 1 : i32
        %sub3A_163 = arith.subi %add3A_161, %sub3A_162 : i32
        %mul3A_164 = arith.constant 128 : i32
        %mul3A_165 = arith.muli %sub3A_163, %mul3A_164 : i32
        %add3A_166 = arith.addi %mul3A_2, %mul3A_165 : i32
        %dma_start3A_167 = tpu.memref_slice %arg3[%add3A_166] : memref<327680xi32, #tpu.memory_space<hbm>> -> memref<128xi32, #tpu.memory_space<hbm>>
        %dma_start3A_168 = tpu.memref_slice %arg3[%add3A_166] : memref<327680xi32, #tpu.memory_space<hbm>> -> memref<128xi32, #tpu.memory_space<hbm>>
        tpu.enqueue_dma source(%dma_start3A_168 : memref<128xi32, #tpu.memory_space<hbm>>) target(%arg9 : memref<128xi32, #tpu.memory_space<vmem>>) target_semaphore(%arg16 : memref<!tpu.dma_semaphore, #tpu.memory_space<semaphore_mem>>)
      } else {
      }
      %add3A_117 = arith.constant 1 : i32
      %add3A_118 = arith.addi %add3A_107, %add3A_117 : i32
      %lt3A_119 = arith.constant 80 : i32
      %lt3A_120 = arith.cmpi slt, %add3A_118, %lt3A_119 : i32
      %convert_element_type3A_121 = arith.extui %lt3A_120 : i1 to i32
      %cond3A_122 = arith.constant 0 : i32
      %cond3A_123 = arith.cmpi ne, %convert_element_type3A_121, %cond3A_122 : i32
      scf.if %cond3A_123 {
        %ge3A = arith.constant 1 : i32
        %ge3A_160 = arith.cmpi sge, %add3A_107, %ge3A : i32
        %convert_element_type3A_161 = arith.extui %ge3A_160 : i1 to i32
        %cond3A_162 = arith.constant 0 : i32
        %cond3A_163 = arith.cmpi ne, %convert_element_type3A_161, %cond3A_162 : i32
        scf.if %cond3A_163 {
          %sub3A_174 = arith.constant 1 : i32
          %sub3A_175 = arith.subi %add3A_107, %sub3A_174 : i32
          %dma_wait3A_176 = arith.constant 0 : i32
          %dma_wait3A_177 = tpu.memref_slice %arg7[%sub3A_175, %dma_wait3A_176] : memref<80x128xi32, #tpu.memory_space<vmem>> -> memref<1x128xi32, #tpu.memory_space<vmem>>
          %dma_wait3A_178 = tpu.memref_squeeze %dma_wait3A_177 : memref<1x128xi32, #tpu.memory_space<vmem>> -> memref<128xi32, #tpu.memory_space<vmem>>
          %dma_wait3A_179 = arith.constant 0 : i32
          %dma_wait3A_180 = arith.constant 0 : i32
          %dma_wait3A_181 = tpu.memref_slice %arg14[%dma_wait3A_179, %dma_wait3A_180] : memref<10240x128xf32, #tpu.memory_space<vmem_shared>> -> memref<10240x128xf32, #tpu.memory_space<vmem_shared>>
          tpu.wait_indirect_dma semaphore(%arg22 : memref<!tpu.dma_semaphore, #tpu.memory_space<semaphore_mem>>) src(%arg13 : memref<128x128xf32, #tpu.memory_space<vmem>>) dst(%dma_wait3A_181 : memref<10240x128xf32, #tpu.memory_space<vmem_shared>>)
        } else {
        }
        %add3A_164 = arith.constant 1 : i32
        %add3A_165 = arith.addi %add3A_107, %add3A_164 : i32
        %mul3A_166 = arith.constant 128 : i32
        %mul3A_167 = arith.muli %add3A_165, %mul3A_166 : i32
        %add3A_168 = arith.addi %mul3A_2, %mul3A_167 : i32
        %dma_wait3A_169 = tpu.memref_slice %arg3[%add3A_168] : memref<327680xi32, #tpu.memory_space<hbm>> -> memref<128xi32, #tpu.memory_space<hbm>>
        %dma_wait3A_170 = tpu.memref_slice %arg3[%add3A_168] : memref<327680xi32, #tpu.memory_space<hbm>> -> memref<128xi32, #tpu.memory_space<hbm>>
        tpu.wait_dma2 semaphore(%arg18 : memref<!tpu.dma_semaphore, #tpu.memory_space<semaphore_mem>>) src(%dma_wait3A_170 : memref<128xi32, #tpu.memory_space<hbm>>) dst(%arg11 : memref<128xi32, #tpu.memory_space<vmem>>)
        %dma_start3A_171 = arith.constant 0 : i32
        %dma_start3A_172 = arith.constant 0 : i32
        %dma_start3A_173 = tpu.memref_slice %arg2[%dma_start3A_171, %dma_start3A_172] : memref<10240x128xf32, #tpu.memory_space<hbm>> -> memref<10240x128xf32, #tpu.memory_space<hbm>>
        tpu.enqueue_indirect_dma source(%dma_start3A_173 : memref<10240x128xf32, #tpu.memory_space<hbm>>) target(%arg13 : memref<128x128xf32, #tpu.memory_space<vmem>>) offsets(%arg11 : memref<128xi32, #tpu.memory_space<vmem>>) semaphore(%arg20 : memref<!tpu.dma_semaphore, #tpu.memory_space<semaphore_mem>>)
      } else {
      }
      %dma_wait3A_124 = arith.constant 0 : i32
      %dma_wait3A_125 = arith.constant 0 : i32
      %dma_wait3A_126 = tpu.memref_slice %arg2[%dma_wait3A_124, %dma_wait3A_125] : memref<10240x128xf32, #tpu.memory_space<hbm>> -> memref<10240x128xf32, #tpu.memory_space<hbm>>
      tpu.wait_indirect_dma semaphore(%arg19 : memref<!tpu.dma_semaphore, #tpu.memory_space<semaphore_mem>>) src(%dma_wait3A_126 : memref<10240x128xf32, #tpu.memory_space<hbm>>) dst(%arg12 : memref<128x128xf32, #tpu.memory_space<vmem>>)
      %dma_start3A_127 = arith.constant 0 : i32
      %dma_start3A_128 = tpu.memref_slice %arg7[%add3A_107, %dma_start3A_127] : memref<80x128xi32, #tpu.memory_space<vmem>> -> memref<1x128xi32, #tpu.memory_space<vmem>>
      %dma_start3A_129 = tpu.memref_squeeze %dma_start3A_128 : memref<1x128xi32, #tpu.memory_space<vmem>> -> memref<128xi32, #tpu.memory_space<vmem>>
      %dma_start3A_130 = arith.constant 0 : i32
      %dma_start3A_131 = arith.constant 0 : i32
      %dma_start3A_132 = tpu.memref_slice %arg14[%dma_start3A_130, %dma_start3A_131] : memref<10240x128xf32, #tpu.memory_space<vmem_shared>> -> memref<10240x128xf32, #tpu.memory_space<vmem_shared>>
      tpu.enqueue_indirect_dma source(%arg12 : memref<128x128xf32, #tpu.memory_space<vmem>>) target(%dma_start3A_132 : memref<10240x128xf32, #tpu.memory_space<vmem_shared>>) offsets(%dma_start3A_129 : memref<128xi32, #tpu.memory_space<vmem>>) semaphore(%arg21 : memref<!tpu.dma_semaphore, #tpu.memory_space<semaphore_mem>>) {add = true}
      %add3A_133 = arith.constant 3 : i32
      %add3A_134 = arith.addi %mul3A_55, %add3A_133 : i32
      %add3A_135 = arith.constant 4 : i32
      %add3A_136 = arith.addi %add3A_134, %add3A_135 : i32
      %sub3A_137 = arith.constant 1 : i32
      %sub3A_138 = arith.subi %add3A_136, %sub3A_137 : i32
      %lt3A_139 = arith.constant 80 : i32
      %lt3A_140 = arith.cmpi slt, %sub3A_138, %lt3A_139 : i32
      %convert_element_type3A_141 = arith.extui %lt3A_140 : i1 to i32
      %cond3A_142 = arith.constant 0 : i32
      %cond3A_143 = arith.cmpi ne, %convert_element_type3A_141, %cond3A_142 : i32
      scf.if %cond3A_143 {
        %add3A_160 = arith.constant 4 : i32
        %add3A_161 = arith.addi %add3A_134, %add3A_160 : i32
        %sub3A_162 = arith.constant 1 : i32
        %sub3A_163 = arith.subi %add3A_161, %sub3A_162 : i32
        %mul3A_164 = arith.constant 128 : i32
        %mul3A_165 = arith.muli %sub3A_163, %mul3A_164 : i32
        %add3A_166 = arith.addi %mul3A_2, %mul3A_165 : i32
        %dma_start3A_167 = tpu.memref_slice %arg3[%add3A_166] : memref<327680xi32, #tpu.memory_space<hbm>> -> memref<128xi32, #tpu.memory_space<hbm>>
        %dma_start3A_168 = tpu.memref_slice %arg3[%add3A_166] : memref<327680xi32, #tpu.memory_space<hbm>> -> memref<128xi32, #tpu.memory_space<hbm>>
        tpu.enqueue_dma source(%dma_start3A_168 : memref<128xi32, #tpu.memory_space<hbm>>) target(%arg10 : memref<128xi32, #tpu.memory_space<vmem>>) target_semaphore(%arg17 : memref<!tpu.dma_semaphore, #tpu.memory_space<semaphore_mem>>)
      } else {
      }
      %add3A_144 = arith.constant 1 : i32
      %add3A_145 = arith.addi %add3A_134, %add3A_144 : i32
      %lt3A_146 = arith.constant 80 : i32
      %lt3A_147 = arith.cmpi slt, %add3A_145, %lt3A_146 : i32
      %convert_element_type3A_148 = arith.extui %lt3A_147 : i1 to i32
      %cond3A_149 = arith.constant 0 : i32
      %cond3A_150 = arith.cmpi ne, %convert_element_type3A_148, %cond3A_149 : i32
      scf.if %cond3A_150 {
        %ge3A = arith.constant 1 : i32
        %ge3A_160 = arith.cmpi sge, %add3A_134, %ge3A : i32
        %convert_element_type3A_161 = arith.extui %ge3A_160 : i1 to i32
        %cond3A_162 = arith.constant 0 : i32
        %cond3A_163 = arith.cmpi ne, %convert_element_type3A_161, %cond3A_162 : i32
        scf.if %cond3A_163 {
          %sub3A_174 = arith.constant 1 : i32
          %sub3A_175 = arith.subi %add3A_134, %sub3A_174 : i32
          %dma_wait3A_176 = arith.constant 0 : i32
          %dma_wait3A_177 = tpu.memref_slice %arg7[%sub3A_175, %dma_wait3A_176] : memref<80x128xi32, #tpu.memory_space<vmem>> -> memref<1x128xi32, #tpu.memory_space<vmem>>
          %dma_wait3A_178 = tpu.memref_squeeze %dma_wait3A_177 : memref<1x128xi32, #tpu.memory_space<vmem>> -> memref<128xi32, #tpu.memory_space<vmem>>
          %dma_wait3A_179 = arith.constant 0 : i32
          %dma_wait3A_180 = arith.constant 0 : i32
          %dma_wait3A_181 = tpu.memref_slice %arg14[%dma_wait3A_179, %dma_wait3A_180] : memref<10240x128xf32, #tpu.memory_space<vmem_shared>> -> memref<10240x128xf32, #tpu.memory_space<vmem_shared>>
          tpu.wait_indirect_dma semaphore(%arg21 : memref<!tpu.dma_semaphore, #tpu.memory_space<semaphore_mem>>) src(%arg12 : memref<128x128xf32, #tpu.memory_space<vmem>>) dst(%dma_wait3A_181 : memref<10240x128xf32, #tpu.memory_space<vmem_shared>>)
        } else {
        }
        %add3A_164 = arith.constant 1 : i32
        %add3A_165 = arith.addi %add3A_134, %add3A_164 : i32
        %mul3A_166 = arith.constant 128 : i32
        %mul3A_167 = arith.muli %add3A_165, %mul3A_166 : i32
        %add3A_168 = arith.addi %mul3A_2, %mul3A_167 : i32
        %dma_wait3A_169 = tpu.memref_slice %arg3[%add3A_168] : memref<327680xi32, #tpu.memory_space<hbm>> -> memref<128xi32, #tpu.memory_space<hbm>>
        %dma_wait3A_170 = tpu.memref_slice %arg3[%add3A_168] : memref<327680xi32, #tpu.memory_space<hbm>> -> memref<128xi32, #tpu.memory_space<hbm>>
        tpu.wait_dma2 semaphore(%arg15 : memref<!tpu.dma_semaphore, #tpu.memory_space<semaphore_mem>>) src(%dma_wait3A_170 : memref<128xi32, #tpu.memory_space<hbm>>) dst(%arg8 : memref<128xi32, #tpu.memory_space<vmem>>)
        %dma_start3A_171 = arith.constant 0 : i32
        %dma_start3A_172 = arith.constant 0 : i32
        %dma_start3A_173 = tpu.memref_slice %arg2[%dma_start3A_171, %dma_start3A_172] : memref<10240x128xf32, #tpu.memory_space<hbm>> -> memref<10240x128xf32, #tpu.memory_space<hbm>>
        tpu.enqueue_indirect_dma source(%dma_start3A_173 : memref<10240x128xf32, #tpu.memory_space<hbm>>) target(%arg12 : memref<128x128xf32, #tpu.memory_space<vmem>>) offsets(%arg8 : memref<128xi32, #tpu.memory_space<vmem>>) semaphore(%arg19 : memref<!tpu.dma_semaphore, #tpu.memory_space<semaphore_mem>>)
      } else {
      }
      %dma_wait3A_151 = arith.constant 0 : i32
      %dma_wait3A_152 = arith.constant 0 : i32
      %dma_wait3A_153 = tpu.memref_slice %arg2[%dma_wait3A_151, %dma_wait3A_152] : memref<10240x128xf32, #tpu.memory_space<hbm>> -> memref<10240x128xf32, #tpu.memory_space<hbm>>
      tpu.wait_indirect_dma semaphore(%arg20 : memref<!tpu.dma_semaphore, #tpu.memory_space<semaphore_mem>>) src(%dma_wait3A_153 : memref<10240x128xf32, #tpu.memory_space<hbm>>) dst(%arg13 : memref<128x128xf32, #tpu.memory_space<vmem>>)
      %dma_start3A_154 = arith.constant 0 : i32
      %dma_start3A_155 = tpu.memref_slice %arg7[%add3A_134, %dma_start3A_154] : memref<80x128xi32, #tpu.memory_space<vmem>> -> memref<1x128xi32, #tpu.memory_space<vmem>>
      %dma_start3A_156 = tpu.memref_squeeze %dma_start3A_155 : memref<1x128xi32, #tpu.memory_space<vmem>> -> memref<128xi32, #tpu.memory_space<vmem>>
      %dma_start3A_157 = arith.constant 0 : i32
      %dma_start3A_158 = arith.constant 0 : i32
      %dma_start3A_159 = tpu.memref_slice %arg14[%dma_start3A_157, %dma_start3A_158] : memref<10240x128xf32, #tpu.memory_space<vmem_shared>> -> memref<10240x128xf32, #tpu.memory_space<vmem_shared>>
      tpu.enqueue_indirect_dma source(%arg13 : memref<128x128xf32, #tpu.memory_space<vmem>>) target(%dma_start3A_159 : memref<10240x128xf32, #tpu.memory_space<vmem_shared>>) offsets(%dma_start3A_156 : memref<128xi32, #tpu.memory_space<vmem>>) semaphore(%arg22 : memref<!tpu.dma_semaphore, #tpu.memory_space<semaphore_mem>>) {add = true}
    }
    %scan3A_30 = arith.constant 20 : i32
    %dma_wait3A_31 = arith.constant 78 : i32
    %dma_wait3A_32 = arith.constant 0 : i32
    %dma_wait3A_33 = tpu.memref_slice %arg7[%dma_wait3A_31, %dma_wait3A_32] : memref<80x128xi32, #tpu.memory_space<vmem>> -> memref<1x128xi32, #tpu.memory_space<vmem>>
    %dma_wait3A_34 = tpu.memref_squeeze %dma_wait3A_33 : memref<1x128xi32, #tpu.memory_space<vmem>> -> memref<128xi32, #tpu.memory_space<vmem>>
    %dma_wait3A_35 = arith.constant 0 : i32
    %dma_wait3A_36 = arith.constant 0 : i32
    %dma_wait3A_37 = tpu.memref_slice %arg14[%dma_wait3A_35, %dma_wait3A_36] : memref<10240x128xf32, #tpu.memory_space<vmem_shared>> -> memref<10240x128xf32, #tpu.memory_space<vmem_shared>>
    tpu.wait_indirect_dma semaphore(%arg21 : memref<!tpu.dma_semaphore, #tpu.memory_space<semaphore_mem>>) src(%arg12 : memref<128x128xf32, #tpu.memory_space<vmem>>) dst(%dma_wait3A_37 : memref<10240x128xf32, #tpu.memory_space<vmem_shared>>)
    %dma_wait3A_38 = arith.constant 79 : i32
    %dma_wait3A_39 = arith.constant 0 : i32
    %dma_wait3A_40 = tpu.memref_slice %arg7[%dma_wait3A_38, %dma_wait3A_39] : memref<80x128xi32, #tpu.memory_space<vmem>> -> memref<1x128xi32, #tpu.memory_space<vmem>>
    %dma_wait3A_41 = tpu.memref_squeeze %dma_wait3A_40 : memref<1x128xi32, #tpu.memory_space<vmem>> -> memref<128xi32, #tpu.memory_space<vmem>>
    %dma_wait3A_42 = arith.constant 0 : i32
    %dma_wait3A_43 = arith.constant 0 : i32
    %dma_wait3A_44 = tpu.memref_slice %arg14[%dma_wait3A_42, %dma_wait3A_43] : memref<10240x128xf32, #tpu.memory_space<vmem_shared>> -> memref<10240x128xf32, #tpu.memory_space<vmem_shared>>
    tpu.wait_indirect_dma semaphore(%arg22 : memref<!tpu.dma_semaphore, #tpu.memory_space<semaphore_mem>>) src(%arg13 : memref<128x128xf32, #tpu.memory_space<vmem>>) dst(%dma_wait3A_44 : memref<10240x128xf32, #tpu.memory_space<vmem_shared>>)
    %barrier3A_45 = arith.constant 0 : index
    tpu.barrier barrier_id(%barrier3A_45)
    %mul3A_46 = arith.constant 640 : i32
    %mul3A_47 = arith.muli %arg1, %mul3A_46 : i32
    %mul3A_48 = arith.constant 10240 : i32
    %mul3A_49 = arith.muli %arg0, %mul3A_48 : i32
    %mul3A_50 = arith.constant 640 : i32
    %mul3A_51 = arith.muli %arg1, %mul3A_50 : i32
    %add3A_52 = arith.addi %mul3A_49, %mul3A_51 : i32
    "tpu.region"() ({
      %run_scoped3A = tpu.sem_alloc : memref<!tpu.dma_semaphore, #tpu.memory_space<semaphore_mem>>
      %dma_start3A_53 = arith.constant 0 : i32
      %dma_start3A_54 = tpu.memref_slice %arg6[%add3A_52, %dma_start3A_53] : memref<20480x128xf32, #tpu.memory_space<hbm>> -> memref<640x128xf32, #tpu.memory_space<hbm>>
      %dma_start3A_55 = arith.constant 0 : i32
      %dma_start3A_56 = tpu.memref_slice %arg14[%mul3A_47, %dma_start3A_55] : memref<10240x128xf32, #tpu.memory_space<vmem_shared>> -> memref<640x128xf32, #tpu.memory_space<vmem_shared>>
      tpu.enqueue_dma source(%dma_start3A_56 : memref<640x128xf32, #tpu.memory_space<vmem_shared>>) target(%dma_start3A_54 : memref<640x128xf32, #tpu.memory_space<hbm>>) target_semaphore(%run_scoped3A : memref<!tpu.dma_semaphore, #tpu.memory_space<semaphore_mem>>)
      %dma_wait3A_57 = arith.constant 0 : i32
      %dma_wait3A_58 = tpu.memref_slice %arg6[%add3A_52, %dma_wait3A_57] : memref<20480x128xf32, #tpu.memory_space<hbm>> -> memref<640x128xf32, #tpu.memory_space<hbm>>
      %dma_wait3A_59 = arith.constant 0 : i32
      %dma_wait3A_60 = tpu.memref_slice %arg14[%mul3A_47, %dma_wait3A_59] : memref<10240x128xf32, #tpu.memory_space<vmem_shared>> -> memref<640x128xf32, #tpu.memory_space<vmem_shared>>
      tpu.wait_dma2 semaphore(%run_scoped3A : memref<!tpu.dma_semaphore, #tpu.memory_space<semaphore_mem>>) src(%dma_wait3A_60 : memref<640x128xf32, #tpu.memory_space<vmem_shared>>) dst(%dma_wait3A_58 : memref<640x128xf32, #tpu.memory_space<hbm>>)
      tpu.yield
    }) : () -> ()
    return
  }
}

#map = affine_map<(d0, d1) -> (0)>
#map1 = affine_map<(d0, d1) -> (0, 0)>
module attributes {stable_mosaic.version = 14 : i64} {
  func.func @deg_kernel(%arg0: i32, %arg1: i32, %arg2: memref<327680xi32, #tpu.memory_space<hbm>>, %arg3: memref<128x128xf32, #tpu.memory_space<hbm>>, %arg4: memref<10240x128xf32, #tpu.memory_space<hbm>>, %arg5: memref<20480x128xf32, #tpu.memory_space<hbm>>, %arg6: memref<128xi32, #tpu.memory_space<vmem>>, %arg7: memref<128xi32, #tpu.memory_space<vmem>>, %arg8: memref<128x128xf32, #tpu.memory_space<vmem>>, %arg9: memref<10240x128xf32, #tpu.memory_space<vmem_shared>>, %arg10: memref<!tpu.dma_semaphore, #tpu.memory_space<semaphore_mem>>, %arg11: memref<!tpu.dma_semaphore, #tpu.memory_space<semaphore_mem>>) attributes {dimension_semantics = [#tpu.dimension_semantics<core_parallel>, #tpu.dimension_semantics<subcore_parallel>], iteration_bounds = array<i64: 2, 16>, scalar_prefetch = 0 : i64, scratch_operands = 6 : i64, tpu.core_type = #tpu.core_type<sc_vector_subcore>, window_params = [{transform_indices = #map}, {transform_indices = #map1}, {transform_indices = #map1}, {transform_indices = #map1}]} {
    %mul3A = arith.constant 640 : i32
    %mul3A_0 = arith.muli %arg1, %mul3A : i32
    %mul3A_1 = arith.constant 640 : i32
    %mul3A_2 = arith.muli %arg1, %mul3A_1 : i32
    "tpu.region"() ({
      %run_scoped3A = tpu.sem_alloc : memref<!tpu.dma_semaphore, #tpu.memory_space<semaphore_mem>>
      %dma_start3A_21 = arith.constant 0 : i32
      %dma_start3A_22 = tpu.memref_slice %arg9[%mul3A_2, %dma_start3A_21] : memref<10240x128xf32, #tpu.memory_space<vmem_shared>> -> memref<640x128xf32, #tpu.memory_space<vmem_shared>>
      %dma_start3A_23 = arith.constant 0 : i32
      %dma_start3A_24 = tpu.memref_slice %arg4[%mul3A_0, %dma_start3A_23] : memref<10240x128xf32, #tpu.memory_space<hbm>> -> memref<640x128xf32, #tpu.memory_space<hbm>>
      tpu.enqueue_dma source(%dma_start3A_24 : memref<640x128xf32, #tpu.memory_space<hbm>>) target(%dma_start3A_22 : memref<640x128xf32, #tpu.memory_space<vmem_shared>>) target_semaphore(%run_scoped3A : memref<!tpu.dma_semaphore, #tpu.memory_space<semaphore_mem>>)
      %dma_wait3A = arith.constant 0 : i32
      %dma_wait3A_25 = tpu.memref_slice %arg9[%mul3A_2, %dma_wait3A] : memref<10240x128xf32, #tpu.memory_space<vmem_shared>> -> memref<640x128xf32, #tpu.memory_space<vmem_shared>>
      %dma_wait3A_26 = arith.constant 0 : i32
      %dma_wait3A_27 = tpu.memref_slice %arg4[%mul3A_0, %dma_wait3A_26] : memref<10240x128xf32, #tpu.memory_space<hbm>> -> memref<640x128xf32, #tpu.memory_space<hbm>>
      tpu.wait_dma2 semaphore(%run_scoped3A : memref<!tpu.dma_semaphore, #tpu.memory_space<semaphore_mem>>) src(%dma_wait3A_27 : memref<640x128xf32, #tpu.memory_space<hbm>>) dst(%dma_wait3A_25 : memref<640x128xf32, #tpu.memory_space<vmem_shared>>)
      tpu.yield
    }) : () -> ()
    "tpu.region"() ({
      %run_scoped3A = tpu.sem_alloc : memref<!tpu.dma_semaphore, #tpu.memory_space<semaphore_mem>>
      tpu.enqueue_dma source(%arg3 : memref<128x128xf32, #tpu.memory_space<hbm>>) target(%arg8 : memref<128x128xf32, #tpu.memory_space<vmem>>) target_semaphore(%run_scoped3A : memref<!tpu.dma_semaphore, #tpu.memory_space<semaphore_mem>>)
      tpu.wait_dma2 semaphore(%run_scoped3A : memref<!tpu.dma_semaphore, #tpu.memory_space<semaphore_mem>>) src(%arg3 : memref<128x128xf32, #tpu.memory_space<hbm>>) dst(%arg8 : memref<128x128xf32, #tpu.memory_space<vmem>>)
      tpu.yield
    }) : () -> ()
    %barrier3A = arith.constant 0 : index
    tpu.barrier barrier_id(%barrier3A)
    %mul3A_3 = arith.constant 16 : i32
    %mul3A_4 = arith.muli %arg0, %mul3A_3 : i32
    %add3A = arith.addi %mul3A_4, %arg1 : i32
    %mul3A_5 = arith.constant 10240 : i32
    %mul3A_6 = arith.muli %add3A, %mul3A_5 : i32
    %dma_start3A = tpu.memref_slice %arg2[%mul3A_6] : memref<327680xi32, #tpu.memory_space<hbm>> -> memref<128xi32, #tpu.memory_space<hbm>>
    %dma_start3A_7 = tpu.memref_slice %arg2[%mul3A_6] : memref<327680xi32, #tpu.memory_space<hbm>> -> memref<128xi32, #tpu.memory_space<hbm>>
    tpu.enqueue_dma source(%dma_start3A_7 : memref<128xi32, #tpu.memory_space<hbm>>) target(%arg6 : memref<128xi32, #tpu.memory_space<vmem>>) target_semaphore(%arg10 : memref<!tpu.dma_semaphore, #tpu.memory_space<semaphore_mem>>)
    %scan3A = arith.constant 0 : i32
    %scan3A_8 = arith.constant 0 : i32
    %scan3A_9 = arith.constant 40 : i32
    %scan3A_10 = arith.addi %scan3A_8, %scan3A_9 : i32
    %scan3A_11 = arith.constant 1 : i32
    scf.for %scan3A_21 = %scan3A_8 to %scan3A_10 step %scan3A_11  : i32 {
      %mul3A_22 = arith.constant 2 : i32
      %mul3A_23 = arith.muli %scan3A_21, %mul3A_22 : i32
      %add3A_24 = arith.constant 0 : i32
      %add3A_25 = arith.addi %mul3A_23, %add3A_24 : i32
      %add3A_26 = arith.constant 1 : i32
      %add3A_27 = arith.addi %add3A_25, %add3A_26 : i32
      %lt3A = arith.constant 80 : i32
      %lt3A_28 = arith.cmpi slt, %add3A_27, %lt3A : i32
      %convert_element_type3A = arith.extui %lt3A_28 : i1 to i32
      %cond3A = arith.constant 0 : i32
      %cond3A_29 = arith.cmpi ne, %convert_element_type3A, %cond3A : i32
      scf.if %cond3A_29 {
        %add3A_48 = arith.constant 1 : i32
        %add3A_49 = arith.addi %add3A_25, %add3A_48 : i32
        %mul3A_50 = arith.constant 128 : i32
        %mul3A_51 = arith.muli %add3A_49, %mul3A_50 : i32
        %add3A_52 = arith.addi %mul3A_6, %mul3A_51 : i32
        %dma_start3A_53 = tpu.memref_slice %arg2[%add3A_52] : memref<327680xi32, #tpu.memory_space<hbm>> -> memref<128xi32, #tpu.memory_space<hbm>>
        %dma_start3A_54 = tpu.memref_slice %arg2[%add3A_52] : memref<327680xi32, #tpu.memory_space<hbm>> -> memref<128xi32, #tpu.memory_space<hbm>>
        tpu.enqueue_dma source(%dma_start3A_54 : memref<128xi32, #tpu.memory_space<hbm>>) target(%arg7 : memref<128xi32, #tpu.memory_space<vmem>>) target_semaphore(%arg11 : memref<!tpu.dma_semaphore, #tpu.memory_space<semaphore_mem>>)
      } else {
      }
      %mul3A_30 = arith.constant 128 : i32
      %mul3A_31 = arith.muli %add3A_25, %mul3A_30 : i32
      %add3A_32 = arith.addi %mul3A_6, %mul3A_31 : i32
      %dma_wait3A = tpu.memref_slice %arg2[%add3A_32] : memref<327680xi32, #tpu.memory_space<hbm>> -> memref<128xi32, #tpu.memory_space<hbm>>
      %dma_wait3A_33 = tpu.memref_slice %arg2[%add3A_32] : memref<327680xi32, #tpu.memory_space<hbm>> -> memref<128xi32, #tpu.memory_space<hbm>>
      tpu.wait_dma2 semaphore(%arg10 : memref<!tpu.dma_semaphore, #tpu.memory_space<semaphore_mem>>) src(%dma_wait3A_33 : memref<128xi32, #tpu.memory_space<hbm>>) dst(%arg6 : memref<128xi32, #tpu.memory_space<vmem>>)
      "tpu.region"() ({
        %run_scoped3A = tpu.sem_alloc : memref<!tpu.dma_semaphore, #tpu.memory_space<semaphore_mem>>
        %dma_start3A_48 = arith.constant 0 : i32
        %dma_start3A_49 = arith.constant 0 : i32
        %dma_start3A_50 = tpu.memref_slice %arg9[%dma_start3A_48, %dma_start3A_49] : memref<10240x128xf32, #tpu.memory_space<vmem_shared>> -> memref<10240x128xf32, #tpu.memory_space<vmem_shared>>
        tpu.enqueue_indirect_dma source(%arg8 : memref<128x128xf32, #tpu.memory_space<vmem>>) target(%dma_start3A_50 : memref<10240x128xf32, #tpu.memory_space<vmem_shared>>) offsets(%arg6 : memref<128xi32, #tpu.memory_space<vmem>>) semaphore(%run_scoped3A : memref<!tpu.dma_semaphore, #tpu.memory_space<semaphore_mem>>) {add = true}
        %dma_wait3A_51 = arith.constant 0 : i32
        %dma_wait3A_52 = arith.constant 0 : i32
        %dma_wait3A_53 = tpu.memref_slice %arg9[%dma_wait3A_51, %dma_wait3A_52] : memref<10240x128xf32, #tpu.memory_space<vmem_shared>> -> memref<10240x128xf32, #tpu.memory_space<vmem_shared>>
        tpu.wait_indirect_dma semaphore(%run_scoped3A : memref<!tpu.dma_semaphore, #tpu.memory_space<semaphore_mem>>) src(%arg8 : memref<128x128xf32, #tpu.memory_space<vmem>>) dst(%dma_wait3A_53 : memref<10240x128xf32, #tpu.memory_space<vmem_shared>>)
        tpu.yield
      }) : () -> ()
      %add3A_34 = arith.constant 1 : i32
      %add3A_35 = arith.addi %mul3A_23, %add3A_34 : i32
      %add3A_36 = arith.constant 1 : i32
      %add3A_37 = arith.addi %add3A_35, %add3A_36 : i32
      %lt3A_38 = arith.constant 80 : i32
      %lt3A_39 = arith.cmpi slt, %add3A_37, %lt3A_38 : i32
      %convert_element_type3A_40 = arith.extui %lt3A_39 : i1 to i32
      %cond3A_41 = arith.constant 0 : i32
      %cond3A_42 = arith.cmpi ne, %convert_element_type3A_40, %cond3A_41 : i32
      scf.if %cond3A_42 {
        %add3A_48 = arith.constant 1 : i32
        %add3A_49 = arith.addi %add3A_35, %add3A_48 : i32
        %mul3A_50 = arith.constant 128 : i32
        %mul3A_51 = arith.muli %add3A_49, %mul3A_50 : i32
        %add3A_52 = arith.addi %mul3A_6, %mul3A_51 : i32
        %dma_start3A_53 = tpu.memref_slice %arg2[%add3A_52] : memref<327680xi32, #tpu.memory_space<hbm>> -> memref<128xi32, #tpu.memory_space<hbm>>
        %dma_start3A_54 = tpu.memref_slice %arg2[%add3A_52] : memref<327680xi32, #tpu.memory_space<hbm>> -> memref<128xi32, #tpu.memory_space<hbm>>
        tpu.enqueue_dma source(%dma_start3A_54 : memref<128xi32, #tpu.memory_space<hbm>>) target(%arg6 : memref<128xi32, #tpu.memory_space<vmem>>) target_semaphore(%arg10 : memref<!tpu.dma_semaphore, #tpu.memory_space<semaphore_mem>>)
      } else {
      }
      %mul3A_43 = arith.constant 128 : i32
      %mul3A_44 = arith.muli %add3A_35, %mul3A_43 : i32
      %add3A_45 = arith.addi %mul3A_6, %mul3A_44 : i32
      %dma_wait3A_46 = tpu.memref_slice %arg2[%add3A_45] : memref<327680xi32, #tpu.memory_space<hbm>> -> memref<128xi32, #tpu.memory_space<hbm>>
      %dma_wait3A_47 = tpu.memref_slice %arg2[%add3A_45] : memref<327680xi32, #tpu.memory_space<hbm>> -> memref<128xi32, #tpu.memory_space<hbm>>
      tpu.wait_dma2 semaphore(%arg11 : memref<!tpu.dma_semaphore, #tpu.memory_space<semaphore_mem>>) src(%dma_wait3A_47 : memref<128xi32, #tpu.memory_space<hbm>>) dst(%arg7 : memref<128xi32, #tpu.memory_space<vmem>>)
      "tpu.region"() ({
        %run_scoped3A = tpu.sem_alloc : memref<!tpu.dma_semaphore, #tpu.memory_space<semaphore_mem>>
        %dma_start3A_48 = arith.constant 0 : i32
        %dma_start3A_49 = arith.constant 0 : i32
        %dma_start3A_50 = tpu.memref_slice %arg9[%dma_start3A_48, %dma_start3A_49] : memref<10240x128xf32, #tpu.memory_space<vmem_shared>> -> memref<10240x128xf32, #tpu.memory_space<vmem_shared>>
        tpu.enqueue_indirect_dma source(%arg8 : memref<128x128xf32, #tpu.memory_space<vmem>>) target(%dma_start3A_50 : memref<10240x128xf32, #tpu.memory_space<vmem_shared>>) offsets(%arg7 : memref<128xi32, #tpu.memory_space<vmem>>) semaphore(%run_scoped3A : memref<!tpu.dma_semaphore, #tpu.memory_space<semaphore_mem>>) {add = true}
        %dma_wait3A_51 = arith.constant 0 : i32
        %dma_wait3A_52 = arith.constant 0 : i32
        %dma_wait3A_53 = tpu.memref_slice %arg9[%dma_wait3A_51, %dma_wait3A_52] : memref<10240x128xf32, #tpu.memory_space<vmem_shared>> -> memref<10240x128xf32, #tpu.memory_space<vmem_shared>>
        tpu.wait_indirect_dma semaphore(%run_scoped3A : memref<!tpu.dma_semaphore, #tpu.memory_space<semaphore_mem>>) src(%arg8 : memref<128x128xf32, #tpu.memory_space<vmem>>) dst(%dma_wait3A_53 : memref<10240x128xf32, #tpu.memory_space<vmem_shared>>)
        tpu.yield
      }) : () -> ()
    }
    %scan3A_12 = arith.constant 40 : i32
    %barrier3A_13 = arith.constant 0 : index
    tpu.barrier barrier_id(%barrier3A_13)
    %mul3A_14 = arith.constant 640 : i32
    %mul3A_15 = arith.muli %arg1, %mul3A_14 : i32
    %mul3A_16 = arith.constant 10240 : i32
    %mul3A_17 = arith.muli %arg0, %mul3A_16 : i32
    %mul3A_18 = arith.constant 640 : i32
    %mul3A_19 = arith.muli %arg1, %mul3A_18 : i32
    %add3A_20 = arith.addi %mul3A_17, %mul3A_19 : i32
    "tpu.region"() ({
      %run_scoped3A = tpu.sem_alloc : memref<!tpu.dma_semaphore, #tpu.memory_space<semaphore_mem>>
      %dma_start3A_21 = arith.constant 0 : i32
      %dma_start3A_22 = tpu.memref_slice %arg5[%add3A_20, %dma_start3A_21] : memref<20480x128xf32, #tpu.memory_space<hbm>> -> memref<640x128xf32, #tpu.memory_space<hbm>>
      %dma_start3A_23 = arith.constant 0 : i32
      %dma_start3A_24 = tpu.memref_slice %arg9[%mul3A_15, %dma_start3A_23] : memref<10240x128xf32, #tpu.memory_space<vmem_shared>> -> memref<640x128xf32, #tpu.memory_space<vmem_shared>>
      tpu.enqueue_dma source(%dma_start3A_24 : memref<640x128xf32, #tpu.memory_space<vmem_shared>>) target(%dma_start3A_22 : memref<640x128xf32, #tpu.memory_space<hbm>>) target_semaphore(%run_scoped3A : memref<!tpu.dma_semaphore, #tpu.memory_space<semaphore_mem>>)
      %dma_wait3A = arith.constant 0 : i32
      %dma_wait3A_25 = tpu.memref_slice %arg5[%add3A_20, %dma_wait3A] : memref<20480x128xf32, #tpu.memory_space<hbm>> -> memref<640x128xf32, #tpu.memory_space<hbm>>
      %dma_wait3A_26 = arith.constant 0 : i32
      %dma_wait3A_27 = tpu.memref_slice %arg9[%mul3A_15, %dma_wait3A_26] : memref<10240x128xf32, #tpu.memory_space<vmem_shared>> -> memref<640x128xf32, #tpu.memory_space<vmem_shared>>
      tpu.wait_dma2 semaphore(%run_scoped3A : memref<!tpu.dma_semaphore, #tpu.memory_space<semaphore_mem>>) src(%dma_wait3A_27 : memref<640x128xf32, #tpu.memory_space<vmem_shared>>) dst(%dma_wait3A_25 : memref<640x128xf32, #tpu.memory_space<hbm>>)
      tpu.yield
    }) : () -> ()
    return
  }
}

#map = affine_map<(d0, d1) -> (0, 0)>
#map1 = affine_map<(d0, d1) -> (0)>
module attributes {stable_mosaic.version = 14 : i64} {
  func.func @gather_kernel(%arg0: i32, %arg1: i32, %arg2: memref<10240x128xf32, #tpu.memory_space<hbm>>, %arg3: memref<24576xi32, #tpu.memory_space<hbm>>, %arg4: memref<24576x128xf32, #tpu.memory_space<hbm>>, %arg5: memref<128xi32, #tpu.memory_space<vmem>>, %arg6: memref<128xi32, #tpu.memory_space<vmem>>, %arg7: memref<128x128xf32, #tpu.memory_space<vmem>>, %arg8: memref<128x128xf32, #tpu.memory_space<vmem>>, %arg9: memref<!tpu.dma_semaphore, #tpu.memory_space<semaphore_mem>>, %arg10: memref<!tpu.dma_semaphore, #tpu.memory_space<semaphore_mem>>) attributes {dimension_semantics = [#tpu.dimension_semantics<core_parallel>, #tpu.dimension_semantics<subcore_parallel>], iteration_bounds = array<i64: 2, 16>, scalar_prefetch = 0 : i64, scratch_operands = 6 : i64, tpu.core_type = #tpu.core_type<sc_vector_subcore>, window_params = [{transform_indices = #map}, {transform_indices = #map1}, {transform_indices = #map}]} {
    %mul3A = arith.constant 16 : i32
    %mul3A_0 = arith.muli %arg0, %mul3A : i32
    %add3A = arith.addi %mul3A_0, %arg1 : i32
    %mul3A_1 = arith.constant 768 : i32
    %mul3A_2 = arith.muli %add3A, %mul3A_1 : i32
    "tpu.region"() ({
      %run_scoped3A = tpu.sem_alloc : memref<!tpu.dma_semaphore, #tpu.memory_space<semaphore_mem>>
      %dma_start3A_10 = tpu.memref_slice %arg3[%mul3A_2] : memref<24576xi32, #tpu.memory_space<hbm>> -> memref<128xi32, #tpu.memory_space<hbm>>
      %dma_start3A_11 = tpu.memref_slice %arg3[%mul3A_2] : memref<24576xi32, #tpu.memory_space<hbm>> -> memref<128xi32, #tpu.memory_space<hbm>>
      tpu.enqueue_dma source(%dma_start3A_11 : memref<128xi32, #tpu.memory_space<hbm>>) target(%arg5 : memref<128xi32, #tpu.memory_space<vmem>>) target_semaphore(%run_scoped3A : memref<!tpu.dma_semaphore, #tpu.memory_space<semaphore_mem>>)
      %dma_wait3A = tpu.memref_slice %arg3[%mul3A_2] : memref<24576xi32, #tpu.memory_space<hbm>> -> memref<128xi32, #tpu.memory_space<hbm>>
      %dma_wait3A_12 = tpu.memref_slice %arg3[%mul3A_2] : memref<24576xi32, #tpu.memory_space<hbm>> -> memref<128xi32, #tpu.memory_space<hbm>>
      tpu.wait_dma2 semaphore(%run_scoped3A : memref<!tpu.dma_semaphore, #tpu.memory_space<semaphore_mem>>) src(%dma_wait3A_12 : memref<128xi32, #tpu.memory_space<hbm>>) dst(%arg5 : memref<128xi32, #tpu.memory_space<vmem>>)
      tpu.yield
    }) : () -> ()
    %dma_start3A = arith.constant 0 : i32
    %dma_start3A_3 = arith.constant 0 : i32
    %dma_start3A_4 = tpu.memref_slice %arg2[%dma_start3A, %dma_start3A_3] : memref<10240x128xf32, #tpu.memory_space<hbm>> -> memref<10240x128xf32, #tpu.memory_space<hbm>>
    tpu.enqueue_indirect_dma source(%dma_start3A_4 : memref<10240x128xf32, #tpu.memory_space<hbm>>) target(%arg7 : memref<128x128xf32, #tpu.memory_space<vmem>>) offsets(%arg5 : memref<128xi32, #tpu.memory_space<vmem>>) semaphore(%arg9 : memref<!tpu.dma_semaphore, #tpu.memory_space<semaphore_mem>>)
    %scan3A = arith.constant 0 : i32
    %scan3A_5 = arith.constant 0 : i32
    %scan3A_6 = arith.constant 3 : i32
    %scan3A_7 = arith.addi %scan3A_5, %scan3A_6 : i32
    %scan3A_8 = arith.constant 1 : i32
    scf.for %scan3A_10 = %scan3A_5 to %scan3A_7 step %scan3A_8  : i32 {
      %mul3A_11 = arith.constant 2 : i32
      %mul3A_12 = arith.muli %scan3A_10, %mul3A_11 : i32
      %add3A_13 = arith.constant 0 : i32
      %add3A_14 = arith.addi %mul3A_12, %add3A_13 : i32
      %add3A_15 = arith.constant 1 : i32
      %add3A_16 = arith.addi %add3A_14, %add3A_15 : i32
      %lt3A = arith.constant 6 : i32
      %lt3A_17 = arith.cmpi slt, %add3A_16, %lt3A : i32
      %convert_element_type3A = arith.extui %lt3A_17 : i1 to i32
      %cond3A = arith.constant 0 : i32
      %cond3A_18 = arith.cmpi ne, %convert_element_type3A, %cond3A : i32
      scf.if %cond3A_18 {
        %add3A_39 = arith.constant 1 : i32
        %add3A_40 = arith.addi %add3A_14, %add3A_39 : i32
        %mul3A_41 = arith.constant 128 : i32
        %mul3A_42 = arith.muli %add3A_40, %mul3A_41 : i32
        %add3A_43 = arith.addi %mul3A_2, %mul3A_42 : i32
        "tpu.region"() ({
          %run_scoped3A = tpu.sem_alloc : memref<!tpu.dma_semaphore, #tpu.memory_space<semaphore_mem>>
          %dma_start3A_47 = tpu.memref_slice %arg3[%add3A_43] : memref<24576xi32, #tpu.memory_space<hbm>> -> memref<128xi32, #tpu.memory_space<hbm>>
          %dma_start3A_48 = tpu.memref_slice %arg3[%add3A_43] : memref<24576xi32, #tpu.memory_space<hbm>> -> memref<128xi32, #tpu.memory_space<hbm>>
          tpu.enqueue_dma source(%dma_start3A_48 : memref<128xi32, #tpu.memory_space<hbm>>) target(%arg6 : memref<128xi32, #tpu.memory_space<vmem>>) target_semaphore(%run_scoped3A : memref<!tpu.dma_semaphore, #tpu.memory_space<semaphore_mem>>)
          %dma_wait3A_49 = tpu.memref_slice %arg3[%add3A_43] : memref<24576xi32, #tpu.memory_space<hbm>> -> memref<128xi32, #tpu.memory_space<hbm>>
          %dma_wait3A_50 = tpu.memref_slice %arg3[%add3A_43] : memref<24576xi32, #tpu.memory_space<hbm>> -> memref<128xi32, #tpu.memory_space<hbm>>
          tpu.wait_dma2 semaphore(%run_scoped3A : memref<!tpu.dma_semaphore, #tpu.memory_space<semaphore_mem>>) src(%dma_wait3A_50 : memref<128xi32, #tpu.memory_space<hbm>>) dst(%arg6 : memref<128xi32, #tpu.memory_space<vmem>>)
          tpu.yield
        }) : () -> ()
        %dma_start3A_44 = arith.constant 0 : i32
        %dma_start3A_45 = arith.constant 0 : i32
        %dma_start3A_46 = tpu.memref_slice %arg2[%dma_start3A_44, %dma_start3A_45] : memref<10240x128xf32, #tpu.memory_space<hbm>> -> memref<10240x128xf32, #tpu.memory_space<hbm>>
        tpu.enqueue_indirect_dma source(%dma_start3A_46 : memref<10240x128xf32, #tpu.memory_space<hbm>>) target(%arg8 : memref<128x128xf32, #tpu.memory_space<vmem>>) offsets(%arg6 : memref<128xi32, #tpu.memory_space<vmem>>) semaphore(%arg10 : memref<!tpu.dma_semaphore, #tpu.memory_space<semaphore_mem>>)
      } else {
      }
      %dma_wait3A = arith.constant 0 : i32
      %dma_wait3A_19 = arith.constant 0 : i32
      %dma_wait3A_20 = tpu.memref_slice %arg2[%dma_wait3A, %dma_wait3A_19] : memref<10240x128xf32, #tpu.memory_space<hbm>> -> memref<10240x128xf32, #tpu.memory_space<hbm>>
      tpu.wait_indirect_dma semaphore(%arg9 : memref<!tpu.dma_semaphore, #tpu.memory_space<semaphore_mem>>) src(%dma_wait3A_20 : memref<10240x128xf32, #tpu.memory_space<hbm>>) dst(%arg7 : memref<128x128xf32, #tpu.memory_space<vmem>>)
      %mul3A_21 = arith.constant 128 : i32
      %mul3A_22 = arith.muli %add3A_14, %mul3A_21 : i32
      %add3A_23 = arith.addi %mul3A_2, %mul3A_22 : i32
      "tpu.region"() ({
        %run_scoped3A = tpu.sem_alloc : memref<!tpu.dma_semaphore, #tpu.memory_space<semaphore_mem>>
        %dma_start3A_39 = arith.constant 0 : i32
        %dma_start3A_40 = tpu.memref_slice %arg4[%add3A_23, %dma_start3A_39] : memref<24576x128xf32, #tpu.memory_space<hbm>> -> memref<128x128xf32, #tpu.memory_space<hbm>>
        %dma_start3A_41 = arith.constant 0 : i32
        %dma_start3A_42 = tpu.memref_slice %arg4[%add3A_23, %dma_start3A_41] : memref<24576x128xf32, #tpu.memory_space<hbm>> -> memref<128x128xf32, #tpu.memory_space<hbm>>
        tpu.enqueue_dma source(%arg7 : memref<128x128xf32, #tpu.memory_space<vmem>>) target(%dma_start3A_42 : memref<128x128xf32, #tpu.memory_space<hbm>>) target_semaphore(%run_scoped3A : memref<!tpu.dma_semaphore, #tpu.memory_space<semaphore_mem>>)
        %dma_wait3A_43 = arith.constant 0 : i32
        %dma_wait3A_44 = tpu.memref_slice %arg4[%add3A_23, %dma_wait3A_43] : memref<24576x128xf32, #tpu.memory_space<hbm>> -> memref<128x128xf32, #tpu.memory_space<hbm>>
        %dma_wait3A_45 = arith.constant 0 : i32
        %dma_wait3A_46 = tpu.memref_slice %arg4[%add3A_23, %dma_wait3A_45] : memref<24576x128xf32, #tpu.memory_space<hbm>> -> memref<128x128xf32, #tpu.memory_space<hbm>>
        tpu.wait_dma2 semaphore(%run_scoped3A : memref<!tpu.dma_semaphore, #tpu.memory_space<semaphore_mem>>) src(%arg7 : memref<128x128xf32, #tpu.memory_space<vmem>>) dst(%dma_wait3A_46 : memref<128x128xf32, #tpu.memory_space<hbm>>)
        tpu.yield
      }) : () -> ()
      %add3A_24 = arith.constant 1 : i32
      %add3A_25 = arith.addi %mul3A_12, %add3A_24 : i32
      %add3A_26 = arith.constant 1 : i32
      %add3A_27 = arith.addi %add3A_25, %add3A_26 : i32
      %lt3A_28 = arith.constant 6 : i32
      %lt3A_29 = arith.cmpi slt, %add3A_27, %lt3A_28 : i32
      %convert_element_type3A_30 = arith.extui %lt3A_29 : i1 to i32
      %cond3A_31 = arith.constant 0 : i32
      %cond3A_32 = arith.cmpi ne, %convert_element_type3A_30, %cond3A_31 : i32
      scf.if %cond3A_32 {
        %add3A_39 = arith.constant 1 : i32
        %add3A_40 = arith.addi %add3A_25, %add3A_39 : i32
        %mul3A_41 = arith.constant 128 : i32
        %mul3A_42 = arith.muli %add3A_40, %mul3A_41 : i32
        %add3A_43 = arith.addi %mul3A_2, %mul3A_42 : i32
        "tpu.region"() ({
          %run_scoped3A = tpu.sem_alloc : memref<!tpu.dma_semaphore, #tpu.memory_space<semaphore_mem>>
          %dma_start3A_47 = tpu.memref_slice %arg3[%add3A_43] : memref<24576xi32, #tpu.memory_space<hbm>> -> memref<128xi32, #tpu.memory_space<hbm>>
          %dma_start3A_48 = tpu.memref_slice %arg3[%add3A_43] : memref<24576xi32, #tpu.memory_space<hbm>> -> memref<128xi32, #tpu.memory_space<hbm>>
          tpu.enqueue_dma source(%dma_start3A_48 : memref<128xi32, #tpu.memory_space<hbm>>) target(%arg5 : memref<128xi32, #tpu.memory_space<vmem>>) target_semaphore(%run_scoped3A : memref<!tpu.dma_semaphore, #tpu.memory_space<semaphore_mem>>)
          %dma_wait3A_49 = tpu.memref_slice %arg3[%add3A_43] : memref<24576xi32, #tpu.memory_space<hbm>> -> memref<128xi32, #tpu.memory_space<hbm>>
          %dma_wait3A_50 = tpu.memref_slice %arg3[%add3A_43] : memref<24576xi32, #tpu.memory_space<hbm>> -> memref<128xi32, #tpu.memory_space<hbm>>
          tpu.wait_dma2 semaphore(%run_scoped3A : memref<!tpu.dma_semaphore, #tpu.memory_space<semaphore_mem>>) src(%dma_wait3A_50 : memref<128xi32, #tpu.memory_space<hbm>>) dst(%arg5 : memref<128xi32, #tpu.memory_space<vmem>>)
          tpu.yield
        }) : () -> ()
        %dma_start3A_44 = arith.constant 0 : i32
        %dma_start3A_45 = arith.constant 0 : i32
        %dma_start3A_46 = tpu.memref_slice %arg2[%dma_start3A_44, %dma_start3A_45] : memref<10240x128xf32, #tpu.memory_space<hbm>> -> memref<10240x128xf32, #tpu.memory_space<hbm>>
        tpu.enqueue_indirect_dma source(%dma_start3A_46 : memref<10240x128xf32, #tpu.memory_space<hbm>>) target(%arg7 : memref<128x128xf32, #tpu.memory_space<vmem>>) offsets(%arg5 : memref<128xi32, #tpu.memory_space<vmem>>) semaphore(%arg9 : memref<!tpu.dma_semaphore, #tpu.memory_space<semaphore_mem>>)
      } else {
      }
      %dma_wait3A_33 = arith.constant 0 : i32
      %dma_wait3A_34 = arith.constant 0 : i32
      %dma_wait3A_35 = tpu.memref_slice %arg2[%dma_wait3A_33, %dma_wait3A_34] : memref<10240x128xf32, #tpu.memory_space<hbm>> -> memref<10240x128xf32, #tpu.memory_space<hbm>>
      tpu.wait_indirect_dma semaphore(%arg10 : memref<!tpu.dma_semaphore, #tpu.memory_space<semaphore_mem>>) src(%dma_wait3A_35 : memref<10240x128xf32, #tpu.memory_space<hbm>>) dst(%arg8 : memref<128x128xf32, #tpu.memory_space<vmem>>)
      %mul3A_36 = arith.constant 128 : i32
      %mul3A_37 = arith.muli %add3A_25, %mul3A_36 : i32
      %add3A_38 = arith.addi %mul3A_2, %mul3A_37 : i32
      "tpu.region"() ({
        %run_scoped3A = tpu.sem_alloc : memref<!tpu.dma_semaphore, #tpu.memory_space<semaphore_mem>>
        %dma_start3A_39 = arith.constant 0 : i32
        %dma_start3A_40 = tpu.memref_slice %arg4[%add3A_38, %dma_start3A_39] : memref<24576x128xf32, #tpu.memory_space<hbm>> -> memref<128x128xf32, #tpu.memory_space<hbm>>
        %dma_start3A_41 = arith.constant 0 : i32
        %dma_start3A_42 = tpu.memref_slice %arg4[%add3A_38, %dma_start3A_41] : memref<24576x128xf32, #tpu.memory_space<hbm>> -> memref<128x128xf32, #tpu.memory_space<hbm>>
        tpu.enqueue_dma source(%arg8 : memref<128x128xf32, #tpu.memory_space<vmem>>) target(%dma_start3A_42 : memref<128x128xf32, #tpu.memory_space<hbm>>) target_semaphore(%run_scoped3A : memref<!tpu.dma_semaphore, #tpu.memory_space<semaphore_mem>>)
        %dma_wait3A_43 = arith.constant 0 : i32
        %dma_wait3A_44 = tpu.memref_slice %arg4[%add3A_38, %dma_wait3A_43] : memref<24576x128xf32, #tpu.memory_space<hbm>> -> memref<128x128xf32, #tpu.memory_space<hbm>>
        %dma_wait3A_45 = arith.constant 0 : i32
        %dma_wait3A_46 = tpu.memref_slice %arg4[%add3A_38, %dma_wait3A_45] : memref<24576x128xf32, #tpu.memory_space<hbm>> -> memref<128x128xf32, #tpu.memory_space<hbm>>
        tpu.wait_dma2 semaphore(%run_scoped3A : memref<!tpu.dma_semaphore, #tpu.memory_space<semaphore_mem>>) src(%arg8 : memref<128x128xf32, #tpu.memory_space<vmem>>) dst(%dma_wait3A_46 : memref<128x128xf32, #tpu.memory_space<hbm>>)
        tpu.yield
      }) : () -> ()
    }
    %scan3A_9 = arith.constant 3 : i32
    return
  }
}

#map = affine_map<(d0, d1) -> (0, 0)>
#map1 = affine_map<(d0, d1) -> (0)>
module attributes {stable_mosaic.version = 14 : i64} {
  func.func @msg_kernel(%arg0: i32, %arg1: i32, %arg2: memref<10240x128xf32, #tpu.memory_space<hbm>>, %arg3: memref<327680xi32, #tpu.memory_space<hbm>>, %arg4: memref<2560x128xi32, #tpu.memory_space<hbm>>, %arg5: memref<10240x128xf32, #tpu.memory_space<hbm>>, %arg6: memref<20480x128xf32, #tpu.memory_space<hbm>>, %arg7: memref<80x128xi32, #tpu.memory_space<vmem>>, %arg8: memref<128xi32, #tpu.memory_space<vmem>>, %arg9: memref<128xi32, #tpu.memory_space<vmem>>, %arg10: memref<128xi32, #tpu.memory_space<vmem>>, %arg11: memref<128xi32, #tpu.memory_space<vmem>>, %arg12: memref<128x128xf32, #tpu.memory_space<vmem>>, %arg13: memref<128x128xf32, #tpu.memory_space<vmem>>, %arg14: memref<10240x128xf32, #tpu.memory_space<vmem_shared>>, %arg15: memref<!tpu.dma_semaphore, #tpu.memory_space<semaphore_mem>>, %arg16: memref<!tpu.dma_semaphore, #tpu.memory_space<semaphore_mem>>, %arg17: memref<!tpu.dma_semaphore, #tpu.memory_space<semaphore_mem>>, %arg18: memref<!tpu.dma_semaphore, #tpu.memory_space<semaphore_mem>>, %arg19: memref<!tpu.dma_semaphore, #tpu.memory_space<semaphore_mem>>, %arg20: memref<!tpu.dma_semaphore, #tpu.memory_space<semaphore_mem>>, %arg21: memref<!tpu.dma_semaphore, #tpu.memory_space<semaphore_mem>>, %arg22: memref<!tpu.dma_semaphore, #tpu.memory_space<semaphore_mem>>) attributes {dimension_semantics = [#tpu.dimension_semantics<core_parallel>, #tpu.dimension_semantics<subcore_parallel>], iteration_bounds = array<i64: 2, 16>, scalar_prefetch = 0 : i64, scratch_operands = 16 : i64, tpu.core_type = #tpu.core_type<sc_vector_subcore>, window_params = [{transform_indices = #map}, {transform_indices = #map1}, {transform_indices = #map}, {transform_indices = #map}, {transform_indices = #map}]} {
    %mul3A = arith.constant 16 : i32
    %mul3A_0 = arith.muli %arg0, %mul3A : i32
    %add3A = arith.addi %mul3A_0, %arg1 : i32
    %mul3A_1 = arith.constant 10240 : i32
    %mul3A_2 = arith.muli %add3A, %mul3A_1 : i32
    %mul3A_3 = arith.constant 640 : i32
    %mul3A_4 = arith.muli %arg1, %mul3A_3 : i32
    %mul3A_5 = arith.constant 640 : i32
    %mul3A_6 = arith.muli %arg1, %mul3A_5 : i32
    "tpu.region"() ({
      %run_scoped3A = tpu.sem_alloc : memref<!tpu.dma_semaphore, #tpu.memory_space<semaphore_mem>>
      %dma_start3A_53 = arith.constant 0 : i32
      %dma_start3A_54 = tpu.memref_slice %arg14[%mul3A_6, %dma_start3A_53] : memref<10240x128xf32, #tpu.memory_space<vmem_shared>> -> memref<640x128xf32, #tpu.memory_space<vmem_shared>>
      %dma_start3A_55 = arith.constant 0 : i32
      %dma_start3A_56 = tpu.memref_slice %arg5[%mul3A_4, %dma_start3A_55] : memref<10240x128xf32, #tpu.memory_space<hbm>> -> memref<640x128xf32, #tpu.memory_space<hbm>>
      tpu.enqueue_dma source(%dma_start3A_56 : memref<640x128xf32, #tpu.memory_space<hbm>>) target(%dma_start3A_54 : memref<640x128xf32, #tpu.memory_space<vmem_shared>>) target_semaphore(%run_scoped3A : memref<!tpu.dma_semaphore, #tpu.memory_space<semaphore_mem>>)
      %dma_wait3A_57 = arith.constant 0 : i32
      %dma_wait3A_58 = tpu.memref_slice %arg14[%mul3A_6, %dma_wait3A_57] : memref<10240x128xf32, #tpu.memory_space<vmem_shared>> -> memref<640x128xf32, #tpu.memory_space<vmem_shared>>
      %dma_wait3A_59 = arith.constant 0 : i32
      %dma_wait3A_60 = tpu.memref_slice %arg5[%mul3A_4, %dma_wait3A_59] : memref<10240x128xf32, #tpu.memory_space<hbm>> -> memref<640x128xf32, #tpu.memory_space<hbm>>
      tpu.wait_dma2 semaphore(%run_scoped3A : memref<!tpu.dma_semaphore, #tpu.memory_space<semaphore_mem>>) src(%dma_wait3A_60 : memref<640x128xf32, #tpu.memory_space<hbm>>) dst(%dma_wait3A_58 : memref<640x128xf32, #tpu.memory_space<vmem_shared>>)
      tpu.yield
    }) : () -> ()
    %mul3A_7 = arith.constant 80 : i32
    %mul3A_8 = arith.muli %add3A, %mul3A_7 : i32
    "tpu.region"() ({
      %run_scoped3A = tpu.sem_alloc : memref<!tpu.dma_semaphore, #tpu.memory_space<semaphore_mem>>
      %dma_start3A_53 = arith.constant 0 : i32
      %dma_start3A_54 = tpu.memref_slice %arg4[%mul3A_8, %dma_start3A_53] : memref<2560x128xi32, #tpu.memory_space<hbm>> -> memref<80x128xi32, #tpu.memory_space<hbm>>
      %dma_start3A_55 = arith.constant 0 : i32
      %dma_start3A_56 = tpu.memref_slice %arg4[%mul3A_8, %dma_start3A_55] : memref<2560x128xi32, #tpu.memory_space<hbm>> -> memref<80x128xi32, #tpu.memory_space<hbm>>
      tpu.enqueue_dma source(%dma_start3A_56 : memref<80x128xi32, #tpu.memory_space<hbm>>) target(%arg7 : memref<80x128xi32, #tpu.memory_space<vmem>>) target_semaphore(%run_scoped3A : memref<!tpu.dma_semaphore, #tpu.memory_space<semaphore_mem>>)
      %dma_wait3A_57 = arith.constant 0 : i32
      %dma_wait3A_58 = tpu.memref_slice %arg4[%mul3A_8, %dma_wait3A_57] : memref<2560x128xi32, #tpu.memory_space<hbm>> -> memref<80x128xi32, #tpu.memory_space<hbm>>
      %dma_wait3A_59 = arith.constant 0 : i32
      %dma_wait3A_60 = tpu.memref_slice %arg4[%mul3A_8, %dma_wait3A_59] : memref<2560x128xi32, #tpu.memory_space<hbm>> -> memref<80x128xi32, #tpu.memory_space<hbm>>
      tpu.wait_dma2 semaphore(%run_scoped3A : memref<!tpu.dma_semaphore, #tpu.memory_space<semaphore_mem>>) src(%dma_wait3A_60 : memref<80x128xi32, #tpu.memory_space<hbm>>) dst(%arg7 : memref<80x128xi32, #tpu.memory_space<vmem>>)
      tpu.yield
    }) : () -> ()
    %barrier3A = arith.constant 0 : index
    tpu.barrier barrier_id(%barrier3A)
    %add3A_9 = arith.constant 0 : i32
    %add3A_10 = arith.addi %mul3A_2, %add3A_9 : i32
    %dma_start3A = tpu.memref_slice %arg3[%add3A_10] : memref<327680xi32, #tpu.memory_space<hbm>> -> memref<128xi32, #tpu.memory_space<hbm>>
    %dma_start3A_11 = tpu.memref_slice %arg3[%add3A_10] : memref<327680xi32, #tpu.memory_space<hbm>> -> memref<128xi32, #tpu.memory_space<hbm>>
    tpu.enqueue_dma source(%dma_start3A_11 : memref<128xi32, #tpu.memory_space<hbm>>) target(%arg8 : memref<128xi32, #tpu.memory_space<vmem>>) target_semaphore(%arg15 : memref<!tpu.dma_semaphore, #tpu.memory_space<semaphore_mem>>)
    %add3A_12 = arith.constant 128 : i32
    %add3A_13 = arith.addi %mul3A_2, %add3A_12 : i32
    %dma_start3A_14 = tpu.memref_slice %arg3[%add3A_13] : memref<327680xi32, #tpu.memory_space<hbm>> -> memref<128xi32, #tpu.memory_space<hbm>>
    %dma_start3A_15 = tpu.memref_slice %arg3[%add3A_13] : memref<327680xi32, #tpu.memory_space<hbm>> -> memref<128xi32, #tpu.memory_space<hbm>>
    tpu.enqueue_dma source(%dma_start3A_15 : memref<128xi32, #tpu.memory_space<hbm>>) target(%arg9 : memref<128xi32, #tpu.memory_space<vmem>>) target_semaphore(%arg16 : memref<!tpu.dma_semaphore, #tpu.memory_space<semaphore_mem>>)
    %add3A_16 = arith.constant 256 : i32
    %add3A_17 = arith.addi %mul3A_2, %add3A_16 : i32
    %dma_start3A_18 = tpu.memref_slice %arg3[%add3A_17] : memref<327680xi32, #tpu.memory_space<hbm>> -> memref<128xi32, #tpu.memory_space<hbm>>
    %dma_start3A_19 = tpu.memref_slice %arg3[%add3A_17] : memref<327680xi32, #tpu.memory_space<hbm>> -> memref<128xi32, #tpu.memory_space<hbm>>
    tpu.enqueue_dma source(%dma_start3A_19 : memref<128xi32, #tpu.memory_space<hbm>>) target(%arg10 : memref<128xi32, #tpu.memory_space<vmem>>) target_semaphore(%arg17 : memref<!tpu.dma_semaphore, #tpu.memory_space<semaphore_mem>>)
    %add3A_20 = arith.constant 0 : i32
    %add3A_21 = arith.addi %mul3A_2, %add3A_20 : i32
    %dma_wait3A = tpu.memref_slice %arg3[%add3A_21] : memref<327680xi32, #tpu.memory_space<hbm>> -> memref<128xi32, #tpu.memory_space<hbm>>
    %dma_wait3A_22 = tpu.memref_slice %arg3[%add3A_21] : memref<327680xi32, #tpu.memory_space<hbm>> -> memref<128xi32, #tpu.memory_space<hbm>>
    tpu.wait_dma2 semaphore(%arg15 : memref<!tpu.dma_semaphore, #tpu.memory_space<semaphore_mem>>) src(%dma_wait3A_22 : memref<128xi32, #tpu.memory_space<hbm>>) dst(%arg8 : memref<128xi32, #tpu.memory_space<vmem>>)
    %dma_start3A_23 = arith.constant 0 : i32
    %dma_start3A_24 = arith.constant 0 : i32
    %dma_start3A_25 = tpu.memref_slice %arg2[%dma_start3A_23, %dma_start3A_24] : memref<10240x128xf32, #tpu.memory_space<hbm>> -> memref<10240x128xf32, #tpu.memory_space<hbm>>
    tpu.enqueue_indirect_dma source(%dma_start3A_25 : memref<10240x128xf32, #tpu.memory_space<hbm>>) target(%arg12 : memref<128x128xf32, #tpu.memory_space<vmem>>) offsets(%arg8 : memref<128xi32, #tpu.memory_space<vmem>>) semaphore(%arg19 : memref<!tpu.dma_semaphore, #tpu.memory_space<semaphore_mem>>)
    %scan3A = arith.constant 0 : i32
    %scan3A_26 = arith.constant 0 : i32
    %scan3A_27 = arith.constant 20 : i32
    %scan3A_28 = arith.addi %scan3A_26, %scan3A_27 : i32
    %scan3A_29 = arith.constant 1 : i32
    scf.for %scan3A_53 = %scan3A_26 to %scan3A_28 step %scan3A_29  : i32 {
      %mul3A_54 = arith.constant 4 : i32
      %mul3A_55 = arith.muli %scan3A_53, %mul3A_54 : i32
      %add3A_56 = arith.constant 0 : i32
      %add3A_57 = arith.addi %mul3A_55, %add3A_56 : i32
      %add3A_58 = arith.constant 4 : i32
      %add3A_59 = arith.addi %add3A_57, %add3A_58 : i32
      %sub3A = arith.constant 1 : i32
      %sub3A_60 = arith.subi %add3A_59, %sub3A : i32
      %lt3A = arith.constant 80 : i32
      %lt3A_61 = arith.cmpi slt, %sub3A_60, %lt3A : i32
      %convert_element_type3A = arith.extui %lt3A_61 : i1 to i32
      %cond3A = arith.constant 0 : i32
      %cond3A_62 = arith.cmpi ne, %convert_element_type3A, %cond3A : i32
      scf.if %cond3A_62 {
        %add3A_160 = arith.constant 4 : i32
        %add3A_161 = arith.addi %add3A_57, %add3A_160 : i32
        %sub3A_162 = arith.constant 1 : i32
        %sub3A_163 = arith.subi %add3A_161, %sub3A_162 : i32
        %mul3A_164 = arith.constant 128 : i32
        %mul3A_165 = arith.muli %sub3A_163, %mul3A_164 : i32
        %add3A_166 = arith.addi %mul3A_2, %mul3A_165 : i32
        %dma_start3A_167 = tpu.memref_slice %arg3[%add3A_166] : memref<327680xi32, #tpu.memory_space<hbm>> -> memref<128xi32, #tpu.memory_space<hbm>>
        %dma_start3A_168 = tpu.memref_slice %arg3[%add3A_166] : memref<327680xi32, #tpu.memory_space<hbm>> -> memref<128xi32, #tpu.memory_space<hbm>>
        tpu.enqueue_dma source(%dma_start3A_168 : memref<128xi32, #tpu.memory_space<hbm>>) target(%arg11 : memref<128xi32, #tpu.memory_space<vmem>>) target_semaphore(%arg18 : memref<!tpu.dma_semaphore, #tpu.memory_space<semaphore_mem>>)
      } else {
      }
      %add3A_63 = arith.constant 1 : i32
      %add3A_64 = arith.addi %add3A_57, %add3A_63 : i32
      %lt3A_65 = arith.constant 80 : i32
      %lt3A_66 = arith.cmpi slt, %add3A_64, %lt3A_65 : i32
      %convert_element_type3A_67 = arith.extui %lt3A_66 : i1 to i32
      %cond3A_68 = arith.constant 0 : i32
      %cond3A_69 = arith.cmpi ne, %convert_element_type3A_67, %cond3A_68 : i32
      scf.if %cond3A_69 {
        %ge3A = arith.constant 1 : i32
        %ge3A_160 = arith.cmpi sge, %add3A_57, %ge3A : i32
        %convert_element_type3A_161 = arith.extui %ge3A_160 : i1 to i32
        %cond3A_162 = arith.constant 0 : i32
        %cond3A_163 = arith.cmpi ne, %convert_element_type3A_161, %cond3A_162 : i32
        scf.if %cond3A_163 {
          %sub3A_174 = arith.constant 1 : i32
          %sub3A_175 = arith.subi %add3A_57, %sub3A_174 : i32
          %dma_wait3A_176 = arith.constant 0 : i32
          %dma_wait3A_177 = tpu.memref_slice %arg7[%sub3A_175, %dma_wait3A_176] : memref<80x128xi32, #tpu.memory_space<vmem>> -> memref<1x128xi32, #tpu.memory_space<vmem>>
          %dma_wait3A_178 = tpu.memref_squeeze %dma_wait3A_177 : memref<1x128xi32, #tpu.memory_space<vmem>> -> memref<128xi32, #tpu.memory_space<vmem>>
          %dma_wait3A_179 = arith.constant 0 : i32
          %dma_wait3A_180 = arith.constant 0 : i32
          %dma_wait3A_181 = tpu.memref_slice %arg14[%dma_wait3A_179, %dma_wait3A_180] : memref<10240x128xf32, #tpu.memory_space<vmem_shared>> -> memref<10240x128xf32, #tpu.memory_space<vmem_shared>>
          tpu.wait_indirect_dma semaphore(%arg22 : memref<!tpu.dma_semaphore, #tpu.memory_space<semaphore_mem>>) src(%arg13 : memref<128x128xf32, #tpu.memory_space<vmem>>) dst(%dma_wait3A_181 : memref<10240x128xf32, #tpu.memory_space<vmem_shared>>)
        } else {
        }
        %add3A_164 = arith.constant 1 : i32
        %add3A_165 = arith.addi %add3A_57, %add3A_164 : i32
        %mul3A_166 = arith.constant 128 : i32
        %mul3A_167 = arith.muli %add3A_165, %mul3A_166 : i32
        %add3A_168 = arith.addi %mul3A_2, %mul3A_167 : i32
        %dma_wait3A_169 = tpu.memref_slice %arg3[%add3A_168] : memref<327680xi32, #tpu.memory_space<hbm>> -> memref<128xi32, #tpu.memory_space<hbm>>
        %dma_wait3A_170 = tpu.memref_slice %arg3[%add3A_168] : memref<327680xi32, #tpu.memory_space<hbm>> -> memref<128xi32, #tpu.memory_space<hbm>>
        tpu.wait_dma2 semaphore(%arg16 : memref<!tpu.dma_semaphore, #tpu.memory_space<semaphore_mem>>) src(%dma_wait3A_170 : memref<128xi32, #tpu.memory_space<hbm>>) dst(%arg9 : memref<128xi32, #tpu.memory_space<vmem>>)
        %dma_start3A_171 = arith.constant 0 : i32
        %dma_start3A_172 = arith.constant 0 : i32
        %dma_start3A_173 = tpu.memref_slice %arg2[%dma_start3A_171, %dma_start3A_172] : memref<10240x128xf32, #tpu.memory_space<hbm>> -> memref<10240x128xf32, #tpu.memory_space<hbm>>
        tpu.enqueue_indirect_dma source(%dma_start3A_173 : memref<10240x128xf32, #tpu.memory_space<hbm>>) target(%arg13 : memref<128x128xf32, #tpu.memory_space<vmem>>) offsets(%arg9 : memref<128xi32, #tpu.memory_space<vmem>>) semaphore(%arg20 : memref<!tpu.dma_semaphore, #tpu.memory_space<semaphore_mem>>)
      } else {
      }
      %dma_wait3A_70 = arith.constant 0 : i32
      %dma_wait3A_71 = arith.constant 0 : i32
      %dma_wait3A_72 = tpu.memref_slice %arg2[%dma_wait3A_70, %dma_wait3A_71] : memref<10240x128xf32, #tpu.memory_space<hbm>> -> memref<10240x128xf32, #tpu.memory_space<hbm>>
      tpu.wait_indirect_dma semaphore(%arg19 : memref<!tpu.dma_semaphore, #tpu.memory_space<semaphore_mem>>) src(%dma_wait3A_72 : memref<10240x128xf32, #tpu.memory_space<hbm>>) dst(%arg12 : memref<128x128xf32, #tpu.memory_space<vmem>>)
      %dma_start3A_73 = arith.constant 0 : i32
      %dma_start3A_74 = tpu.memref_slice %arg7[%add3A_57, %dma_start3A_73] : memref<80x128xi32, #tpu.memory_space<vmem>> -> memref<1x128xi32, #tpu.memory_space<vmem>>
      %dma_start3A_75 = tpu.memref_squeeze %dma_start3A_74 : memref<1x128xi32, #tpu.memory_space<vmem>> -> memref<128xi32, #tpu.memory_space<vmem>>
      %dma_start3A_76 = arith.constant 0 : i32
      %dma_start3A_77 = arith.constant 0 : i32
      %dma_start3A_78 = tpu.memref_slice %arg14[%dma_start3A_76, %dma_start3A_77] : memref<10240x128xf32, #tpu.memory_space<vmem_shared>> -> memref<10240x128xf32, #tpu.memory_space<vmem_shared>>
      tpu.enqueue_indirect_dma source(%arg12 : memref<128x128xf32, #tpu.memory_space<vmem>>) target(%dma_start3A_78 : memref<10240x128xf32, #tpu.memory_space<vmem_shared>>) offsets(%dma_start3A_75 : memref<128xi32, #tpu.memory_space<vmem>>) semaphore(%arg21 : memref<!tpu.dma_semaphore, #tpu.memory_space<semaphore_mem>>) {add = true}
      %add3A_79 = arith.constant 1 : i32
      %add3A_80 = arith.addi %mul3A_55, %add3A_79 : i32
      %add3A_81 = arith.constant 4 : i32
      %add3A_82 = arith.addi %add3A_80, %add3A_81 : i32
      %sub3A_83 = arith.constant 1 : i32
      %sub3A_84 = arith.subi %add3A_82, %sub3A_83 : i32
      %lt3A_85 = arith.constant 80 : i32
      %lt3A_86 = arith.cmpi slt, %sub3A_84, %lt3A_85 : i32
      %convert_element_type3A_87 = arith.extui %lt3A_86 : i1 to i32
      %cond3A_88 = arith.constant 0 : i32
      %cond3A_89 = arith.cmpi ne, %convert_element_type3A_87, %cond3A_88 : i32
      scf.if %cond3A_89 {
        %add3A_160 = arith.constant 4 : i32
        %add3A_161 = arith.addi %add3A_80, %add3A_160 : i32
        %sub3A_162 = arith.constant 1 : i32
        %sub3A_163 = arith.subi %add3A_161, %sub3A_162 : i32
        %mul3A_164 = arith.constant 128 : i32
        %mul3A_165 = arith.muli %sub3A_163, %mul3A_164 : i32
        %add3A_166 = arith.addi %mul3A_2, %mul3A_165 : i32
        %dma_start3A_167 = tpu.memref_slice %arg3[%add3A_166] : memref<327680xi32, #tpu.memory_space<hbm>> -> memref<128xi32, #tpu.memory_space<hbm>>
        %dma_start3A_168 = tpu.memref_slice %arg3[%add3A_166] : memref<327680xi32, #tpu.memory_space<hbm>> -> memref<128xi32, #tpu.memory_space<hbm>>
        tpu.enqueue_dma source(%dma_start3A_168 : memref<128xi32, #tpu.memory_space<hbm>>) target(%arg8 : memref<128xi32, #tpu.memory_space<vmem>>) target_semaphore(%arg15 : memref<!tpu.dma_semaphore, #tpu.memory_space<semaphore_mem>>)
      } else {
      }
      %add3A_90 = arith.constant 1 : i32
      %add3A_91 = arith.addi %add3A_80, %add3A_90 : i32
      %lt3A_92 = arith.constant 80 : i32
      %lt3A_93 = arith.cmpi slt, %add3A_91, %lt3A_92 : i32
      %convert_element_type3A_94 = arith.extui %lt3A_93 : i1 to i32
      %cond3A_95 = arith.constant 0 : i32
      %cond3A_96 = arith.cmpi ne, %convert_element_type3A_94, %cond3A_95 : i32
      scf.if %cond3A_96 {
        %ge3A = arith.constant 1 : i32
        %ge3A_160 = arith.cmpi sge, %add3A_80, %ge3A : i32
        %convert_element_type3A_161 = arith.extui %ge3A_160 : i1 to i32
        %cond3A_162 = arith.constant 0 : i32
        %cond3A_163 = arith.cmpi ne, %convert_element_type3A_161, %cond3A_162 : i32
        scf.if %cond3A_163 {
          %sub3A_174 = arith.constant 1 : i32
          %sub3A_175 = arith.subi %add3A_80, %sub3A_174 : i32
          %dma_wait3A_176 = arith.constant 0 : i32
          %dma_wait3A_177 = tpu.memref_slice %arg7[%sub3A_175, %dma_wait3A_176] : memref<80x128xi32, #tpu.memory_space<vmem>> -> memref<1x128xi32, #tpu.memory_space<vmem>>
          %dma_wait3A_178 = tpu.memref_squeeze %dma_wait3A_177 : memref<1x128xi32, #tpu.memory_space<vmem>> -> memref<128xi32, #tpu.memory_space<vmem>>
          %dma_wait3A_179 = arith.constant 0 : i32
          %dma_wait3A_180 = arith.constant 0 : i32
          %dma_wait3A_181 = tpu.memref_slice %arg14[%dma_wait3A_179, %dma_wait3A_180] : memref<10240x128xf32, #tpu.memory_space<vmem_shared>> -> memref<10240x128xf32, #tpu.memory_space<vmem_shared>>
          tpu.wait_indirect_dma semaphore(%arg21 : memref<!tpu.dma_semaphore, #tpu.memory_space<semaphore_mem>>) src(%arg12 : memref<128x128xf32, #tpu.memory_space<vmem>>) dst(%dma_wait3A_181 : memref<10240x128xf32, #tpu.memory_space<vmem_shared>>)
        } else {
        }
        %add3A_164 = arith.constant 1 : i32
        %add3A_165 = arith.addi %add3A_80, %add3A_164 : i32
        %mul3A_166 = arith.constant 128 : i32
        %mul3A_167 = arith.muli %add3A_165, %mul3A_166 : i32
        %add3A_168 = arith.addi %mul3A_2, %mul3A_167 : i32
        %dma_wait3A_169 = tpu.memref_slice %arg3[%add3A_168] : memref<327680xi32, #tpu.memory_space<hbm>> -> memref<128xi32, #tpu.memory_space<hbm>>
        %dma_wait3A_170 = tpu.memref_slice %arg3[%add3A_168] : memref<327680xi32, #tpu.memory_space<hbm>> -> memref<128xi32, #tpu.memory_space<hbm>>
        tpu.wait_dma2 semaphore(%arg17 : memref<!tpu.dma_semaphore, #tpu.memory_space<semaphore_mem>>) src(%dma_wait3A_170 : memref<128xi32, #tpu.memory_space<hbm>>) dst(%arg10 : memref<128xi32, #tpu.memory_space<vmem>>)
        %dma_start3A_171 = arith.constant 0 : i32
        %dma_start3A_172 = arith.constant 0 : i32
        %dma_start3A_173 = tpu.memref_slice %arg2[%dma_start3A_171, %dma_start3A_172] : memref<10240x128xf32, #tpu.memory_space<hbm>> -> memref<10240x128xf32, #tpu.memory_space<hbm>>
        tpu.enqueue_indirect_dma source(%dma_start3A_173 : memref<10240x128xf32, #tpu.memory_space<hbm>>) target(%arg12 : memref<128x128xf32, #tpu.memory_space<vmem>>) offsets(%arg10 : memref<128xi32, #tpu.memory_space<vmem>>) semaphore(%arg19 : memref<!tpu.dma_semaphore, #tpu.memory_space<semaphore_mem>>)
      } else {
      }
      %dma_wait3A_97 = arith.constant 0 : i32
      %dma_wait3A_98 = arith.constant 0 : i32
      %dma_wait3A_99 = tpu.memref_slice %arg2[%dma_wait3A_97, %dma_wait3A_98] : memref<10240x128xf32, #tpu.memory_space<hbm>> -> memref<10240x128xf32, #tpu.memory_space<hbm>>
      tpu.wait_indirect_dma semaphore(%arg20 : memref<!tpu.dma_semaphore, #tpu.memory_space<semaphore_mem>>) src(%dma_wait3A_99 : memref<10240x128xf32, #tpu.memory_space<hbm>>) dst(%arg13 : memref<128x128xf32, #tpu.memory_space<vmem>>)
      %dma_start3A_100 = arith.constant 0 : i32
      %dma_start3A_101 = tpu.memref_slice %arg7[%add3A_80, %dma_start3A_100] : memref<80x128xi32, #tpu.memory_space<vmem>> -> memref<1x128xi32, #tpu.memory_space<vmem>>
      %dma_start3A_102 = tpu.memref_squeeze %dma_start3A_101 : memref<1x128xi32, #tpu.memory_space<vmem>> -> memref<128xi32, #tpu.memory_space<vmem>>
      %dma_start3A_103 = arith.constant 0 : i32
      %dma_start3A_104 = arith.constant 0 : i32
      %dma_start3A_105 = tpu.memref_slice %arg14[%dma_start3A_103, %dma_start3A_104] : memref<10240x128xf32, #tpu.memory_space<vmem_shared>> -> memref<10240x128xf32, #tpu.memory_space<vmem_shared>>
      tpu.enqueue_indirect_dma source(%arg13 : memref<128x128xf32, #tpu.memory_space<vmem>>) target(%dma_start3A_105 : memref<10240x128xf32, #tpu.memory_space<vmem_shared>>) offsets(%dma_start3A_102 : memref<128xi32, #tpu.memory_space<vmem>>) semaphore(%arg22 : memref<!tpu.dma_semaphore, #tpu.memory_space<semaphore_mem>>) {add = true}
      %add3A_106 = arith.constant 2 : i32
      %add3A_107 = arith.addi %mul3A_55, %add3A_106 : i32
      %add3A_108 = arith.constant 4 : i32
      %add3A_109 = arith.addi %add3A_107, %add3A_108 : i32
      %sub3A_110 = arith.constant 1 : i32
      %sub3A_111 = arith.subi %add3A_109, %sub3A_110 : i32
      %lt3A_112 = arith.constant 80 : i32
      %lt3A_113 = arith.cmpi slt, %sub3A_111, %lt3A_112 : i32
      %convert_element_type3A_114 = arith.extui %lt3A_113 : i1 to i32
      %cond3A_115 = arith.constant 0 : i32
      %cond3A_116 = arith.cmpi ne, %convert_element_type3A_114, %cond3A_115 : i32
      scf.if %cond3A_116 {
        %add3A_160 = arith.constant 4 : i32
        %add3A_161 = arith.addi %add3A_107, %add3A_160 : i32
        %sub3A_162 = arith.constant 1 : i32
        %sub3A_163 = arith.subi %add3A_161, %sub3A_162 : i32
        %mul3A_164 = arith.constant 128 : i32
        %mul3A_165 = arith.muli %sub3A_163, %mul3A_164 : i32
        %add3A_166 = arith.addi %mul3A_2, %mul3A_165 : i32
        %dma_start3A_167 = tpu.memref_slice %arg3[%add3A_166] : memref<327680xi32, #tpu.memory_space<hbm>> -> memref<128xi32, #tpu.memory_space<hbm>>
        %dma_start3A_168 = tpu.memref_slice %arg3[%add3A_166] : memref<327680xi32, #tpu.memory_space<hbm>> -> memref<128xi32, #tpu.memory_space<hbm>>
        tpu.enqueue_dma source(%dma_start3A_168 : memref<128xi32, #tpu.memory_space<hbm>>) target(%arg9 : memref<128xi32, #tpu.memory_space<vmem>>) target_semaphore(%arg16 : memref<!tpu.dma_semaphore, #tpu.memory_space<semaphore_mem>>)
      } else {
      }
      %add3A_117 = arith.constant 1 : i32
      %add3A_118 = arith.addi %add3A_107, %add3A_117 : i32
      %lt3A_119 = arith.constant 80 : i32
      %lt3A_120 = arith.cmpi slt, %add3A_118, %lt3A_119 : i32
      %convert_element_type3A_121 = arith.extui %lt3A_120 : i1 to i32
      %cond3A_122 = arith.constant 0 : i32
      %cond3A_123 = arith.cmpi ne, %convert_element_type3A_121, %cond3A_122 : i32
      scf.if %cond3A_123 {
        %ge3A = arith.constant 1 : i32
        %ge3A_160 = arith.cmpi sge, %add3A_107, %ge3A : i32
        %convert_element_type3A_161 = arith.extui %ge3A_160 : i1 to i32
        %cond3A_162 = arith.constant 0 : i32
        %cond3A_163 = arith.cmpi ne, %convert_element_type3A_161, %cond3A_162 : i32
        scf.if %cond3A_163 {
          %sub3A_174 = arith.constant 1 : i32
          %sub3A_175 = arith.subi %add3A_107, %sub3A_174 : i32
          %dma_wait3A_176 = arith.constant 0 : i32
          %dma_wait3A_177 = tpu.memref_slice %arg7[%sub3A_175, %dma_wait3A_176] : memref<80x128xi32, #tpu.memory_space<vmem>> -> memref<1x128xi32, #tpu.memory_space<vmem>>
          %dma_wait3A_178 = tpu.memref_squeeze %dma_wait3A_177 : memref<1x128xi32, #tpu.memory_space<vmem>> -> memref<128xi32, #tpu.memory_space<vmem>>
          %dma_wait3A_179 = arith.constant 0 : i32
          %dma_wait3A_180 = arith.constant 0 : i32
          %dma_wait3A_181 = tpu.memref_slice %arg14[%dma_wait3A_179, %dma_wait3A_180] : memref<10240x128xf32, #tpu.memory_space<vmem_shared>> -> memref<10240x128xf32, #tpu.memory_space<vmem_shared>>
          tpu.wait_indirect_dma semaphore(%arg22 : memref<!tpu.dma_semaphore, #tpu.memory_space<semaphore_mem>>) src(%arg13 : memref<128x128xf32, #tpu.memory_space<vmem>>) dst(%dma_wait3A_181 : memref<10240x128xf32, #tpu.memory_space<vmem_shared>>)
        } else {
        }
        %add3A_164 = arith.constant 1 : i32
        %add3A_165 = arith.addi %add3A_107, %add3A_164 : i32
        %mul3A_166 = arith.constant 128 : i32
        %mul3A_167 = arith.muli %add3A_165, %mul3A_166 : i32
        %add3A_168 = arith.addi %mul3A_2, %mul3A_167 : i32
        %dma_wait3A_169 = tpu.memref_slice %arg3[%add3A_168] : memref<327680xi32, #tpu.memory_space<hbm>> -> memref<128xi32, #tpu.memory_space<hbm>>
        %dma_wait3A_170 = tpu.memref_slice %arg3[%add3A_168] : memref<327680xi32, #tpu.memory_space<hbm>> -> memref<128xi32, #tpu.memory_space<hbm>>
        tpu.wait_dma2 semaphore(%arg18 : memref<!tpu.dma_semaphore, #tpu.memory_space<semaphore_mem>>) src(%dma_wait3A_170 : memref<128xi32, #tpu.memory_space<hbm>>) dst(%arg11 : memref<128xi32, #tpu.memory_space<vmem>>)
        %dma_start3A_171 = arith.constant 0 : i32
        %dma_start3A_172 = arith.constant 0 : i32
        %dma_start3A_173 = tpu.memref_slice %arg2[%dma_start3A_171, %dma_start3A_172] : memref<10240x128xf32, #tpu.memory_space<hbm>> -> memref<10240x128xf32, #tpu.memory_space<hbm>>
        tpu.enqueue_indirect_dma source(%dma_start3A_173 : memref<10240x128xf32, #tpu.memory_space<hbm>>) target(%arg13 : memref<128x128xf32, #tpu.memory_space<vmem>>) offsets(%arg11 : memref<128xi32, #tpu.memory_space<vmem>>) semaphore(%arg20 : memref<!tpu.dma_semaphore, #tpu.memory_space<semaphore_mem>>)
      } else {
      }
      %dma_wait3A_124 = arith.constant 0 : i32
      %dma_wait3A_125 = arith.constant 0 : i32
      %dma_wait3A_126 = tpu.memref_slice %arg2[%dma_wait3A_124, %dma_wait3A_125] : memref<10240x128xf32, #tpu.memory_space<hbm>> -> memref<10240x128xf32, #tpu.memory_space<hbm>>
      tpu.wait_indirect_dma semaphore(%arg19 : memref<!tpu.dma_semaphore, #tpu.memory_space<semaphore_mem>>) src(%dma_wait3A_126 : memref<10240x128xf32, #tpu.memory_space<hbm>>) dst(%arg12 : memref<128x128xf32, #tpu.memory_space<vmem>>)
      %dma_start3A_127 = arith.constant 0 : i32
      %dma_start3A_128 = tpu.memref_slice %arg7[%add3A_107, %dma_start3A_127] : memref<80x128xi32, #tpu.memory_space<vmem>> -> memref<1x128xi32, #tpu.memory_space<vmem>>
      %dma_start3A_129 = tpu.memref_squeeze %dma_start3A_128 : memref<1x128xi32, #tpu.memory_space<vmem>> -> memref<128xi32, #tpu.memory_space<vmem>>
      %dma_start3A_130 = arith.constant 0 : i32
      %dma_start3A_131 = arith.constant 0 : i32
      %dma_start3A_132 = tpu.memref_slice %arg14[%dma_start3A_130, %dma_start3A_131] : memref<10240x128xf32, #tpu.memory_space<vmem_shared>> -> memref<10240x128xf32, #tpu.memory_space<vmem_shared>>
      tpu.enqueue_indirect_dma source(%arg12 : memref<128x128xf32, #tpu.memory_space<vmem>>) target(%dma_start3A_132 : memref<10240x128xf32, #tpu.memory_space<vmem_shared>>) offsets(%dma_start3A_129 : memref<128xi32, #tpu.memory_space<vmem>>) semaphore(%arg21 : memref<!tpu.dma_semaphore, #tpu.memory_space<semaphore_mem>>) {add = true}
      %add3A_133 = arith.constant 3 : i32
      %add3A_134 = arith.addi %mul3A_55, %add3A_133 : i32
      %add3A_135 = arith.constant 4 : i32
      %add3A_136 = arith.addi %add3A_134, %add3A_135 : i32
      %sub3A_137 = arith.constant 1 : i32
      %sub3A_138 = arith.subi %add3A_136, %sub3A_137 : i32
      %lt3A_139 = arith.constant 80 : i32
      %lt3A_140 = arith.cmpi slt, %sub3A_138, %lt3A_139 : i32
      %convert_element_type3A_141 = arith.extui %lt3A_140 : i1 to i32
      %cond3A_142 = arith.constant 0 : i32
      %cond3A_143 = arith.cmpi ne, %convert_element_type3A_141, %cond3A_142 : i32
      scf.if %cond3A_143 {
        %add3A_160 = arith.constant 4 : i32
        %add3A_161 = arith.addi %add3A_134, %add3A_160 : i32
        %sub3A_162 = arith.constant 1 : i32
        %sub3A_163 = arith.subi %add3A_161, %sub3A_162 : i32
        %mul3A_164 = arith.constant 128 : i32
        %mul3A_165 = arith.muli %sub3A_163, %mul3A_164 : i32
        %add3A_166 = arith.addi %mul3A_2, %mul3A_165 : i32
        %dma_start3A_167 = tpu.memref_slice %arg3[%add3A_166] : memref<327680xi32, #tpu.memory_space<hbm>> -> memref<128xi32, #tpu.memory_space<hbm>>
        %dma_start3A_168 = tpu.memref_slice %arg3[%add3A_166] : memref<327680xi32, #tpu.memory_space<hbm>> -> memref<128xi32, #tpu.memory_space<hbm>>
        tpu.enqueue_dma source(%dma_start3A_168 : memref<128xi32, #tpu.memory_space<hbm>>) target(%arg10 : memref<128xi32, #tpu.memory_space<vmem>>) target_semaphore(%arg17 : memref<!tpu.dma_semaphore, #tpu.memory_space<semaphore_mem>>)
      } else {
      }
      %add3A_144 = arith.constant 1 : i32
      %add3A_145 = arith.addi %add3A_134, %add3A_144 : i32
      %lt3A_146 = arith.constant 80 : i32
      %lt3A_147 = arith.cmpi slt, %add3A_145, %lt3A_146 : i32
      %convert_element_type3A_148 = arith.extui %lt3A_147 : i1 to i32
      %cond3A_149 = arith.constant 0 : i32
      %cond3A_150 = arith.cmpi ne, %convert_element_type3A_148, %cond3A_149 : i32
      scf.if %cond3A_150 {
        %ge3A = arith.constant 1 : i32
        %ge3A_160 = arith.cmpi sge, %add3A_134, %ge3A : i32
        %convert_element_type3A_161 = arith.extui %ge3A_160 : i1 to i32
        %cond3A_162 = arith.constant 0 : i32
        %cond3A_163 = arith.cmpi ne, %convert_element_type3A_161, %cond3A_162 : i32
        scf.if %cond3A_163 {
          %sub3A_174 = arith.constant 1 : i32
          %sub3A_175 = arith.subi %add3A_134, %sub3A_174 : i32
          %dma_wait3A_176 = arith.constant 0 : i32
          %dma_wait3A_177 = tpu.memref_slice %arg7[%sub3A_175, %dma_wait3A_176] : memref<80x128xi32, #tpu.memory_space<vmem>> -> memref<1x128xi32, #tpu.memory_space<vmem>>
          %dma_wait3A_178 = tpu.memref_squeeze %dma_wait3A_177 : memref<1x128xi32, #tpu.memory_space<vmem>> -> memref<128xi32, #tpu.memory_space<vmem>>
          %dma_wait3A_179 = arith.constant 0 : i32
          %dma_wait3A_180 = arith.constant 0 : i32
          %dma_wait3A_181 = tpu.memref_slice %arg14[%dma_wait3A_179, %dma_wait3A_180] : memref<10240x128xf32, #tpu.memory_space<vmem_shared>> -> memref<10240x128xf32, #tpu.memory_space<vmem_shared>>
          tpu.wait_indirect_dma semaphore(%arg21 : memref<!tpu.dma_semaphore, #tpu.memory_space<semaphore_mem>>) src(%arg12 : memref<128x128xf32, #tpu.memory_space<vmem>>) dst(%dma_wait3A_181 : memref<10240x128xf32, #tpu.memory_space<vmem_shared>>)
        } else {
        }
        %add3A_164 = arith.constant 1 : i32
        %add3A_165 = arith.addi %add3A_134, %add3A_164 : i32
        %mul3A_166 = arith.constant 128 : i32
        %mul3A_167 = arith.muli %add3A_165, %mul3A_166 : i32
        %add3A_168 = arith.addi %mul3A_2, %mul3A_167 : i32
        %dma_wait3A_169 = tpu.memref_slice %arg3[%add3A_168] : memref<327680xi32, #tpu.memory_space<hbm>> -> memref<128xi32, #tpu.memory_space<hbm>>
        %dma_wait3A_170 = tpu.memref_slice %arg3[%add3A_168] : memref<327680xi32, #tpu.memory_space<hbm>> -> memref<128xi32, #tpu.memory_space<hbm>>
        tpu.wait_dma2 semaphore(%arg15 : memref<!tpu.dma_semaphore, #tpu.memory_space<semaphore_mem>>) src(%dma_wait3A_170 : memref<128xi32, #tpu.memory_space<hbm>>) dst(%arg8 : memref<128xi32, #tpu.memory_space<vmem>>)
        %dma_start3A_171 = arith.constant 0 : i32
        %dma_start3A_172 = arith.constant 0 : i32
        %dma_start3A_173 = tpu.memref_slice %arg2[%dma_start3A_171, %dma_start3A_172] : memref<10240x128xf32, #tpu.memory_space<hbm>> -> memref<10240x128xf32, #tpu.memory_space<hbm>>
        tpu.enqueue_indirect_dma source(%dma_start3A_173 : memref<10240x128xf32, #tpu.memory_space<hbm>>) target(%arg12 : memref<128x128xf32, #tpu.memory_space<vmem>>) offsets(%arg8 : memref<128xi32, #tpu.memory_space<vmem>>) semaphore(%arg19 : memref<!tpu.dma_semaphore, #tpu.memory_space<semaphore_mem>>)
      } else {
      }
      %dma_wait3A_151 = arith.constant 0 : i32
      %dma_wait3A_152 = arith.constant 0 : i32
      %dma_wait3A_153 = tpu.memref_slice %arg2[%dma_wait3A_151, %dma_wait3A_152] : memref<10240x128xf32, #tpu.memory_space<hbm>> -> memref<10240x128xf32, #tpu.memory_space<hbm>>
      tpu.wait_indirect_dma semaphore(%arg20 : memref<!tpu.dma_semaphore, #tpu.memory_space<semaphore_mem>>) src(%dma_wait3A_153 : memref<10240x128xf32, #tpu.memory_space<hbm>>) dst(%arg13 : memref<128x128xf32, #tpu.memory_space<vmem>>)
      %dma_start3A_154 = arith.constant 0 : i32
      %dma_start3A_155 = tpu.memref_slice %arg7[%add3A_134, %dma_start3A_154] : memref<80x128xi32, #tpu.memory_space<vmem>> -> memref<1x128xi32, #tpu.memory_space<vmem>>
      %dma_start3A_156 = tpu.memref_squeeze %dma_start3A_155 : memref<1x128xi32, #tpu.memory_space<vmem>> -> memref<128xi32, #tpu.memory_space<vmem>>
      %dma_start3A_157 = arith.constant 0 : i32
      %dma_start3A_158 = arith.constant 0 : i32
      %dma_start3A_159 = tpu.memref_slice %arg14[%dma_start3A_157, %dma_start3A_158] : memref<10240x128xf32, #tpu.memory_space<vmem_shared>> -> memref<10240x128xf32, #tpu.memory_space<vmem_shared>>
      tpu.enqueue_indirect_dma source(%arg13 : memref<128x128xf32, #tpu.memory_space<vmem>>) target(%dma_start3A_159 : memref<10240x128xf32, #tpu.memory_space<vmem_shared>>) offsets(%dma_start3A_156 : memref<128xi32, #tpu.memory_space<vmem>>) semaphore(%arg22 : memref<!tpu.dma_semaphore, #tpu.memory_space<semaphore_mem>>) {add = true}
    }
    %scan3A_30 = arith.constant 20 : i32
    %dma_wait3A_31 = arith.constant 78 : i32
    %dma_wait3A_32 = arith.constant 0 : i32
    %dma_wait3A_33 = tpu.memref_slice %arg7[%dma_wait3A_31, %dma_wait3A_32] : memref<80x128xi32, #tpu.memory_space<vmem>> -> memref<1x128xi32, #tpu.memory_space<vmem>>
    %dma_wait3A_34 = tpu.memref_squeeze %dma_wait3A_33 : memref<1x128xi32, #tpu.memory_space<vmem>> -> memref<128xi32, #tpu.memory_space<vmem>>
    %dma_wait3A_35 = arith.constant 0 : i32
    %dma_wait3A_36 = arith.constant 0 : i32
    %dma_wait3A_37 = tpu.memref_slice %arg14[%dma_wait3A_35, %dma_wait3A_36] : memref<10240x128xf32, #tpu.memory_space<vmem_shared>> -> memref<10240x128xf32, #tpu.memory_space<vmem_shared>>
    tpu.wait_indirect_dma semaphore(%arg21 : memref<!tpu.dma_semaphore, #tpu.memory_space<semaphore_mem>>) src(%arg12 : memref<128x128xf32, #tpu.memory_space<vmem>>) dst(%dma_wait3A_37 : memref<10240x128xf32, #tpu.memory_space<vmem_shared>>)
    %dma_wait3A_38 = arith.constant 79 : i32
    %dma_wait3A_39 = arith.constant 0 : i32
    %dma_wait3A_40 = tpu.memref_slice %arg7[%dma_wait3A_38, %dma_wait3A_39] : memref<80x128xi32, #tpu.memory_space<vmem>> -> memref<1x128xi32, #tpu.memory_space<vmem>>
    %dma_wait3A_41 = tpu.memref_squeeze %dma_wait3A_40 : memref<1x128xi32, #tpu.memory_space<vmem>> -> memref<128xi32, #tpu.memory_space<vmem>>
    %dma_wait3A_42 = arith.constant 0 : i32
    %dma_wait3A_43 = arith.constant 0 : i32
    %dma_wait3A_44 = tpu.memref_slice %arg14[%dma_wait3A_42, %dma_wait3A_43] : memref<10240x128xf32, #tpu.memory_space<vmem_shared>> -> memref<10240x128xf32, #tpu.memory_space<vmem_shared>>
    tpu.wait_indirect_dma semaphore(%arg22 : memref<!tpu.dma_semaphore, #tpu.memory_space<semaphore_mem>>) src(%arg13 : memref<128x128xf32, #tpu.memory_space<vmem>>) dst(%dma_wait3A_44 : memref<10240x128xf32, #tpu.memory_space<vmem_shared>>)
    %barrier3A_45 = arith.constant 0 : index
    tpu.barrier barrier_id(%barrier3A_45)
    %mul3A_46 = arith.constant 640 : i32
    %mul3A_47 = arith.muli %arg1, %mul3A_46 : i32
    %mul3A_48 = arith.constant 10240 : i32
    %mul3A_49 = arith.muli %arg0, %mul3A_48 : i32
    %mul3A_50 = arith.constant 640 : i32
    %mul3A_51 = arith.muli %arg1, %mul3A_50 : i32
    %add3A_52 = arith.addi %mul3A_49, %mul3A_51 : i32
    "tpu.region"() ({
      %run_scoped3A = tpu.sem_alloc : memref<!tpu.dma_semaphore, #tpu.memory_space<semaphore_mem>>
      %dma_start3A_53 = arith.constant 0 : i32
      %dma_start3A_54 = tpu.memref_slice %arg6[%add3A_52, %dma_start3A_53] : memref<20480x128xf32, #tpu.memory_space<hbm>> -> memref<640x128xf32, #tpu.memory_space<hbm>>
      %dma_start3A_55 = arith.constant 0 : i32
      %dma_start3A_56 = tpu.memref_slice %arg14[%mul3A_47, %dma_start3A_55] : memref<10240x128xf32, #tpu.memory_space<vmem_shared>> -> memref<640x128xf32, #tpu.memory_space<vmem_shared>>
      tpu.enqueue_dma source(%dma_start3A_56 : memref<640x128xf32, #tpu.memory_space<vmem_shared>>) target(%dma_start3A_54 : memref<640x128xf32, #tpu.memory_space<hbm>>) target_semaphore(%run_scoped3A : memref<!tpu.dma_semaphore, #tpu.memory_space<semaphore_mem>>)
      %dma_wait3A_57 = arith.constant 0 : i32
      %dma_wait3A_58 = tpu.memref_slice %arg6[%add3A_52, %dma_wait3A_57] : memref<20480x128xf32, #tpu.memory_space<hbm>> -> memref<640x128xf32, #tpu.memory_space<hbm>>
      %dma_wait3A_59 = arith.constant 0 : i32
      %dma_wait3A_60 = tpu.memref_slice %arg14[%mul3A_47, %dma_wait3A_59] : memref<10240x128xf32, #tpu.memory_space<vmem_shared>> -> memref<640x128xf32, #tpu.memory_space<vmem_shared>>
      tpu.wait_dma2 semaphore(%run_scoped3A : memref<!tpu.dma_semaphore, #tpu.memory_space<semaphore_mem>>) src(%dma_wait3A_60 : memref<640x128xf32, #tpu.memory_space<vmem_shared>>) dst(%dma_wait3A_58 : memref<640x128xf32, #tpu.memory_space<hbm>>)
      tpu.yield
    }) : () -> ()
    return
  }
}

module attributes {stable_mosaic.version = 14 : i64} {
  func.func @body(%arg0: i32, %arg1: memref<2x1024x128xf32, #tpu.memory_space<vmem>>, %arg2: memref<1024x128xf32, #tpu.memory_space<vmem>>, %arg3: memref<128x128xf32, #tpu.memory_space<vmem>>, %arg4: memref<1024x128xf32, #tpu.memory_space<vmem>>, %arg5: memref<1024x128xf32, #tpu.memory_space<vmem>>) attributes {dimension_semantics = [#tpu.dimension_semantics<arbitrary>], iteration_bounds = array<i64: 10>, scalar_prefetch = 0 : i64, scratch_operands = 0 : i64, tpu.core_type = #tpu.core_type<tc>, window_params = [{transform_indices = @transform_0, window_bounds = array<i64: 2, 1024, 128>}, {transform_indices = @transform_1, window_bounds = array<i64: 1024, 128>}, {pipeline_mode = #tpu.pipeline_mode<synchronous>, transform_indices = @transform_2, window_bounds = array<i64: 128, 128>}, {transform_indices = @transform_3, window_bounds = array<i64: 1024, 128>}, {transform_indices = @transform_4, window_bounds = array<i64: 1024, 128>}]} {
    %get3A = arith.constant 0 : index
    %get3A_0 = arith.constant 0 : index
    %get3A_1 = arith.constant 0 : index
    %get3A_2 = vector.load %arg1[%get3A, %get3A_0, %get3A_1] : memref<2x1024x128xf32, #tpu.memory_space<vmem>>, vector<1x1024x128xf32>
    %get3A_3 = vector.shape_cast %get3A_2 : vector<1x1024x128xf32> to vector<1024x128xf32>
    %get3A_4 = arith.constant 1 : index
    %get3A_5 = arith.constant 0 : index
    %get3A_6 = arith.constant 0 : index
    %get3A_7 = vector.load %arg1[%get3A_4, %get3A_5, %get3A_6] : memref<2x1024x128xf32, #tpu.memory_space<vmem>>, vector<1x1024x128xf32>
    %get3A_8 = vector.shape_cast %get3A_7 : vector<1x1024x128xf32> to vector<1024x128xf32>
    %add3A = arith.addf %get3A_3, %get3A_8 : vector<1024x128xf32>
    %add3A_9 = arith.constant 1.000000e+00 : f32
    %add3A_10 = vector.broadcast %add3A_9 : f32 to vector<1024x128xf32>
    %add3A_11 = arith.addf %add3A, %add3A_10 : vector<1024x128xf32>
    %rsqrt3A = math.rsqrt %add3A_11 : vector<1024x128xf32>
    %get3A_12 = arith.constant 0 : index
    %get3A_13 = arith.constant 0 : index
    %get3A_14 = vector.load %arg2[%get3A_12, %get3A_13] : memref<1024x128xf32, #tpu.memory_space<vmem>>, vector<1024x128xf32>
    %get3A_15 = arith.constant 0 : index
    %get3A_16 = arith.constant 0 : index
    %get3A_17 = vector.load %arg3[%get3A_15, %get3A_16] : memref<128x128xf32, #tpu.memory_space<vmem>>, vector<128x128xf32>
    %dot_general3A = arith.constant dense<0.000000e+00> : vector<1024x128xf32>
    %dot_general3A_18 = tpu.matmul %get3A_14, %get3A_17, %dot_general3A {dimension_numbers = #tpu.dot_dimension_numbers<[1], [0], [0], [1], [0, 0, 1, 1], [], []>, precision = #tpu.contract_precision<fp32>, transpose_lhs_hint = false} : vector<1024x128xf32>, vector<128x128xf32>, vector<1024x128xf32> -> vector<1024x128xf32>
    %mul3A = arith.mulf %dot_general3A_18, %rsqrt3A : vector<1024x128xf32>
    %swap3A = arith.constant 0 : index
    %swap3A_19 = arith.constant 0 : index
    %swap3A_20 = vector.load %arg4[%swap3A, %swap3A_19] : memref<1024x128xf32, #tpu.memory_space<vmem>>, vector<1024x128xf32>
    tpu.vector_store %arg4[%swap3A, %swap3A_19], %mul3A {strides = array<i32>} : memref<1024x128xf32, #tpu.memory_space<vmem>>, vector<1024x128xf32>,
    %swap3A_21 = arith.constant 0 : index
    %swap3A_22 = arith.constant 0 : index
    %swap3A_23 = vector.load %arg5[%swap3A_21, %swap3A_22] : memref<1024x128xf32, #tpu.memory_space<vmem>>, vector<1024x128xf32>
    tpu.vector_store %arg5[%swap3A_21, %swap3A_22], %rsqrt3A {strides = array<i32>} : memref<1024x128xf32, #tpu.memory_space<vmem>>, vector<1024x128xf32>,
    return
  }
  func.func @transform_0(%arg0: i32) -> (i32, i32, i32) {
    %c0_i32 = arith.constant 0 : i32
    %c0_i32_0 = arith.constant 0 : i32
    %c0_i32_1 = arith.constant 0 : i32
    return %c0_i32, %arg0, %c0_i32_0 : i32, i32, i32
  }
  func.func @transform_1(%arg0: i32) -> (i32, i32) {
    %c0_i32 = arith.constant 0 : i32
    %c0_i32_0 = arith.constant 0 : i32
    return %arg0, %c0_i32 : i32, i32
  }
  func.func @transform_2(%arg0: i32) -> (i32, i32) {
    %c0_i32 = arith.constant 0 : i32
    %c0_i32_0 = arith.constant 0 : i32
    %c0_i32_1 = arith.constant 0 : i32
    return %c0_i32, %c0_i32_0 : i32, i32
  }
  func.func @transform_3(%arg0: i32) -> (i32, i32) {
    %c0_i32 = arith.constant 0 : i32
    %c0_i32_0 = arith.constant 0 : i32
    return %arg0, %c0_i32 : i32, i32
  }
  func.func @transform_4(%arg0: i32) -> (i32, i32) {
    %c0_i32 = arith.constant 0 : i32
    %c0_i32_0 = arith.constant 0 : i32
    return %arg0, %c0_i32 : i32, i32
  }
}

module attributes {stable_mosaic.version = 14 : i64} {
  func.func @body(%arg0: i32, %arg1: memref<2x1024x128xf32, #tpu.memory_space<vmem>>, %arg2: memref<1024x128xf32, #tpu.memory_space<vmem>>, %arg3: memref<1024x128xf32, #tpu.memory_space<vmem>>, %arg4: memref<1x128xf32, #tpu.memory_space<vmem>>, %arg5: memref<128x128xf32, #tpu.memory_space<vmem>>, %arg6: memref<1024x128xf32, #tpu.memory_space<vmem>>) attributes {dimension_semantics = [#tpu.dimension_semantics<arbitrary>], iteration_bounds = array<i64: 10>, scalar_prefetch = 0 : i64, scratch_operands = 0 : i64, tpu.core_type = #tpu.core_type<tc>, window_params = [{transform_indices = @transform_0, window_bounds = array<i64: 2, 1024, 128>}, {transform_indices = @transform_1, window_bounds = array<i64: 1024, 128>}, {transform_indices = @transform_2, window_bounds = array<i64: 1024, 128>}, {pipeline_mode = #tpu.pipeline_mode<synchronous>, transform_indices = @transform_3, window_bounds = array<i64: 1, 128>}, {pipeline_mode = #tpu.pipeline_mode<synchronous>, transform_indices = @transform_4, window_bounds = array<i64: 128, 128>}, {transform_indices = @transform_5, window_bounds = array<i64: 1024, 128>}]} {
    %get3A = arith.constant 0 : index
    %get3A_0 = arith.constant 0 : index
    %get3A_1 = arith.constant 0 : index
    %get3A_2 = vector.load %arg1[%get3A, %get3A_0, %get3A_1] : memref<2x1024x128xf32, #tpu.memory_space<vmem>>, vector<1x1024x128xf32>
    %get3A_3 = vector.shape_cast %get3A_2 : vector<1x1024x128xf32> to vector<1024x128xf32>
    %get3A_4 = arith.constant 1 : index
    %get3A_5 = arith.constant 0 : index
    %get3A_6 = arith.constant 0 : index
    %get3A_7 = vector.load %arg1[%get3A_4, %get3A_5, %get3A_6] : memref<2x1024x128xf32, #tpu.memory_space<vmem>>, vector<1x1024x128xf32>
    %get3A_8 = vector.shape_cast %get3A_7 : vector<1x1024x128xf32> to vector<1024x128xf32>
    %add3A = arith.addf %get3A_3, %get3A_8 : vector<1024x128xf32>
    %get3A_9 = arith.constant 0 : index
    %get3A_10 = arith.constant 0 : index
    %get3A_11 = vector.load %arg2[%get3A_9, %get3A_10] : memref<1024x128xf32, #tpu.memory_space<vmem>>, vector<1024x128xf32>
    %add3A_12 = arith.addf %add3A, %get3A_11 : vector<1024x128xf32>
    %get3A_13 = arith.constant 0 : index
    %get3A_14 = arith.constant 0 : index
    %get3A_15 = vector.load %arg3[%get3A_13, %get3A_14] : memref<1024x128xf32, #tpu.memory_space<vmem>>, vector<1024x128xf32>
    %mul3A = arith.mulf %add3A_12, %get3A_15 : vector<1024x128xf32>
    %get3A_16 = arith.constant 0 : index
    %get3A_17 = arith.constant 0 : index
    %get3A_18 = vector.load %arg4[%get3A_16, %get3A_17] : memref<1x128xf32, #tpu.memory_space<vmem>>, vector<1x128xf32>
    %add3A_19 = vector.broadcast %get3A_18 : vector<1x128xf32> to vector<1024x128xf32>
    %add3A_20 = arith.addf %mul3A, %add3A_19 : vector<1024x128xf32>
    %max3A = arith.constant 0.000000e+00 : f32
    %max3A_21 = vector.broadcast %max3A : f32 to vector<1024x128xf32>
    %max3A_22 = arith.maximumf %add3A_20, %max3A_21 : vector<1024x128xf32>
    %get3A_23 = arith.constant 0 : index
    %get3A_24 = arith.constant 0 : index
    %get3A_25 = vector.load %arg5[%get3A_23, %get3A_24] : memref<128x128xf32, #tpu.memory_space<vmem>>, vector<128x128xf32>
    %dot_general3A = arith.constant dense<0.000000e+00> : vector<1024x128xf32>
    %dot_general3A_26 = tpu.matmul %max3A_22, %get3A_25, %dot_general3A {dimension_numbers = #tpu.dot_dimension_numbers<[1], [0], [0], [1], [0, 0, 1, 1], [], []>, precision = #tpu.contract_precision<fp32>, transpose_lhs_hint = false} : vector<1024x128xf32>, vector<128x128xf32>, vector<1024x128xf32> -> vector<1024x128xf32>
    %get3A_27 = arith.constant 0 : index
    %get3A_28 = arith.constant 0 : index
    %get3A_29 = vector.load %arg3[%get3A_27, %get3A_28] : memref<1024x128xf32, #tpu.memory_space<vmem>>, vector<1024x128xf32>
    %mul3A_30 = arith.mulf %dot_general3A_26, %get3A_29 : vector<1024x128xf32>
    %swap3A = arith.constant 0 : index
    %swap3A_31 = arith.constant 0 : index
    %swap3A_32 = vector.load %arg6[%swap3A, %swap3A_31] : memref<1024x128xf32, #tpu.memory_space<vmem>>, vector<1024x128xf32>
    tpu.vector_store %arg6[%swap3A, %swap3A_31], %mul3A_30 {strides = array<i32>} : memref<1024x128xf32, #tpu.memory_space<vmem>>, vector<1024x128xf32>,
    return
  }
  func.func @transform_0(%arg0: i32) -> (i32, i32, i32) {
    %c0_i32 = arith.constant 0 : i32
    %c0_i32_0 = arith.constant 0 : i32
    %c0_i32_1 = arith.constant 0 : i32
    return %c0_i32, %arg0, %c0_i32_0 : i32, i32, i32
  }
  func.func @transform_1(%arg0: i32) -> (i32, i32) {
    %c0_i32 = arith.constant 0 : i32
    %c0_i32_0 = arith.constant 0 : i32
    return %arg0, %c0_i32 : i32, i32
  }
  func.func @transform_2(%arg0: i32) -> (i32, i32) {
    %c0_i32 = arith.constant 0 : i32
    %c0_i32_0 = arith.constant 0 : i32
    return %arg0, %c0_i32 : i32, i32
  }
  func.func @transform_3(%arg0: i32) -> (i32, i32) {
    %c0_i32 = arith.constant 0 : i32
    %c0_i32_0 = arith.constant 0 : i32
    %c0_i32_1 = arith.constant 0 : i32
    return %c0_i32, %c0_i32_0 : i32, i32
  }
  func.func @transform_4(%arg0: i32) -> (i32, i32) {
    %c0_i32 = arith.constant 0 : i32
    %c0_i32_0 = arith.constant 0 : i32
    %c0_i32_1 = arith.constant 0 : i32
    return %c0_i32, %c0_i32_0 : i32, i32
  }
  func.func @transform_5(%arg0: i32) -> (i32, i32) {
    %c0_i32 = arith.constant 0 : i32
    %c0_i32_0 = arith.constant 0 : i32
    return %arg0, %c0_i32 : i32, i32
  }
}

module attributes {stable_mosaic.version = 14 : i64} {
  func.func @body(%arg0: i32, %arg1: memref<2x1024x128xf32, #tpu.memory_space<vmem>>, %arg2: memref<1024x128xf32, #tpu.memory_space<vmem>>, %arg3: memref<1024x128xf32, #tpu.memory_space<vmem>>, %arg4: memref<1x128xf32, #tpu.memory_space<vmem>>, %arg5: memref<1024x128xf32, #tpu.memory_space<vmem>>) attributes {dimension_semantics = [#tpu.dimension_semantics<arbitrary>], iteration_bounds = array<i64: 10>, scalar_prefetch = 0 : i64, scratch_operands = 0 : i64, tpu.core_type = #tpu.core_type<tc>, window_params = [{transform_indices = @transform_0, window_bounds = array<i64: 2, 1024, 128>}, {transform_indices = @transform_1, window_bounds = array<i64: 1024, 128>}, {transform_indices = @transform_2, window_bounds = array<i64: 1024, 128>}, {pipeline_mode = #tpu.pipeline_mode<synchronous>, transform_indices = @transform_3, window_bounds = array<i64: 1, 128>}, {transform_indices = @transform_4, window_bounds = array<i64: 1024, 128>}]} {
    %get3A = arith.constant 0 : index
    %get3A_0 = arith.constant 0 : index
    %get3A_1 = arith.constant 0 : index
    %get3A_2 = vector.load %arg1[%get3A, %get3A_0, %get3A_1] : memref<2x1024x128xf32, #tpu.memory_space<vmem>>, vector<1x1024x128xf32>
    %get3A_3 = vector.shape_cast %get3A_2 : vector<1x1024x128xf32> to vector<1024x128xf32>
    %get3A_4 = arith.constant 1 : index
    %get3A_5 = arith.constant 0 : index
    %get3A_6 = arith.constant 0 : index
    %get3A_7 = vector.load %arg1[%get3A_4, %get3A_5, %get3A_6] : memref<2x1024x128xf32, #tpu.memory_space<vmem>>, vector<1x1024x128xf32>
    %get3A_8 = vector.shape_cast %get3A_7 : vector<1x1024x128xf32> to vector<1024x128xf32>
    %add3A = arith.addf %get3A_3, %get3A_8 : vector<1024x128xf32>
    %get3A_9 = arith.constant 0 : index
    %get3A_10 = arith.constant 0 : index
    %get3A_11 = vector.load %arg2[%get3A_9, %get3A_10] : memref<1024x128xf32, #tpu.memory_space<vmem>>, vector<1024x128xf32>
    %add3A_12 = arith.addf %add3A, %get3A_11 : vector<1024x128xf32>
    %get3A_13 = arith.constant 0 : index
    %get3A_14 = arith.constant 0 : index
    %get3A_15 = vector.load %arg3[%get3A_13, %get3A_14] : memref<1024x128xf32, #tpu.memory_space<vmem>>, vector<1024x128xf32>
    %mul3A = arith.mulf %add3A_12, %get3A_15 : vector<1024x128xf32>
    %get3A_16 = arith.constant 0 : index
    %get3A_17 = arith.constant 0 : index
    %get3A_18 = vector.load %arg4[%get3A_16, %get3A_17] : memref<1x128xf32, #tpu.memory_space<vmem>>, vector<1x128xf32>
    %add3A_19 = vector.broadcast %get3A_18 : vector<1x128xf32> to vector<1024x128xf32>
    %add3A_20 = arith.addf %mul3A, %add3A_19 : vector<1024x128xf32>
    %swap3A = arith.constant 0 : index
    %swap3A_21 = arith.constant 0 : index
    %swap3A_22 = vector.load %arg5[%swap3A, %swap3A_21] : memref<1024x128xf32, #tpu.memory_space<vmem>>, vector<1024x128xf32>
    tpu.vector_store %arg5[%swap3A, %swap3A_21], %add3A_20 {strides = array<i32>} : memref<1024x128xf32, #tpu.memory_space<vmem>>, vector<1024x128xf32>,
    return
  }
  func.func @transform_0(%arg0: i32) -> (i32, i32, i32) {
    %c0_i32 = arith.constant 0 : i32
    %c0_i32_0 = arith.constant 0 : i32
    %c0_i32_1 = arith.constant 0 : i32
    return %c0_i32, %arg0, %c0_i32_0 : i32, i32, i32
  }
  func.func @transform_1(%arg0: i32) -> (i32, i32) {
    %c0_i32 = arith.constant 0 : i32
    %c0_i32_0 = arith.constant 0 : i32
    return %arg0, %c0_i32 : i32, i32
  }
  func.func @transform_2(%arg0: i32) -> (i32, i32) {
    %c0_i32 = arith.constant 0 : i32
    %c0_i32_0 = arith.constant 0 : i32
    return %arg0, %c0_i32 : i32, i32
  }
  func.func @transform_3(%arg0: i32) -> (i32, i32) {
    %c0_i32 = arith.constant 0 : i32
    %c0_i32_0 = arith.constant 0 : i32
    %c0_i32_1 = arith.constant 0 : i32
    return %c0_i32, %c0_i32_0 : i32, i32
  }
  func.func @transform_4(%arg0: i32) -> (i32, i32) {
    %c0_i32 = arith.constant 0 : i32
    %c0_i32_0 = arith.constant 0 : i32
    return %arg0, %c0_i32 : i32, i32
  }
}

module attributes {stable_mosaic.version = 14 : i64} {
  func.func @body(%arg0: i32, %arg1: memref<1024x640xf32, #tpu.memory_space<vmem>>, %arg2: memref<1024x128xf32, #tpu.memory_space<vmem>>, %arg3: memref<640x128xf32, #tpu.memory_space<vmem>>, %arg4: memref<1x128xf32, #tpu.memory_space<vmem>>, %arg5: memref<1024x128xf32, #tpu.memory_space<vmem>>) attributes {dimension_semantics = [#tpu.dimension_semantics<arbitrary>], iteration_bounds = array<i64: 4>, scalar_prefetch = 0 : i64, scratch_operands = 0 : i64, tpu.core_type = #tpu.core_type<tc>, window_params = [{transform_indices = @transform_0, window_bounds = array<i64: 1024, 640>}, {transform_indices = @transform_1, window_bounds = array<i64: 1024, 128>}, {pipeline_mode = #tpu.pipeline_mode<synchronous>, transform_indices = @transform_2, window_bounds = array<i64: 640, 128>}, {pipeline_mode = #tpu.pipeline_mode<synchronous>, transform_indices = @transform_3, window_bounds = array<i64: 1, 128>}, {transform_indices = @transform_4, window_bounds = array<i64: 1024, 128>}]} {
    %get3A = arith.constant 0 : index
    %get3A_0 = arith.constant 0 : index
    %get3A_1 = vector.load %arg2[%get3A, %get3A_0] : memref<1024x128xf32, #tpu.memory_space<vmem>>, vector<1024x128xf32>
    %get3A_2 = arith.constant 0 : index
    %get3A_3 = arith.constant 0 : index
    %get3A_4 = vector.load %arg1[%get3A_2, %get3A_3] : memref<1024x640xf32, #tpu.memory_space<vmem>>, vector<1024x640xf32>
    %get3A_5 = arith.constant 0 : index
    %get3A_6 = arith.constant 0 : index
    %get3A_7 = vector.load %arg3[%get3A_5, %get3A_6] : memref<640x128xf32, #tpu.memory_space<vmem>>, vector<640x128xf32>
    %dot_general3A = arith.constant dense<0.000000e+00> : vector<1024x128xf32>
    %dot_general3A_8 = tpu.matmul %get3A_4, %get3A_7, %dot_general3A {dimension_numbers = #tpu.dot_dimension_numbers<[1], [0], [0], [1], [0, 0, 1, 1], [], []>, precision = #tpu.contract_precision<fp32>, transpose_lhs_hint = false} : vector<1024x640xf32>, vector<640x128xf32>, vector<1024x128xf32> -> vector<1024x128xf32>
    %get3A_9 = arith.constant 0 : index
    %get3A_10 = arith.constant 0 : index
    %get3A_11 = vector.load %arg4[%get3A_9, %get3A_10] : memref<1x128xf32, #tpu.memory_space<vmem>>, vector<1x128xf32>
    %add3A = vector.broadcast %get3A_11 : vector<1x128xf32> to vector<1024x128xf32>
    %add3A_12 = arith.addf %dot_general3A_8, %add3A : vector<1024x128xf32>
    %mul3A = arith.mulf %get3A_1, %add3A_12 : vector<1024x128xf32>
    %swap3A = arith.constant 0 : index
    %swap3A_13 = arith.constant 0 : index
    %swap3A_14 = vector.load %arg5[%swap3A, %swap3A_13] : memref<1024x128xf32, #tpu.memory_space<vmem>>, vector<1024x128xf32>
    tpu.vector_store %arg5[%swap3A, %swap3A_13], %mul3A {strides = array<i32>} : memref<1024x128xf32, #tpu.memory_space<vmem>>, vector<1024x128xf32>,
    return
  }
  func.func @transform_0(%arg0: i32) -> (i32, i32) {
    %c0_i32 = arith.constant 0 : i32
    %c0_i32_0 = arith.constant 0 : i32
    return %arg0, %c0_i32 : i32, i32
  }
  func.func @transform_1(%arg0: i32) -> (i32, i32) {
    %c0_i32 = arith.constant 0 : i32
    %c0_i32_0 = arith.constant 0 : i32
    return %arg0, %c0_i32 : i32, i32
  }
  func.func @transform_2(%arg0: i32) -> (i32, i32) {
    %c0_i32 = arith.constant 0 : i32
    %c0_i32_0 = arith.constant 0 : i32
    %c0_i32_1 = arith.constant 0 : i32
    return %c0_i32, %c0_i32_0 : i32, i32
  }
  func.func @transform_3(%arg0: i32) -> (i32, i32) {
    %c0_i32 = arith.constant 0 : i32
    %c0_i32_0 = arith.constant 0 : i32
    %c0_i32_1 = arith.constant 0 : i32
    return %c0_i32, %c0_i32_0 : i32, i32
  }
  func.func @transform_4(%arg0: i32) -> (i32, i32) {
    %c0_i32 = arith.constant 0 : i32
    %c0_i32_0 = arith.constant 0 : i32
    return %arg0, %c0_i32 : i32, i32
  }
}

</mosaic_0001>

<sc_bundles>
// kernel: kernel.10.cloned.1.call-start
scs
__scs_entry_jumppad:
0x0: {  	(pc) =	sbr.rel $0x88, $3  }
0x1: {  	(tag) =	ssettag $0x0;
	lr =	simm.s32 $0x1  }
0x2: {  	[smem:$0x3F99] =	sst lr;
	_ =	strace $0xD0000000  }
0x3: {  	_ = 	snop  }
0x4: {  	_ = 	snop  }
0x5: {  	_ = 	snop  }
0x6: {  	_ = 	snop  }
0x7: {  	_ = 	snop  }
__scs_overlays_trampoline_lowered:
0x8: {  	[smem:$0x3FA8] =	sst s0  }
0x9: {  	[smem:$0x3FA9] =	sst s1  }
0xa: {  	[smem:$0x3FAA] =	sst s2  }
0xb: {  	[smem:$0x3FAB] =	sst s3  }
0xc: {  	[smem:$0x3FAC] =	sst s4  }
0xd: {  	[smem:$0x3FAD] =	sst s5  }
0xe: {  	[smem:$0x3FAE] =	sst s6  }
0xf: {  	[smem:$0x3FAF] =	sst s7  }
0x10: {  	[smem:$0x3FB0] =	sst s8  }
0x11: {  	[smem:$0x3FB1] =	sst s9;
	s0 =	simm.s32 @!p0 $0x0  }
0x12: {  	s1 =	sld [smem:$0x3F97];
	s0 =	simm.s32 @p0 $0x1  }
0x13: {  	[smem:$0x3FB2] =	sst s0;
	s0 =	simm.s32 @!p1 $0x0  }
0x14: {  	s2 =	sld [smem:$0x3F96];
	s0 =	simm.s32 @p1 $0x1  }
0x15: {  	[smem:$0x3FB3] =	sst s0;
	s0 =	simm.s32 @!p2 $0x0  }
0x16: {  	s3 =	sld [smem:$0x3FDB];
	s0 =	simm.s32 @p2 $0x1  }
0x17: {  	s4 =	simm.s32 $0x1BF5;
	[smem:$0x3FB5] =	sst s0  }
0x18: {  	s0 =	sld [smem:$0x3F98];
	_ =	swait.ge [sflag:s4], $0x0  }
0x19: {  	s7 =	sld [smem:$0x3F99]  }
0x1a: {  	s8 =	sadd.s32 $0xFFFFE003, lr  }
0x1b: {  	s9 =	sadd.s32 $0xFFFFFEF7, lr;
	s5 =	simm.s32 $0xFFFFFFFF;
	p2 =	slt.u32 s8, $0xFFFFF086  }
0x1c: {  	p1 =	slt.u32 s9, $0xF7A;
	s5 =	simm.s32 @!p2 $0x0  }
0x1d: {  	s5 =	simm.s32 @p1 $0x1;
	p0 =	seq.s32 s7, s2  }
0x1e: {  	s7 =	smul.u32 @!p0 $0xF7A, s2;
	p2 =	seq.s32 @!p0 s5, $0x0  }
0x1f: {  	s9 =	smul.u32 $0xF7A, s1;
	s8 =	simm.s32 @!p0 $0x1BF5;
	p2 =	por !p2, p0  }
0x20: {  	[sflag:s8] =	ssyncset.s32 @!p0 $0xFFFFF086;
	s6 =	sadd.s32 @!p0 s3, s7;
	s7 =	simm.s32 @!p0 $0x108  }
0x21: {  	s3 =	sadd.s32 s3, s9;
	s6 =	sadd.s32 @!p0 $0x88, s6;
	s7 =	simm.s32 @p2 $0x1082  }
0x22: {  	[simem:s7], [sflag:s8] =	dma.local @!p0 [hbm:s6], $0xF7A  }
0x23: {  	s9 =	sor.u32 $0xD0000000, s2;
	s6 =	simm.s32 $0x108;
	_ =	swait.ge @!p0 [sflag:s8], $0x0  }
0x24: {  	s3 =	sadd.s32 $0x88, s3;
	s6 =	simm.s32 @!p1 $0x1082;
	[sflag:s4] =	ssyncset.s32 $0xFFFFF086  }
0x25: {  	[simem:s6], [sflag:s4] =	dma.local [hbm:s3], $0xF7A  }
0x26: {  	[smem:$0x3F99] =	sst s1;
	(tag) =	ssettag s2;
	_ =	strace s9  }
0x27: {  	s1 =	sld [smem:$0x3FA9]  }
0x28: {  	s2 =	sld [smem:$0x3FAA]  }
0x29: {  	s4 =	sld [smem:$0x3FAC]  }
0x2a: {  	p0 =	seq.s32 s5, $0x0;
	s5 =	sld [smem:$0x3FAD]  }
0x2b: {  	s6 =	sld [smem:$0x3FAE]  }
0x2c: {  	s7 =	sld [smem:$0x3FAF]  }
0x2d: {  	s3 =	simm.s32 $0x108;
	s8 =	sld [smem:$0x3FB0]  }
0x2e: {  	s3 =	simm.s32 @!p0 $0x1082;
	s9 =	sld [smem:$0x3FB1]  }
0x2f: {  	lr =	sadd.s32 s0, s3;
	s0 =	sld [smem:$0x3FA8]  }
0x30: {  	s3 =	sld [smem:$0x3FAB]  }
0x31: {  	[smem:$0x3FB4] =	sst s10  }
0x32: {  	s10 =	sld [smem:$0x3FB2];
	_ =	sdelay $0x3  }
0x33: {  	p0 =	seq.s32 s10, $0x1;
	s10 =	sld [smem:$0x3FB4];
	_ =	sdelay $0x3  }
0x34: {  	[smem:$0x3FB4] =	sst s10  }
0x35: {  	s10 =	sld [smem:$0x3FB3];
	_ =	sdelay $0x3  }
0x36: {  	p1 =	seq.s32 s10, $0x1;
	s10 =	sld [smem:$0x3FB4];
	_ =	sdelay $0x3  }
0x37: {  	[smem:$0x3FB4] =	sst s10  }
0x38: {  	s10 =	sld [smem:$0x3FB5]  }
0x39: {  	_ = 	snop;
	(pc) =	sbr.ind lr, $3  }
0x3a: {  	_ = 	snop  }
0x3b: {  	_ = 	snop  }
0x3c: {  	p2 =	seq.s32 s10, $0x1;
	s10 =	sld [smem:$0x3FB4]  }
0x3d: {  	_ =	shalt  }
0x3e: {  	_ =	shalt  }
0x3f: {  	_ =	shalt  }
0x40: {  	_ =	shalt  }
0x41: {  	_ =	shalt  }
0x42: {  	_ =	shalt  }
0x43: {  	_ =	shalt  }
0x44: {  	_ =	shalt  }
0x45: {  	_ =	shalt  }
0x46: {  	_ =	shalt  }
0x47: {  	_ =	shalt  }
0x48: {  	_ =	shalt  }
0x49: {  	_ =	shalt  }
0x4a: {  	_ =	shalt  }
0x4b: {  	_ =	shalt  }
0x4c: {  	_ =	shalt  }
0x4d: {  	_ =	shalt  }
0x4e: {  	_ =	shalt  }
0x4f: {  	_ =	shalt  }
0x50: {  	_ =	shalt  }
0x51: {  	_ =	shalt  }
0x52: {  	_ =	shalt  }
0x53: {  	_ =	shalt  }
0x54: {  	_ =	shalt  }
0x55: {  	_ =	shalt  }
0x56: {  	_ =	shalt  }
0x57: {  	_ =	shalt  }
0x58: {  	_ =	shalt  }
0x59: {  	_ =	shalt  }
0x5a: {  	_ =	shalt  }
0x5b: {  	_ =	shalt  }
0x5c: {  	_ =	shalt  }
0x5d: {  	_ =	shalt  }
0x5e: {  	_ =	shalt  }
0x5f: {  	_ =	shalt  }
0x60: {  	_ =	shalt  }
0x61: {  	_ =	shalt  }
0x62: {  	_ =	shalt  }
0x63: {  	_ =	shalt  }
0x64: {  	_ =	shalt  }
0x65: {  	_ =	shalt  }
0x66: {  	_ =	shalt  }
0x67: {  	_ =	shalt  }
0x68: {  	_ =	shalt  }
0x69: {  	_ =	shalt  }
0x6a: {  	_ =	shalt  }
0x6b: {  	_ =	shalt  }
0x6c: {  	_ =	shalt  }
0x6d: {  	_ =	shalt  }
0x6e: {  	_ =	shalt  }
0x6f: {  	_ =	shalt  }
0x70: {  	_ =	shalt  }
0x71: {  	_ =	shalt  }
0x72: {  	_ =	shalt  }
0x73: {  	_ =	shalt  }
0x74: {  	_ =	shalt  }
0x75: {  	_ =	shalt  }
0x76: {  	_ =	shalt  }
0x77: {  	_ =	shalt  }
0x78: {  	_ =	shalt  }
0x79: {  	_ =	shalt  }
0x7a: {  	_ =	shalt  }
0x7b: {  	_ =	shalt  }
0x7c: {  	_ =	shalt  }
0x7d: {  	_ =	shalt  }
0x7e: {  	_ =	shalt  }
0x7f: {  	_ =	shalt  }
0x80: {  	_ =	shalt  }
0x81: {  	_ =	shalt  }
0x82: {  	_ =	shalt  }
0x83: {  	_ =	shalt  }
0x84: {  	_ =	shalt  }
0x85: {  	_ =	shalt  }
0x86: {  	_ =	shalt  }
0x87: {  	_ =	shalt  }
.Lfunc_end0:
.L_simem_size_0:
called_computation_lowered:
.L_overlay_start_0:
0x88: {  	s2 =	sld [smem:$0x3FD9]  }
0x89: {  	s3 =	sld [smem:$0x3FFE];
	_ =	sdelay $0x1  }
0x8a: {  	s1 =	srdreg.scid  }
0x8b: {  	s0 =	sand.u32 $0x1, s1  }
0x8c: {  	s16 =	sshll.u32 s0, $0xA;
	s2 =	sadd.s32 s3, s2  }
0x8d: {  	s2 =	sadd.s32 s2, s16  }
0x8e: {  	[smem:$0x3FC0] =	sst s2  }
0x8f: {  	_ = 	snop  }
0x90: {  	(tm) =	ssettm $0x1  }
0x91: {  	s17 =	sld [smem:$0x3FFB];
	_ =	sdelay $0x3  }
0x92: {  	_ =	strace s17  }
0x93: {  	s2 =	sld [smem:$0x3FFC];
	_ =	sdelay $0x3  }
0x94: {  	_ =	strace s2  }
0x95: {  	s2 =	sld [smem:$0x3FFD];
	_ =	sdelay $0x3  }
0x96: {  	_ =	strace s2  }
0x97: {  	_ =	strace $0x8FFFFFFF  }
0x98: {  	s18 =	sld [smem:$0x3FDB];
	_ =	sdelay $0x1  }
0x99: {  	s19 =	simm.s32 $_scs_section_size  }
0x9a: {  	s4 =	simm.s32 $_size__tile_overlayer_lowered;
	s5 =	simm.s32 $_tile_overlayer_lowered  }
0x9b: {  	s22 =	simm.s32 $0x1BFF;
	s21 =	sshll.u32 s5, $0x1;
	s2 =	sadd.s32 s19, s18  }
0x9c: {  	s6 =	simm.s32 $0x0;
	s20 =	sshll.u32 s4, $0x1;
	s4 =	sadd.s32 s21, s2  }
0x9d: {  	[timem:s6], [sflag:s22] =	dma.local [hbm:s4], s20  }
0x9e: {  	_ =	swait.ge [sflag:s22], s20  }
0x9f: {  	s3 =	ssub.s32 $0x0, s20;
	[sflag:s22] =	ssyncset.done $0x0  }
0xa0: {  	[sflag:s22] =	ssyncadd.s32 s3;
	_ =	sdelay $0x1  }
0xa1: {  	s23 =	simm.s32 $0x1B8B  }
0xa2: {  	_ =	swait.ge [sflag:s23], $0x1  }
0xa3: {  	[sflag:s23] =	ssyncset.done $0x0  }
0xa4: {  	s25 =	simm.s32 $0x1B8E;
	s24 =	sld [smem:$0x3FFE];
	[sflag:s23] =	ssyncadd.s32 $0xFFFFFFFF  }
0xa5: {  	s26 =	simm.s32 $execute0_lowered;
	[smem:$0x3FD2] =	sst s25  }
0xa6: {  	s4 =	sshll.u32 s26, $0x1;
	_ =	strace $0x80000046;
	[dreg:$0x1] =	wrdreg $0xFFFFFFFF  }
0xa7: {  	s28 =	simm.s32 $_size_execute0_lowered;
	s2 =	sadd.s32 s2, s4;
	[dreg:$0x0] =	wrdreg $0x0  }
0xa8: {  	s4 =	sshll.u32 s28, $0x1;
	[dreg:$0x2] =	wrdreg s2  }
0xa9: {  	[dreg:$0x3] =	wrdreg s4  }
0xaa: {  	[dreg:$0x4] =	wrdreg $0xC0  }
0xab: {  	_ =	task [dreg:s6], $0x5FFFF  }
0xac: {  	[dreg:$0x1] =	wrdreg $0xFFFFFFFF  }
0xad: {  	[dreg:$0x0] =	wrdreg $0x60  }
0xae: {  	[dreg:$0x2] =	wrdreg s24  }
0xaf: {  	[dreg:$0x3] =	wrdreg $0x41000  }
0xb0: {  	[dreg:$0x4] =	wrdreg $0x9  }
0xb1: {  	_ =	task.clear_ibuf [dreg:s6], $0x5FFFF;
	_ =	strace $0x90000046  }
0xb2: {  	s29 =	simm.s32 $0x9;
	_ =	strace $0x80000048  }
0xb3: {  	_ =	swait.ge [sflag:s29], $0x1  }
0xb4: {  	[sflag:s29] =	ssyncadd.s32 $0xFFFFFFFF  }
0xb5: {  	_ =	strace $0x90000048  }
0xb6: {  	_ =	sfence  }
0xb7: {  	s30 =	sld [smem:$0x0];
	_ =	sdelay $0x2  }
0xb8: {  	s31 =	sshll.u32 s1, $0xD;
	s1 =	sshrl.u32 s1, $0x2  }
0xb9: {  	s3 =	sand.u32 $0x4000, s31;
	s1 =	sadd.s32 s1, s30  }
0xba: {  	s0 =	sor.u32 s3, s0;
	s1 =	sshll.u32 s1, $0x11  }
0xbb: {  	s0 =	sor.u32 s1, s0  }
0xbc: {  	s0 =	sadd.s32 $0x8F2B, s0  }
0xbd: {  	[sflag:s0] =	ssyncadd.remote.s32 $0x1  }
0xbe: {  	_ =	sfence.sel $0xFFFF  }
0xbf: {  	[dreg:$0x0] =	wrdreg $0xFFFFFFFF;
	(pc) =	sbr.abs _section_cstart, $3  }
0xc0: {  	[dreg:$0x1] =	wrdreg $0xFFFFFFFF  }
0xc1: {  	_ =	task.clear_ibuf [dreg:s6], $0x2FFFF;
	_ =	strace $0x9FFFFFFF  }
0xc2: {  	(tm) =	ssettm $0x7FFFFFFF  }
0xc3: {  	_ =	shalt  }
tec
execute0_lowered:
.L_overlay_start_1:
0x0: {  	(tag) =	ssettag $0x1  }
0x1: {  	s5 =	rddreg [dreg:$0x0]  }
0x2: {  	s2 =	rddreg [dreg:$0x1]  }
0x3: {  	s0 =	rddreg [dreg:$0x2];
	s3 =	simm.s32 $0x0  }
0x4: {  	s1 =	stileid.u32;
	s4 =	srdreg.scid;
	s16 =	simm.s32 $0x80  }
0x5: {  	s17 =	simm.s32 $0x1;
	s18 =	simm.s32 $0x2;
	s19 =	simm.s32 $0x0  }
0x6: {  	[smem:$0x7FF] =	sst s3;
	s6 =	smul.u32 $0x2800, s1;
	s7 =	sand.u32 $0x1, s4  }
0x7: {  	s12 =	sadd.s32 $0x3400, s5;
	s4 =	sadd.s32 $0x35400, s5;
	s10 =	smul.u32 $0x50000, s1  }
0x8: {  	s30 =	sshll.u32 s1, $0x6;
	_ =	strace $0x80000047;
	s8 =	smul.u32 $0x28000, s7  }
0x9: {  	s11 =	sshll.u32 s7, $0x4;
	s25 =	ssub.s32 $0x2, s7;
	s9 =	sadd.s32 s6, s5  }
0xa: {  	s26 =	sor.u32 s1, s11;
	s28 =	sshrl.u32 s25, $0x1;
	s10 =	sshrl.u32 s10, $0x2  }
0xb: {  	s13 =	sadd.s32 s6, s8;
	s7 =	smul.u32 $0x2800, s26;
	s14 =	ssub.s32 s25, s28  }
0xc: {  	s15 =	sadd.s32 s10, s2;
	s6 =	sor.u32 $0x1C03, s30;
	s29 =	sadd.s32 s13, s5  }
0xd: {  	s5 =	sadd.s32 $0xD400, s9;
	s9 =	smax.u32 s14, $0x1;
	s31 =	sor.u32 $0x100, s13  }
0xe: {  	s13 =	sor.u32 $0x80, s13;
	s14 =	simm.s32 $0x3;
	s7 =	sshrl.u32 s7, $0x3  }
0xf: {  	s8 =	sadd.s32 $0x35C00, s29;
	s11 =	sshrl.u32 s31, $0x3;
	s13 =	sshrl.u32 s13, $0x3  }
0x10: {  	s7 =	sadd.s32 s12, s7;
	s11 =	sadd.s32 s11, s12;
	s12 =	sadd.s32 s13, s12  }
0x11: {  	s13 =	sshrl.u32 s15, $0x3;
	s15 =	simm.s32 $0x100;
	s10 =	sadd.s32 $0x4F0, s7  }
.LBB2_1:
0x12: {  	[spmem:s13], [sflag:s6] =	dma.local [hbm:s5], $0x2800  }
0x13: {  	_ =	swait.ge [sflag:s14], $0x2800  }
0x14: {  	[sflag:s14] =	ssyncset.done $0x0  }
0x15: {  	[sflag:s14] =	ssyncadd.s32 $0xFFFFD800  }
0x16: {  	[tilespmem:s15], [sflag:$0x3] =	stream.linear.gather [hbm4b:s4+s3], $0x4000, $0x38;
	[tilespmem:$0x18100] =	vst v63  }
0x17: {  	_ =	swait.ge [sflag:s14], $0x4000  }
0x18: {  	[sflag:s14] =	ssyncset.done $0x0  }
0x19: {  	[sflag:s14] =	ssyncadd.s32 $0xFFFFC000  }
0x1a: {  	[bflag:$0x0] =	sbarrier.arrive $0xFFFF  }
0x1b: {  	[tilespmem:s3], [sflag:$0x1] =	stream.linear.gather [hbm4b:s7+s3], $0x80, $0x38;
	[tilespmem:$0x18100] =	vst v63  }
0x1c: {  	s20 =	sadd.s32 $0x0, s12  }
0x1d: {  	[tilespmem:s16], [sflag:$0x2] =	stream.linear.gather [hbm4b:s20+s3], $0x80, $0x38;
	[tilespmem:$0x18100] =	vst v63  }
0x1e: {  	_ =	swait.ge [sflag:s17], $0x80  }
0x1f: {  	[sflag:s17] =	ssyncset.done $0x0  }
0x20: {  	[sflag:s17] =	ssyncadd.s32 $0xFFFFFF80  }
0x21: {  	[spmem:s2] =	stream.indirect.scatter.add.f32 [tilespmem:s15], [sflag:$0x3], $0x80, s3, s16, $0xb8;
	[tilespmem:$0x18100] =	vst v63  }
0x22: {  	_ =	swait.ge [sflag:s14], $0x4000  }
0x23: {  	[sflag:s14] =	ssyncset.done $0x0  }
0x24: {  	s31 =	sadd.s32 $0x0, s11;
	[sflag:s14] =	ssyncadd.s32 $0xFFFFC000  }
0x25: {  	[tilespmem:s3], [sflag:$0x1] =	stream.linear.gather [hbm4b:s31+s3], $0x80, $0x38;
	[tilespmem:$0x18100] =	vst v63  }
0x26: {  	_ =	swait.ge [sflag:s18], $0x80  }
0x27: {  	[sflag:s18] =	ssyncset.done $0x0  }
0x28: {  	[sflag:s18] =	ssyncadd.s32 $0xFFFFFF80  }
0x29: {  	[spmem:s2] =	stream.indirect.scatter.add.f32 [tilespmem:s15], [sflag:$0x3], $0x80, s16, s16, $0xb8;
	[tilespmem:$0x18100] =	vst v63  }
0x2a: {  	_ =	swait.ge [sflag:s14], $0x4000  }
0x2b: {  	s21 =	simm.s32 $0x40;
	s20 =	simm.s32 $0x20;
	[sflag:s14] =	ssyncset.done $0x0  }
.LBB2_2:
0x2c: {  	s22 =	sadd.s32 s20, s12  }
0x2d: {  	[sflag:s14] =	ssyncadd.s32 $0xFFFFC000;
	s23 =	smov.u32 s21;
	s24 =	sadd.s32 $0x20, s21  }
0x2e: {  	[tilespmem:s16], [sflag:$0x2] =	stream.linear.gather [hbm4b:s22+s3], $0x80, $0x38;
	[tilespmem:$0x18100] =	vst v63  }
0x2f: {  	p0 =	sne.s32 s21, $0x4C0;
	_ =	swait.ge [sflag:s17], $0x80  }
0x30: {  	[sflag:s17] =	ssyncset.done $0x0  }
0x31: {  	[sflag:s17] =	ssyncadd.s32 $0xFFFFFF80  }
0x32: {  	[spmem:s2] =	stream.indirect.scatter.add.f32 [tilespmem:s15], [sflag:$0x3], $0x80, s3, s16, $0xb8;
	[tilespmem:$0x18100] =	vst v63  }
0x33: {  	_ =	swait.ge [sflag:s14], $0x4000  }
0x34: {  	[sflag:s14] =	ssyncset.done $0x0  }
0x35: {  	s21 =	sadd.s32 s20, s11;
	s20 =	smov.u32 s23;
	[sflag:s14] =	ssyncadd.s32 $0xFFFFC000  }
0x36: {  	[tilespmem:s3], [sflag:$0x1] =	stream.linear.gather [hbm4b:s21+s3], $0x80, $0x38;
	[tilespmem:$0x18100] =	vst v63  }
0x37: {  	_ =	swait.ge [sflag:s18], $0x80  }
.Ltmp0:
0x38: {  	[sflag:s18] =	ssyncset.done $0x0;
	(pc) =	sbr.rel @p0 .LBB2_2-.Ltmp0, $4  }
0x39: {  	[sflag:s18] =	ssyncadd.s32 $0xFFFFFF80  }
0x3a: {  	[spmem:s2] =	stream.indirect.scatter.add.f32 [tilespmem:s15], [sflag:$0x3], $0x80, s16, s16, $0xb8;
	[tilespmem:$0x18100] =	vst v63  }
0x3b: {  	_ =	swait.ge [sflag:s14], $0x4000  }
0x3c: {  	s21 =	smov.u32 s24;
	[sflag:s14] =	ssyncset.done $0x0  }
0x3d: {  	s21 =	sadd.s32 s20, s12;
	[sflag:s14] =	ssyncadd.s32 $0xFFFFC000  }
0x3e: {  	[tilespmem:s16], [sflag:$0x2] =	stream.linear.gather [hbm4b:s21+s3], $0x80, $0x38;
	[tilespmem:$0x18100] =	vst v63  }
0x3f: {  	_ =	swait.ge [sflag:s17], $0x80  }
0x40: {  	[sflag:s17] =	ssyncset.done $0x0  }
0x41: {  	[sflag:s17] =	ssyncadd.s32 $0xFFFFFF80  }
0x42: {  	[spmem:s2] =	stream.indirect.scatter.add.f32 [tilespmem:s15], [sflag:$0x3], $0x80, s3, s16, $0xb8;
	[tilespmem:$0x18100] =	vst v63  }
0x43: {  	_ =	swait.ge [sflag:s14], $0x4000  }
0x44: {  	[sflag:s14] =	ssyncset.done $0x0  }
0x45: {  	s31 =	sadd.s32 s20, s11;
	[sflag:s14] =	ssyncadd.s32 $0xFFFFC000  }
0x46: {  	[tilespmem:s3], [sflag:$0x1] =	stream.linear.gather [hbm4b:s31+s3], $0x80, $0x38;
	[tilespmem:$0x18100] =	vst v63  }
0x47: {  	_ =	swait.ge [sflag:s18], $0x80  }
0x48: {  	[sflag:s18] =	ssyncset.done $0x0  }
0x49: {  	[sflag:s18] =	ssyncadd.s32 $0xFFFFFF80  }
0x4a: {  	[spmem:s2] =	stream.indirect.scatter.add.f32 [tilespmem:s15], [sflag:$0x3], $0x80, s16, s16, $0xb8;
	[tilespmem:$0x18100] =	vst v63  }
0x4b: {  	_ =	swait.ge [sflag:s14], $0x4000  }
0x4c: {  	[sflag:s14] =	ssyncset.done $0x0  }
0x4d: {  	[sflag:s14] =	ssyncadd.s32 $0xFFFFC000  }
0x4e: {  	[tilespmem:s16], [sflag:$0x2] =	stream.linear.gather [hbm4b:s10+s3], $0x80, $0x38;
	[tilespmem:$0x18100] =	vst v63  }
0x4f: {  	_ =	swait.ge [sflag:s17], $0x80  }
0x50: {  	[sflag:s17] =	ssyncset.done $0x0  }
0x51: {  	[sflag:s17] =	ssyncadd.s32 $0xFFFFFF80  }
0x52: {  	[spmem:s2] =	stream.indirect.scatter.add.f32 [tilespmem:s15], [sflag:$0x3], $0x80, s3, s16, $0xb8;
	[tilespmem:$0x18100] =	vst v63  }
0x53: {  	_ =	swait.ge [sflag:s14], $0x4000  }
0x54: {  	[sflag:s14] =	ssyncset.done $0x0  }
0x55: {  	[sflag:s14] =	ssyncadd.s32 $0xFFFFC000  }
0x56: {  	_ =	swait.ge [sflag:s18], $0x80  }
0x57: {  	[sflag:s18] =	ssyncset.done $0x0  }
0x58: {  	[sflag:s18] =	ssyncadd.s32 $0xFFFFFF80  }
0x59: {  	[spmem:s2] =	stream.indirect.scatter.add.f32 [tilespmem:s15], [sflag:$0x3], $0x80, s16, s16, $0xb8;
	[tilespmem:$0x18100] =	vst v63  }
0x5a: {  	_ =	swait.ge [sflag:s14], $0x4000  }
0x5b: {  	s19 =	sadd.s32 $0x1, s19;
	[sflag:s14] =	ssyncset.done $0x0  }
0x5c: {  	p0 =	sne.s32 s19, s9;
	[sflag:s14] =	ssyncadd.s32 $0xFFFFC000  }
.Ltmp1:
0x5d: {  	[bflag:$0x0] =	sbarrier.arrive $0xFFFF;
	(pc) =	sbr.rel @p0 .LBB2_1-.Ltmp1, $4  }
0x5e: {  	[hbm:s8], [sflag:s6] =	dma.local [spmem:s13], $0x2800  }
0x5f: {  	_ =	swait.ge [sflag:s14], $0x2800  }
0x60: {  	[sflag:s14] =	ssyncset.done $0x0  }
0x61: {  	[sflag:s14] =	ssyncadd.s32 $0xFFFFD800  }
0x62: {  	_ =	sfence.sel $0x180000  }
0x63: {  	[bflag:$0x0] =	sbarrier.arrive $0xFFFF  }
0x64: {  	p0 =	sne.s32 s1, $0x0;
	_ =	strace $0x90000047  }
0x65: {  	s0 =	sadd.s32 @!p0 $0x100000, s0;
	[bflag:$0x2] =	sbarrier.arrive $0xFFFF  }
0x66: {  	[sflag:s0] =	ssyncadd.tile.s32 @!p0 $0x1;
	_ =	shalt  }
.Lfunc_end2:
_tile_overlayer_lowered:
.L_overlay_start_2:
0x67: {  	(tag) =	ssettag $0x2  }
0x68: {  	s0 =	rddreg [dreg:$0x0];
	s2 =	stileid.u32  }
0x69: {  	s1 =	rddreg [dreg:$0x1];
	p0 =	sne.s32 s2, $0x0  }
0x6a: {  	s3 =	rddreg [dreg:$0x2];
	[bflag:$0x3] =	sbarrier.arrive $0xFFFF;
	s2 =	simm.s32 @!p0 $0x1C03  }
0x6b: {  	[timem:s3], [sflag:s2] =	dma.local @!p0 [hbm:s0], s1  }
0x6c: {  	s0 =	simm.s32 @!p0 $0x3  }
0x6d: {  	_ =	swait.ge @!p0 [sflag:s0], s1  }
0x6e: {  	s1 =	ssub.s32 @!p0 $0x0, s1;
	[sflag:s0] =	ssyncset.done @!p0 $0x0  }
0x6f: {  	[sflag:s0] =	ssyncadd.s32 @!p0 s1  }
0x70: {  	[bflag:$0x3] =	sbarrier.arrive $0xFFFF  }
0x71: {  	_ =	shalt  }

// kernel: kernel.13.cloned.1.call-start
scs
__scs_entry_jumppad:
0x0: {  	(pc) =	sbr.rel $0x88, $3  }
0x1: {  	(tag) =	ssettag $0x0;
	lr =	simm.s32 $0x1  }
0x2: {  	[smem:$0x3F99] =	sst lr;
	_ =	strace $0xD0000000  }
0x3: {  	_ = 	snop  }
0x4: {  	_ = 	snop  }
0x5: {  	_ = 	snop  }
0x6: {  	_ = 	snop  }
0x7: {  	_ = 	snop  }
__scs_overlays_trampoline_lowered:
0x8: {  	[smem:$0x3FA8] =	sst s0  }
0x9: {  	[smem:$0x3FA9] =	sst s1  }
0xa: {  	[smem:$0x3FAA] =	sst s2  }
0xb: {  	[smem:$0x3FAB] =	sst s3  }
0xc: {  	[smem:$0x3FAC] =	sst s4  }
0xd: {  	[smem:$0x3FAD] =	sst s5  }
0xe: {  	[smem:$0x3FAE] =	sst s6  }
0xf: {  	[smem:$0x3FAF] =	sst s7  }
0x10: {  	[smem:$0x3FB0] =	sst s8  }
0x11: {  	[smem:$0x3FB1] =	sst s9;
	s0 =	simm.s32 @!p0 $0x0  }
0x12: {  	s1 =	sld [smem:$0x3F97];
	s0 =	simm.s32 @p0 $0x1  }
0x13: {  	[smem:$0x3FB2] =	sst s0;
	s0 =	simm.s32 @!p1 $0x0  }
0x14: {  	s2 =	sld [smem:$0x3F96];
	s0 =	simm.s32 @p1 $0x1  }
0x15: {  	[smem:$0x3FB3] =	sst s0;
	s0 =	simm.s32 @!p2 $0x0  }
0x16: {  	s3 =	sld [smem:$0x3FDB];
	s0 =	simm.s32 @p2 $0x1  }
0x17: {  	s4 =	simm.s32 $0x1BF5;
	[smem:$0x3FB5] =	sst s0  }
0x18: {  	s0 =	sld [smem:$0x3F98];
	_ =	swait.ge [sflag:s4], $0x0  }
0x19: {  	s7 =	sld [smem:$0x3F99]  }
0x1a: {  	s8 =	sadd.s32 $0xFFFFE003, lr  }
0x1b: {  	s9 =	sadd.s32 $0xFFFFFEF7, lr;
	s5 =	simm.s32 $0xFFFFFFFF;
	p2 =	slt.u32 s8, $0xFFFFF086  }
0x1c: {  	p1 =	slt.u32 s9, $0xF7A;
	s5 =	simm.s32 @!p2 $0x0  }
0x1d: {  	s5 =	simm.s32 @p1 $0x1;
	p0 =	seq.s32 s7, s2  }
0x1e: {  	s7 =	smul.u32 @!p0 $0xF7A, s2;
	p2 =	seq.s32 @!p0 s5, $0x0  }
0x1f: {  	s9 =	smul.u32 $0xF7A, s1;
	s8 =	simm.s32 @!p0 $0x1BF5;
	p2 =	por !p2, p0  }
0x20: {  	[sflag:s8] =	ssyncset.s32 @!p0 $0xFFFFF086;
	s6 =	sadd.s32 @!p0 s3, s7;
	s7 =	simm.s32 @!p0 $0x108  }
0x21: {  	s3 =	sadd.s32 s3, s9;
	s6 =	sadd.s32 @!p0 $0x88, s6;
	s7 =	simm.s32 @p2 $0x1082  }
0x22: {  	[simem:s7], [sflag:s8] =	dma.local @!p0 [hbm:s6], $0xF7A  }
0x23: {  	s9 =	sor.u32 $0xD0000000, s2;
	s6 =	simm.s32 $0x108;
	_ =	swait.ge @!p0 [sflag:s8], $0x0  }
0x24: {  	s3 =	sadd.s32 $0x88, s3;
	s6 =	simm.s32 @!p1 $0x1082;
	[sflag:s4] =	ssyncset.s32 $0xFFFFF086  }
0x25: {  	[simem:s6], [sflag:s4] =	dma.local [hbm:s3], $0xF7A  }
0x26: {  	[smem:$0x3F99] =	sst s1;
	(tag) =	ssettag s2;
	_ =	strace s9  }
0x27: {  	s1 =	sld [smem:$0x3FA9]  }
0x28: {  	s2 =	sld [smem:$0x3FAA]  }
0x29: {  	s4 =	sld [smem:$0x3FAC]  }
0x2a: {  	p0 =	seq.s32 s5, $0x0;
	s5 =	sld [smem:$0x3FAD]  }
0x2b: {  	s6 =	sld [smem:$0x3FAE]  }
0x2c: {  	s7 =	sld [smem:$0x3FAF]  }
0x2d: {  	s3 =	simm.s32 $0x108;
	s8 =	sld [smem:$0x3FB0]  }
0x2e: {  	s3 =	simm.s32 @!p0 $0x1082;
	s9 =	sld [smem:$0x3FB1]  }
0x2f: {  	lr =	sadd.s32 s0, s3;
	s0 =	sld [smem:$0x3FA8]  }
0x30: {  	s3 =	sld [smem:$0x3FAB]  }
0x31: {  	[smem:$0x3FB4] =	sst s10  }
0x32: {  	s10 =	sld [smem:$0x3FB2];
	_ =	sdelay $0x3  }
0x33: {  	p0 =	seq.s32 s10, $0x1;
	s10 =	sld [smem:$0x3FB4];
	_ =	sdelay $0x3  }
0x34: {  	[smem:$0x3FB4] =	sst s10  }
0x35: {  	s10 =	sld [smem:$0x3FB3];
	_ =	sdelay $0x3  }
0x36: {  	p1 =	seq.s32 s10, $0x1;
	s10 =	sld [smem:$0x3FB4];
	_ =	sdelay $0x3  }
0x37: {  	[smem:$0x3FB4] =	sst s10  }
0x38: {  	s10 =	sld [smem:$0x3FB5]  }
0x39: {  	_ = 	snop;
	(pc) =	sbr.ind lr, $3  }
0x3a: {  	_ = 	snop  }
0x3b: {  	_ = 	snop  }
0x3c: {  	p2 =	seq.s32 s10, $0x1;
	s10 =	sld [smem:$0x3FB4]  }
0x3d: {  	_ =	shalt  }
0x3e: {  	_ =	shalt  }
0x3f: {  	_ =	shalt  }
0x40: {  	_ =	shalt  }
0x41: {  	_ =	shalt  }
0x42: {  	_ =	shalt  }
0x43: {  	_ =	shalt  }
0x44: {  	_ =	shalt  }
0x45: {  	_ =	shalt  }
0x46: {  	_ =	shalt  }
0x47: {  	_ =	shalt  }
0x48: {  	_ =	shalt  }
0x49: {  	_ =	shalt  }
0x4a: {  	_ =	shalt  }
0x4b: {  	_ =	shalt  }
0x4c: {  	_ =	shalt  }
0x4d: {  	_ =	shalt  }
0x4e: {  	_ =	shalt  }
0x4f: {  	_ =	shalt  }
0x50: {  	_ =	shalt  }
0x51: {  	_ =	shalt  }
0x52: {  	_ =	shalt  }
0x53: {  	_ =	shalt  }
0x54: {  	_ =	shalt  }
0x55: {  	_ =	shalt  }
0x56: {  	_ =	shalt  }
0x57: {  	_ =	shalt  }
0x58: {  	_ =	shalt  }
0x59: {  	_ =	shalt  }
0x5a: {  	_ =	shalt  }
0x5b: {  	_ =	shalt  }
0x5c: {  	_ =	shalt  }
0x5d: {  	_ =	shalt  }
0x5e: {  	_ =	shalt  }
0x5f: {  	_ =	shalt  }
0x60: {  	_ =	shalt  }
0x61: {  	_ =	shalt  }
0x62: {  	_ =	shalt  }
0x63: {  	_ =	shalt  }
0x64: {  	_ =	shalt  }
0x65: {  	_ =	shalt  }
0x66: {  	_ =	shalt  }
0x67: {  	_ =	shalt  }
0x68: {  	_ =	shalt  }
0x69: {  	_ =	shalt  }
0x6a: {  	_ =	shalt  }
0x6b: {  	_ =	shalt  }
0x6c: {  	_ =	shalt  }
0x6d: {  	_ =	shalt  }
0x6e: {  	_ =	shalt  }
0x6f: {  	_ =	shalt  }
0x70: {  	_ =	shalt  }
0x71: {  	_ =	shalt  }
0x72: {  	_ =	shalt  }
0x73: {  	_ =	shalt  }
0x74: {  	_ =	shalt  }
0x75: {  	_ =	shalt  }
0x76: {  	_ =	shalt  }
0x77: {  	_ =	shalt  }
0x78: {  	_ =	shalt  }
0x79: {  	_ =	shalt  }
0x7a: {  	_ =	shalt  }
0x7b: {  	_ =	shalt  }
0x7c: {  	_ =	shalt  }
0x7d: {  	_ =	shalt  }
0x7e: {  	_ =	shalt  }
0x7f: {  	_ =	shalt  }
0x80: {  	_ =	shalt  }
0x81: {  	_ =	shalt  }
0x82: {  	_ =	shalt  }
0x83: {  	_ =	shalt  }
0x84: {  	_ =	shalt  }
0x85: {  	_ =	shalt  }
0x86: {  	_ =	shalt  }
0x87: {  	_ =	shalt  }
.Lfunc_end0:
.L_simem_size_0:
called_computation.1_lowered:
.L_overlay_start_0:
0x88: {  	s2 =	sld [smem:$0x3FD9]  }
0x89: {  	s3 =	sld [smem:$0x3FFE];
	_ =	sdelay $0x1  }
0x8a: {  	s1 =	srdreg.scid  }
0x8b: {  	s0 =	sand.u32 $0x1, s1  }
0x8c: {  	s17 =	sshll.u32 s0, $0xA;
	s2 =	sadd.s32 s3, s2  }
0x8d: {  	s2 =	sadd.s32 s2, s17  }
0x8e: {  	[smem:$0x3FC0] =	sst s2  }
0x8f: {  	_ = 	snop  }
0x90: {  	s2 =	sld [smem:$0x3FD0];
	(tm) =	ssettm $0x1  }
0x91: {  	s18 =	sld [smem:$0x3FFB];
	_ =	sdelay $0x3  }
0x92: {  	_ =	strace s18  }
0x93: {  	s3 =	sld [smem:$0x3FFC];
	_ =	sdelay $0x3  }
0x94: {  	_ =	strace s3  }
0x95: {  	s3 =	sld [smem:$0x3FFD];
	_ =	sdelay $0x3  }
0x96: {  	_ =	strace s3  }
0x97: {  	_ =	strace $0x8FFFFFFF  }
0x98: {  	s19 =	sld [smem:$0x3FDB];
	_ =	sdelay $0x1  }
0x99: {  	s4 =	simm.s32 $_scs_section_size  }
0x9a: {  	s5 =	simm.s32 $_size__tile_overlayer_lowered;
	s6 =	simm.s32 $_tile_overlayer_lowered  }
0x9b: {  	s22 =	simm.s32 $0x1BFF;
	s21 =	sshll.u32 s6, $0x1;
	s3 =	sadd.s32 s4, s19  }
0x9c: {  	s7 =	simm.s32 $0x0;
	s20 =	sshll.u32 s5, $0x1;
	s5 =	sadd.s32 s21, s3  }
0x9d: {  	[timem:s7], [sflag:s22] =	dma.local [hbm:s5], s20  }
0x9e: {  	_ =	swait.ge [sflag:s22], s20  }
0x9f: {  	s4 =	ssub.s32 $0x0, s20;
	[sflag:s22] =	ssyncset.done $0x0  }
0xa0: {  	[sflag:s22] =	ssyncadd.s32 s4;
	_ =	sdelay $0x1  }
0xa1: {  	s23 =	simm.s32 $0x1B8B  }
0xa2: {  	_ =	swait.ge [sflag:s23], $0x1  }
0xa3: {  	[sflag:s23] =	ssyncset.done $0x0  }
0xa4: {  	s25 =	simm.s32 $0x1B8E;
	s24 =	sld [smem:$0x3FFE];
	[sflag:s23] =	ssyncadd.s32 $0xFFFFFFFF  }
0xa5: {  	s26 =	simm.s32 $execute0_lowered;
	[smem:$0x3FD2] =	sst s25  }
0xa6: {  	s5 =	sshll.u32 s26, $0x1;
	_ =	strace $0x80000049;
	[dreg:$0x1] =	wrdreg $0xFFFFFFFF  }
0xa7: {  	s28 =	simm.s32 $_size_execute0_lowered;
	s3 =	sadd.s32 s3, s5;
	[dreg:$0x0] =	wrdreg $0x0  }
0xa8: {  	s5 =	sshll.u32 s28, $0x1;
	[dreg:$0x2] =	wrdreg s3  }
0xa9: {  	[dreg:$0x3] =	wrdreg s5  }
0xaa: {  	[dreg:$0x4] =	wrdreg $0xC0  }
0xab: {  	_ =	task [dreg:s7], $0x5FFFF  }
0xac: {  	[dreg:$0x1] =	wrdreg $0xFFFFFFFF  }
0xad: {  	[dreg:$0x0] =	wrdreg $0x60  }
0xae: {  	[dreg:$0x2] =	wrdreg s24  }
0xaf: {  	[dreg:$0x3] =	wrdreg s2  }
0xb0: {  	[dreg:$0x4] =	wrdreg $0xAA000  }
0xb1: {  	[dreg:$0x5] =	wrdreg $0x9  }
0xb2: {  	_ =	task.clear_ibuf [dreg:s7], $0x6FFFF;
	_ =	strace $0x90000049  }
0xb3: {  	s29 =	simm.s32 $0x9;
	_ =	strace $0x8000004B  }
0xb4: {  	_ =	swait.ge [sflag:s29], $0x1  }
0xb5: {  	[sflag:s29] =	ssyncadd.s32 $0xFFFFFFFF  }
0xb6: {  	_ =	strace $0x9000004B  }
0xb7: {  	_ =	sfence  }
0xb8: {  	s30 =	sld [smem:$0x0];
	_ =	sdelay $0x2  }
0xb9: {  	s31 =	sshll.u32 s1, $0xD;
	s1 =	sshrl.u32 s1, $0x2  }
0xba: {  	s3 =	sand.u32 $0x4000, s31;
	s1 =	sadd.s32 s1, s30  }
0xbb: {  	s0 =	sor.u32 s3, s0;
	s1 =	sshll.u32 s1, $0x11  }
0xbc: {  	s0 =	sor.u32 s1, s0  }
0xbd: {  	s0 =	sadd.s32 $0x8F2B, s0  }
0xbe: {  	[sflag:s0] =	ssyncadd.remote.s32 $0x1  }
0xbf: {  	_ =	sfence.sel $0xFFFF  }
0xc0: {  	[dreg:$0x0] =	wrdreg $0xFFFFFFFF;
	(pc) =	sbr.abs _section_cstart, $3  }
0xc1: {  	[dreg:$0x1] =	wrdreg $0xFFFFFFFF  }
0xc2: {  	_ =	task.clear_ibuf [dreg:s7], $0x2FFFF;
	_ =	strace $0x9FFFFFFF  }
0xc3: {  	(tm) =	ssettm $0x7FFFFFFF  }
tec
execute0_lowered:
.L_overlay_start_1:
0x0: {  	(tag) =	ssettag $0x1  }
0x1: {  	s0 =	srdreg.scid;
	s1 =	rddreg [dreg:$0x0]  }
0x2: {  	s12 =	stileid.u32;
	s5 =	rddreg [dreg:$0x1]  }
0x3: {  	s3 =	simm.s32 $0x0;
	s14 =	simm.s32 $0x9;
	s28 =	simm.s32 $0x6  }
0x4: {  	s29 =	simm.s32 $0x8;
	s30 =	simm.s32 $0x4;
	s31 =	simm.s32 $0x0  }
0x5: {  	s0 =	sand.u32 $0x1, s0;
	s8 =	smul.u32 $0x2800, s12;
	[smem:$0x7FF] =	sst s3  }
0x6: {  	s4 =	sadd.s32 $0x35400, s1;
	s10 =	smul.u32 $0x50000, s12;
	s18 =	sshll.u32 s12, $0x6  }
0x7: {  	s2 =	sshll.u32 s0, $0x4;
	s9 =	smul.u32 $0x28000, s0;
	s0 =	ssub.s32 $0x2, s0  }
0x8: {  	s6 =	sor.u32 s12, s2;
	s2 =	rddreg [dreg:$0x2];
	_ =	strace $0x8000004A  }
0x9: {  	s11 =	sshrl.u32 s0, $0x1;
	s16 =	sshrl.u32 s10, $0x2;
	s7 =	smul.u32 $0x500, s6  }
0xa: {  	s9 =	sadd.s32 s8, s9;
	s8 =	sadd.s32 s8, s1;
	s0 =	ssub.s32 s0, s11  }
0xb: {  	s15 =	smul.u32 $0x2800, s6;
	s13 =	sadd.s32 s16, s2;
	s6 =	sor.u32 $0x1C09, s18  }
0xc: {  	s16 =	simm.s32 $0x2880;
	s18 =	simm.s32 $0x1;
	s17 =	sadd.s32 $0xD400, s8  }
0xd: {  	s20 =	sor.u32 $0x300, s9;
	s23 =	sor.u32 $0x280, s9;
	s25 =	sor.u32 $0x200, s9  }
0xe: {  	s12 =	smax.u32 s0, $0x1;
	s13 =	sshrl.u32 s13, $0x3;
	s7 =	sadd.s32 s7, s1  }
0xf: {  	s1 =	sadd.s32 s9, s1;
	[dreg:$0x8] =	wrdreg s17;
	s19 =	sshrl.u32 s15, $0x3  }
0x10: {  	s21 =	sshrl.u32 s20, $0x3;
	s24 =	sshrl.u32 s23, $0x3;
	s10 =	sshrl.u32 s25, $0x3  }
0x11: {  	s9 =	sor.u32 $0x180, s9;
	s15 =	simm.s32 $0x2800;
	s7 =	sadd.s32 $0x3400, s7  }
0x12: {  	s17 =	simm.s32 $0x2900;
	s8 =	sadd.s32 s5, s19;
	[dreg:$0x9] =	wrdreg s7  }
0x13: {  	s20 =	simm.s32 $0x2A00;
	s26 =	sadd.s32 s10, s5;
	[dreg:$0xa] =	wrdreg s8  }
0x14: {  	s23 =	simm.s32 $0x6A00;
	s1 =	sadd.s32 $0x5D400, s1;
	[dreg:$0x6] =	wrdreg s26  }
0x15: {  	s25 =	simm.s32 $0x7;
	s22 =	sadd.s32 $0x10, s8;
	[dreg:$0xd] =	wrdreg s1  }
0x16: {  	s9 =	sshrl.u32 s9, $0x3;
	s7 =	sadd.s32 s21, s5;
	[dreg:$0xb] =	wrdreg s22  }
0x17: {  	s19 =	simm.s32 $0x80;
	s8 =	sadd.s32 $0x20, s8;
	[dreg:$0x4] =	wrdreg s7  }
0x18: {  	s21 =	simm.s32 $0x2980;
	s7 =	sadd.s32 s24, s5;
	[dreg:$0xc] =	wrdreg s8  }
0x19: {  	s26 =	simm.s32 $0x3;
	s5 =	sadd.s32 s9, s5;
	[dreg:$0x5] =	wrdreg s7  }
0x1a: {  	s22 =	simm.s32 $0x2;
	s24 =	simm.s32 $0x5;
	[dreg:$0x7] =	wrdreg s5  }
.LBB2_1:
0x1b: {  	s0 =	rddreg [dreg:$0x8]  }
0x1c: {  	[spmem:s13], [sflag:s6] =	dma.local [hbm:s0], $0x2800  }
0x1d: {  	_ =	swait.ge [sflag:s14], $0x2800  }
0x1e: {  	[sflag:s14] =	ssyncset.done $0x0  }
0x1f: {  	s1 =	rddreg [dreg:$0x9];
	[sflag:s14] =	ssyncadd.s32 $0xFFFFD800  }
0x20: {  	[tilespmem:s3], [sflag:$0x9] =	stream.linear.gather [hbm4b:s1+s3], $0x2800, $0x38;
	[tilespmem:$0x1EA00] =	vst v63  }
0x21: {  	_ =	swait.ge [sflag:s14], $0x2800  }
0x22: {  	[sflag:s14] =	ssyncset.done $0x0  }
0x23: {  	[sflag:s14] =	ssyncadd.s32 $0xFFFFD800  }
0x24: {  	[bflag:$0x0] =	sbarrier.arrive $0xFFFF  }
0x25: {  	s5 =	rddreg [dreg:$0xa]  }
0x26: {  	[tilespmem:s15], [sflag:$0x1] =	stream.linear.gather [hbm4b:s5+s3], $0x80, $0x38;
	[tilespmem:$0x1EA00] =	vst v63  }
0x27: {  	s7 =	rddreg [dreg:$0xb]  }
0x28: {  	[tilespmem:s16], [sflag:$0x2] =	stream.linear.gather [hbm4b:s7+s3], $0x80, $0x38;
	[tilespmem:$0x1EA00] =	vst v63  }
0x29: {  	s8 =	rddreg [dreg:$0xc]  }
0x2a: {  	[tilespmem:s17], [sflag:$0x3] =	stream.linear.gather [hbm4b:s8+s3], $0x80, $0x38;
	[tilespmem:$0x1EA00] =	vst v63  }
0x2b: {  	_ =	swait.ge [sflag:s18], $0x80  }
0x2c: {  	[sflag:s18] =	ssyncset.done $0x0  }
0x2d: {  	p0 =	por $0x1, $0x1;
	s9 =	rddreg [dreg:$0x7];
	[sflag:s18] =	ssyncadd.s32 $0xFFFFFF80  }
0x2e: {  	[tilespmem:s20], [sflag:$0x5] =	stream.indirect.gather [hbm4b:s4+s19], $0x80, s15, s19, $0xb8;
	[tilespmem:$0x1EA00] =	vst v63  }
0x2f: {  	s1 =	simm.s32 @!p0 $0x8;
	s0 =	sadd.s32 $0x0, s9  }
0x30: {  	[tilespmem:s21], [sflag:$0x4] =	stream.linear.gather [hbm4b:s0+s3], $0x80, $0x38;
	[tilespmem:$0x1EA00] =	vst v63  }
0x31: {  	_ =	swait.ge @!p0 [sflag:s1], $0x4000  }
0x32: {  	[sflag:s1] =	ssyncset.done @!p0 $0x0  }
0x33: {  	[sflag:s1] =	ssyncadd.s32 @!p0 $0xFFFFC000  }
0x34: {  	_ =	swait.ge [sflag:s22], $0x80  }
0x35: {  	[sflag:s22] =	ssyncset.done $0x0  }
0x36: {  	[sflag:s22] =	ssyncadd.s32 $0xFFFFFF80  }
0x37: {  	[tilespmem:s23], [sflag:$0x6] =	stream.indirect.gather [hbm4b:s4+s19], $0x80, s16, s19, $0xb8;
	[tilespmem:$0x1EA00] =	vst v63  }
0x38: {  	_ =	swait.ge [sflag:s24], $0x4000  }
0x39: {  	s10 =	simm.s32 $0x0;
	[sflag:s24] =	ssyncset.done $0x0  }
0x3a: {  	p0 =	por $0x0, $0x0;
	s0 =	rddreg [dreg:$0x6];
	[sflag:s24] =	ssyncadd.s32 $0xFFFFC000  }
0x3b: {  	[spmem:s2] =	stream.indirect.scatter.add.f32 [tilespmem:s20], [sflag:$0x7], $0x80, s10, s19, $0xb8;
	[tilespmem:$0x1EA00] =	vst v63  }
0x3c: {  	s7 =	simm.s32 @!p0 $0x0;
	s5 =	simm.s32 @!p0 $0x2800;
	s0 =	sadd.s32 @!p0 $0x0, s0  }
0x3d: {  	[tilespmem:s5], [sflag:$0x1] =	stream.linear.gather @!p0 [hbm4b:s0+s7], $0x80, $0x38;
	[tilespmem:$0x1EA00] =	vst v63  }
0x3e: {  	_ =	swait.ge [sflag:s25], $0x4000  }
0x3f: {  	[sflag:s25] =	ssyncset.done $0x0  }
0x40: {  	[sflag:s25] =	ssyncadd.s32 $0xFFFFC000  }
0x41: {  	_ =	swait.ge [sflag:s26], $0x80  }
0x42: {  	[sflag:s26] =	ssyncset.done $0x0  }
0x43: {  	[sflag:s26] =	ssyncadd.s32 $0xFFFFFF80  }
0x44: {  	[tilespmem:s20], [sflag:$0x5] =	stream.indirect.gather [hbm4b:s4+s19], $0x80, s17, s19, $0xb8;
	[tilespmem:$0x1EA00] =	vst v63  }
0x45: {  	_ =	swait.ge [sflag:s28], $0x4000  }
0x46: {  	[sflag:s28] =	ssyncset.done $0x0  }
0x47: {  	s11 =	simm.s32 $0x80;
	s0 =	rddreg [dreg:$0x5];
	[sflag:s28] =	ssyncadd.s32 $0xFFFFC000  }
0x48: {  	[spmem:s2] =	stream.indirect.scatter.add.f32 [tilespmem:s23], [sflag:$0x8], $0x80, s11, s19, $0xb8;
	[tilespmem:$0x1EA00] =	vst v63  }
0x49: {  	s1 =	simm.s32 @!p0 $0x2880;
	s0 =	sadd.s32 @!p0 $0x0, s0  }
0x4a: {  	[tilespmem:s1], [sflag:$0x2] =	stream.linear.gather @!p0 [hbm4b:s0+s7], $0x80, $0x38;
	[tilespmem:$0x1EA00] =	vst v63  }
0x4b: {  	_ =	swait.ge [sflag:s29], $0x4000  }
0x4c: {  	[sflag:s29] =	ssyncset.done $0x0  }
0x4d: {  	[sflag:s29] =	ssyncadd.s32 $0xFFFFC000  }
0x4e: {  	_ =	swait.ge [sflag:s30], $0x80  }
0x4f: {  	[sflag:s30] =	ssyncset.done $0x0  }
0x50: {  	[sflag:s30] =	ssyncadd.s32 $0xFFFFFF80  }
0x51: {  	[tilespmem:s23], [sflag:$0x6] =	stream.indirect.gather [hbm4b:s4+s19], $0x80, s21, s19, $0xb8;
	[tilespmem:$0x1EA00] =	vst v63  }
0x52: {  	_ =	swait.ge [sflag:s24], $0x4000  }
0x53: {  	[sflag:s24] =	ssyncset.done $0x0  }
0x54: {  	s1 =	simm.s32 $0x100;
	s0 =	rddreg [dreg:$0x4];
	[sflag:s24] =	ssyncadd.s32 $0xFFFFC000  }
0x55: {  	[spmem:s2] =	stream.indirect.scatter.add.f32 [tilespmem:s20], [sflag:$0x7], $0x80, s1, s19, $0xb8;
	[tilespmem:$0x1EA00] =	vst v63  }
0x56: {  	s9 =	simm.s32 @!p0 $0x2900;
	s0 =	sadd.s32 @!p0 $0x0, s0  }
0x57: {  	[tilespmem:s9], [sflag:$0x3] =	stream.linear.gather @!p0 [hbm4b:s0+s7], $0x80, $0x38;
	[tilespmem:$0x1EA00] =	vst v63  }
0x58: {  	s0 =	simm.s32 @!p0 $0x7  }
0x59: {  	_ =	swait.ge @!p0 [sflag:s0], $0x4000  }
0x5a: {  	[sflag:s0] =	ssyncset.done @!p0 $0x0  }
0x5b: {  	s9 =	simm.s32 @!p0 $0x1;
	[sflag:s0] =	ssyncadd.s32 @!p0 $0xFFFFC000  }
0x5c: {  	_ =	swait.ge @!p0 [sflag:s9], $0x80  }
0x5d: {  	s7 =	simm.s32 @!p0 $0x80;
	[sflag:s9] =	ssyncset.done @!p0 $0x0  }
0x5e: {  	s0 =	simm.s32 $0x40;
	[sflag:s9] =	ssyncadd.s32 @!p0 $0xFFFFFF80;
	s9 =	simm.s32 @!p0 $0x2A00  }
.LBB2_2:
0x5f: {  	[tilespmem:s9], [sflag:$0x5] =	stream.indirect.gather @!p0 [hbm4b:s4+s7], $0x80, s5, s7, $0xb8;
	[tilespmem:$0x1EA00] =	vst v63  }
0x60: {  	_ =	swait.ge [sflag:s28], $0x4000  }
0x61: {  	s7 =	smov.u32 s0;
	s9 =	sadd.s32 $0x80, s1;
	[sflag:s28] =	ssyncset.done $0x0  }
0x62: {  	p0 =	seq.s32 s7, $0x0;
	s10 =	rddreg [dreg:$0x7];
	[sflag:s28] =	ssyncadd.s32 $0xFFFFC000  }
0x63: {  	[spmem:s2] =	stream.indirect.scatter.add.f32 [tilespmem:s23], [sflag:$0x8], $0x80, s9, s19, $0xb8;
	[tilespmem:$0x1EA00] =	vst v63  }
0x64: {  	s11 =	sadd.s32 s7, s10;
	s9 =	simm.s32 @!p0 $0x8  }
0x65: {  	[tilespmem:s21], [sflag:$0x4] =	stream.linear.gather [hbm4b:s11+s3], $0x80, $0x38;
	[tilespmem:$0x1EA00] =	vst v63  }
0x66: {  	_ =	swait.ge @!p0 [sflag:s9], $0x4000  }
0x67: {  	[sflag:s9] =	ssyncset.done @!p0 $0x0  }
0x68: {  	[sflag:s9] =	ssyncadd.s32 @!p0 $0xFFFFC000  }
0x69: {  	_ =	swait.ge [sflag:s22], $0x80  }
0x6a: {  	[sflag:s22] =	ssyncset.done $0x0  }
0x6b: {  	[sflag:s22] =	ssyncadd.s32 $0xFFFFFF80  }
0x6c: {  	[tilespmem:s23], [sflag:$0x6] =	stream.indirect.gather [hbm4b:s4+s19], $0x80, s16, s19, $0xb8;
	[tilespmem:$0x1EA00] =	vst v63  }
0x6d: {  	s1 =	sadd.s32 $0x200, s1;
	_ =	swait.ge [sflag:s24], $0x4000  }
0x6e: {  	s10 =	sadd.s32 $0xFFFFFF00, s1;
	[sflag:s24] =	ssyncset.done $0x0  }
0x6f: {  	p0 =	seq.s32 s7, $0x4C0;
	s8 =	rddreg [dreg:$0x6];
	[sflag:s24] =	ssyncadd.s32 $0xFFFFC000  }
0x70: {  	[spmem:s2] =	stream.indirect.scatter.add.f32 [tilespmem:s20], [sflag:$0x7], $0x80, s10, s19, $0xb8;
	[tilespmem:$0x1EA00] =	vst v63  }
0x71: {  	s9 =	simm.s32 @!p0 $0x0;
	s5 =	simm.s32 @!p0 $0x2800;
	s8 =	sadd.s32 @!p0 s7, s8  }
0x72: {  	[tilespmem:s5], [sflag:$0x1] =	stream.linear.gather @!p0 [hbm4b:s8+s9], $0x80, $0x38;
	[tilespmem:$0x1EA00] =	vst v63  }
0x73: {  	_ =	swait.ge [sflag:s25], $0x4000  }
0x74: {  	[sflag:s25] =	ssyncset.done $0x0  }
0x75: {  	[sflag:s25] =	ssyncadd.s32 $0xFFFFC000  }
0x76: {  	_ =	swait.ge [sflag:s26], $0x80  }
0x77: {  	[sflag:s26] =	ssyncset.done $0x0  }
0x78: {  	[sflag:s26] =	ssyncadd.s32 $0xFFFFFF80  }
0x79: {  	[tilespmem:s20], [sflag:$0x5] =	stream.indirect.gather [hbm4b:s4+s19], $0x80, s17, s19, $0xb8;
	[tilespmem:$0x1EA00] =	vst v63  }
0x7a: {  	_ =	swait.ge [sflag:s28], $0x4000  }
0x7b: {  	[sflag:s28] =	ssyncset.done $0x0  }
0x7c: {  	s8 =	sadd.s32 $0xFFFFFF80, s1;
	s10 =	rddreg [dreg:$0x5];
	[sflag:s28] =	ssyncadd.s32 $0xFFFFC000  }
0x7d: {  	[spmem:s2] =	stream.indirect.scatter.add.f32 [tilespmem:s23], [sflag:$0x8], $0x80, s8, s19, $0xb8;
	[tilespmem:$0x1EA00] =	vst v63  }
0x7e: {  	s11 =	simm.s32 @!p0 $0x2880;
	s8 =	sadd.s32 @!p0 s7, s10  }
0x7f: {  	[tilespmem:s11], [sflag:$0x2] =	stream.linear.gather @!p0 [hbm4b:s8+s9], $0x80, $0x38;
	[tilespmem:$0x1EA00] =	vst v63  }
0x80: {  	_ =	swait.ge [sflag:s29], $0x4000  }
0x81: {  	[sflag:s29] =	ssyncset.done $0x0  }
0x82: {  	[sflag:s29] =	ssyncadd.s32 $0xFFFFC000  }
0x83: {  	_ =	swait.ge [sflag:s30], $0x80  }
0x84: {  	[sflag:s30] =	ssyncset.done $0x0  }
0x85: {  	[sflag:s30] =	ssyncadd.s32 $0xFFFFFF80  }
0x86: {  	[tilespmem:s23], [sflag:$0x6] =	stream.indirect.gather [hbm4b:s4+s19], $0x80, s21, s19, $0xb8;
	[tilespmem:$0x1EA00] =	vst v63  }
0x87: {  	_ =	swait.ge [sflag:s24], $0x4000  }
0x88: {  	[sflag:s24] =	ssyncset.done $0x0  }
0x89: {  	s0 =	sadd.s32 $0x40, s0;
	s8 =	rddreg [dreg:$0x4];
	[sflag:s24] =	ssyncadd.s32 $0xFFFFC000  }
0x8a: {  	[spmem:s2] =	stream.indirect.scatter.add.f32 [tilespmem:s20], [sflag:$0x7], $0x80, s1, s19, $0xb8;
	[tilespmem:$0x1EA00] =	vst v63  }
0x8b: {  	s10 =	simm.s32 @!p0 $0x2900;
	s7 =	sadd.s32 @!p0 s7, s8;
	s8 =	simm.s32 @!p0 $0x7  }
0x8c: {  	[tilespmem:s10], [sflag:$0x3] =	stream.linear.gather @!p0 [hbm4b:s7+s9], $0x80, $0x38;
	[tilespmem:$0x1EA00] =	vst v63  }
0x8d: {  	p1 =	sne.s32 s0, $0x500;
	_ =	swait.ge @!p0 [sflag:s8], $0x4000  }
.Ltmp0:
0x8e: {  	[sflag:s8] =	ssyncset.done @!p0 $0x0;
	(pc) =	sbr.rel @p1 .LBB2_2-.Ltmp0, $4  }
0x8f: {  	s10 =	simm.s32 @!p0 $0x1;
	[sflag:s8] =	ssyncadd.s32 @!p0 $0xFFFFC000  }
0x90: {  	_ =	swait.ge @!p0 [sflag:s10], $0x80  }
0x91: {  	[sflag:s10] =	ssyncset.done @!p0 $0x0  }
0x92: {  	s7 =	simm.s32 @!p0 $0x80;
	s9 =	simm.s32 @!p0 $0x2A00;
	[sflag:s10] =	ssyncadd.s32 @!p0 $0xFFFFFF80  }
0x93: {  	[tilespmem:s9], [sflag:$0x5] =	stream.indirect.gather @!p0 [hbm4b:s4+s7], $0x80, s5, s7, $0xb8;
	[tilespmem:$0x1EA00] =	vst v63  }
0x94: {  	_ =	swait.ge [sflag:s28], $0x4000  }
0x95: {  	[sflag:s28] =	ssyncset.done $0x0  }
0x96: {  	s0 =	sadd.s32 $0x80, s1;
	[sflag:s28] =	ssyncadd.s32 $0xFFFFC000  }
0x97: {  	[spmem:s2] =	stream.indirect.scatter.add.f32 [tilespmem:s23], [sflag:$0x8], $0x80, s0, s19, $0xb8;
	[tilespmem:$0x1EA00] =	vst v63  }
0x98: {  	_ =	swait.ge [sflag:s25], $0x4000  }
0x99: {  	[sflag:s25] =	ssyncset.done $0x0  }
0x9a: {  	[sflag:s25] =	ssyncadd.s32 $0xFFFFC000  }
0x9b: {  	_ =	swait.ge [sflag:s29], $0x4000  }
0x9c: {  	[sflag:s29] =	ssyncset.done $0x0  }
0x9d: {  	s31 =	sadd.s32 $0x1, s31;
	[sflag:s29] =	ssyncadd.s32 $0xFFFFC000  }
0x9e: {  	p0 =	sne.s32 s31, s12;
	[bflag:$0x0] =	sbarrier.arrive $0xFFFF  }
.Ltmp1:
0x9f: {  	s11 =	rddreg [dreg:$0xd];
	(pc) =	sbr.rel @p0 .LBB2_1-.Ltmp1, $4  }
0xa0: {  	[hbm:s11], [sflag:s6] =	dma.local [spmem:s13], $0x2800  }
0xa1: {  	_ =	swait.ge [sflag:s14], $0x2800  }
0xa2: {  	[sflag:s14] =	ssyncset.done $0x0  }
0xa3: {  	[sflag:s14] =	ssyncadd.s32 $0xFFFFD800  }
0xa4: {  	_ =	sfence.sel $0x180000  }
0xa5: {  	[bflag:$0x0] =	sbarrier.arrive $0xFFFF  }
0xa6: {  	_ =	strace $0x9000004A  }
0xa7: {  	s0 =	stileid.u32;
	[bflag:$0x2] =	sbarrier.arrive $0xFFFF  }
0xa8: {  	p0 =	sne.s32 s0, $0x0;
	s0 =	rddreg [dreg:$0x3]  }
0xa9: {  	s0 =	sadd.s32 @!p0 $0x100000, s0  }
0xaa: {  	[sflag:s0] =	ssyncadd.tile.s32 @!p0 $0x1;
	_ =	shalt  }
.Lfunc_end2:
_tile_overlayer_lowered:
.L_overlay_start_2:
0xab: {  	(tag) =	ssettag $0x2  }
0xac: {  	s0 =	rddreg [dreg:$0x0];
	s2 =	stileid.u32  }
0xad: {  	s1 =	rddreg [dreg:$0x1];
	p0 =	sne.s32 s2, $0x0  }
0xae: {  	s3 =	rddreg [dreg:$0x2];
	[bflag:$0x3] =	sbarrier.arrive $0xFFFF;
	s2 =	simm.s32 @!p0 $0x1C09  }
0xaf: {  	[timem:s3], [sflag:s2] =	dma.local @!p0 [hbm:s0], s1  }
0xb0: {  	s0 =	simm.s32 @!p0 $0x9  }
0xb1: {  	_ =	swait.ge @!p0 [sflag:s0], s1  }
0xb2: {  	s1 =	ssub.s32 @!p0 $0x0, s1;
	[sflag:s0] =	ssyncset.done @!p0 $0x0  }
0xb3: {  	[sflag:s0] =	ssyncadd.s32 @!p0 s1  }
0xb4: {  	[bflag:$0x3] =	sbarrier.arrive $0xFFFF  }
0xb5: {  	_ =	shalt  }

// kernel: kernel.16.cloned.1.call-start
scs
__scs_entry_jumppad:
0x0: {  	(pc) =	sbr.rel $0x88, $3  }
0x1: {  	(tag) =	ssettag $0x0;
	lr =	simm.s32 $0x1  }
0x2: {  	[smem:$0x3F99] =	sst lr;
	_ =	strace $0xD0000000  }
0x3: {  	_ = 	snop  }
0x4: {  	_ = 	snop  }
0x5: {  	_ = 	snop  }
0x6: {  	_ = 	snop  }
0x7: {  	_ = 	snop  }
__scs_overlays_trampoline_lowered:
0x8: {  	[smem:$0x3FA8] =	sst s0  }
0x9: {  	[smem:$0x3FA9] =	sst s1  }
0xa: {  	[smem:$0x3FAA] =	sst s2  }
0xb: {  	[smem:$0x3FAB] =	sst s3  }
0xc: {  	[smem:$0x3FAC] =	sst s4  }
0xd: {  	[smem:$0x3FAD] =	sst s5  }
0xe: {  	[smem:$0x3FAE] =	sst s6  }
0xf: {  	[smem:$0x3FAF] =	sst s7  }
0x10: {  	[smem:$0x3FB0] =	sst s8  }
0x11: {  	[smem:$0x3FB1] =	sst s9;
	s0 =	simm.s32 @!p0 $0x0  }
0x12: {  	s1 =	sld [smem:$0x3F97];
	s0 =	simm.s32 @p0 $0x1  }
0x13: {  	[smem:$0x3FB2] =	sst s0;
	s0 =	simm.s32 @!p1 $0x0  }
0x14: {  	s2 =	sld [smem:$0x3F96];
	s0 =	simm.s32 @p1 $0x1  }
0x15: {  	[smem:$0x3FB3] =	sst s0;
	s0 =	simm.s32 @!p2 $0x0  }
0x16: {  	s3 =	sld [smem:$0x3FDB];
	s0 =	simm.s32 @p2 $0x1  }
0x17: {  	s4 =	simm.s32 $0x1BF5;
	[smem:$0x3FB5] =	sst s0  }
0x18: {  	s0 =	sld [smem:$0x3F98];
	_ =	swait.ge [sflag:s4], $0x0  }
0x19: {  	s7 =	sld [smem:$0x3F99]  }
0x1a: {  	s8 =	sadd.s32 $0xFFFFE003, lr  }
0x1b: {  	s9 =	sadd.s32 $0xFFFFFEF7, lr;
	s5 =	simm.s32 $0xFFFFFFFF;
	p2 =	slt.u32 s8, $0xFFFFF086  }
0x1c: {  	p1 =	slt.u32 s9, $0xF7A;
	s5 =	simm.s32 @!p2 $0x0  }
0x1d: {  	s5 =	simm.s32 @p1 $0x1;
	p0 =	seq.s32 s7, s2  }
0x1e: {  	s7 =	smul.u32 @!p0 $0xF7A, s2;
	p2 =	seq.s32 @!p0 s5, $0x0  }
0x1f: {  	s9 =	smul.u32 $0xF7A, s1;
	s8 =	simm.s32 @!p0 $0x1BF5;
	p2 =	por !p2, p0  }
0x20: {  	[sflag:s8] =	ssyncset.s32 @!p0 $0xFFFFF086;
	s6 =	sadd.s32 @!p0 s3, s7;
	s7 =	simm.s32 @!p0 $0x108  }
0x21: {  	s3 =	sadd.s32 s3, s9;
	s6 =	sadd.s32 @!p0 $0x88, s6;
	s7 =	simm.s32 @p2 $0x1082  }
0x22: {  	[simem:s7], [sflag:s8] =	dma.local @!p0 [hbm:s6], $0xF7A  }
0x23: {  	s9 =	sor.u32 $0xD0000000, s2;
	s6 =	simm.s32 $0x108;
	_ =	swait.ge @!p0 [sflag:s8], $0x0  }
0x24: {  	s3 =	sadd.s32 $0x88, s3;
	s6 =	simm.s32 @!p1 $0x1082;
	[sflag:s4] =	ssyncset.s32 $0xFFFFF086  }
0x25: {  	[simem:s6], [sflag:s4] =	dma.local [hbm:s3], $0xF7A  }
0x26: {  	[smem:$0x3F99] =	sst s1;
	(tag) =	ssettag s2;
	_ =	strace s9  }
0x27: {  	s1 =	sld [smem:$0x3FA9]  }
0x28: {  	s2 =	sld [smem:$0x3FAA]  }
0x29: {  	s4 =	sld [smem:$0x3FAC]  }
0x2a: {  	p0 =	seq.s32 s5, $0x0;
	s5 =	sld [smem:$0x3FAD]  }
0x2b: {  	s6 =	sld [smem:$0x3FAE]  }
0x2c: {  	s7 =	sld [smem:$0x3FAF]  }
0x2d: {  	s3 =	simm.s32 $0x108;
	s8 =	sld [smem:$0x3FB0]  }
0x2e: {  	s3 =	simm.s32 @!p0 $0x1082;
	s9 =	sld [smem:$0x3FB1]  }
0x2f: {  	lr =	sadd.s32 s0, s3;
	s0 =	sld [smem:$0x3FA8]  }
0x30: {  	s3 =	sld [smem:$0x3FAB]  }
0x31: {  	[smem:$0x3FB4] =	sst s10  }
0x32: {  	s10 =	sld [smem:$0x3FB2];
	_ =	sdelay $0x3  }
0x33: {  	p0 =	seq.s32 s10, $0x1;
	s10 =	sld [smem:$0x3FB4];
	_ =	sdelay $0x3  }
0x34: {  	[smem:$0x3FB4] =	sst s10  }
0x35: {  	s10 =	sld [smem:$0x3FB3];
	_ =	sdelay $0x3  }
0x36: {  	p1 =	seq.s32 s10, $0x1;
	s10 =	sld [smem:$0x3FB4];
	_ =	sdelay $0x3  }
0x37: {  	[smem:$0x3FB4] =	sst s10  }
0x38: {  	s10 =	sld [smem:$0x3FB5]  }
0x39: {  	_ = 	snop;
	(pc) =	sbr.ind lr, $3  }
0x3a: {  	_ = 	snop  }
0x3b: {  	_ = 	snop  }
0x3c: {  	p2 =	seq.s32 s10, $0x1;
	s10 =	sld [smem:$0x3FB4]  }
0x3d: {  	_ =	shalt  }
0x3e: {  	_ =	shalt  }
0x3f: {  	_ =	shalt  }
0x40: {  	_ =	shalt  }
0x41: {  	_ =	shalt  }
0x42: {  	_ =	shalt  }
0x43: {  	_ =	shalt  }
0x44: {  	_ =	shalt  }
0x45: {  	_ =	shalt  }
0x46: {  	_ =	shalt  }
0x47: {  	_ =	shalt  }
0x48: {  	_ =	shalt  }
0x49: {  	_ =	shalt  }
0x4a: {  	_ =	shalt  }
0x4b: {  	_ =	shalt  }
0x4c: {  	_ =	shalt  }
0x4d: {  	_ =	shalt  }
0x4e: {  	_ =	shalt  }
0x4f: {  	_ =	shalt  }
0x50: {  	_ =	shalt  }
0x51: {  	_ =	shalt  }
0x52: {  	_ =	shalt  }
0x53: {  	_ =	shalt  }
0x54: {  	_ =	shalt  }
0x55: {  	_ =	shalt  }
0x56: {  	_ =	shalt  }
0x57: {  	_ =	shalt  }
0x58: {  	_ =	shalt  }
0x59: {  	_ =	shalt  }
0x5a: {  	_ =	shalt  }
0x5b: {  	_ =	shalt  }
0x5c: {  	_ =	shalt  }
0x5d: {  	_ =	shalt  }
0x5e: {  	_ =	shalt  }
0x5f: {  	_ =	shalt  }
0x60: {  	_ =	shalt  }
0x61: {  	_ =	shalt  }
0x62: {  	_ =	shalt  }
0x63: {  	_ =	shalt  }
0x64: {  	_ =	shalt  }
0x65: {  	_ =	shalt  }
0x66: {  	_ =	shalt  }
0x67: {  	_ =	shalt  }
0x68: {  	_ =	shalt  }
0x69: {  	_ =	shalt  }
0x6a: {  	_ =	shalt  }
0x6b: {  	_ =	shalt  }
0x6c: {  	_ =	shalt  }
0x6d: {  	_ =	shalt  }
0x6e: {  	_ =	shalt  }
0x6f: {  	_ =	shalt  }
0x70: {  	_ =	shalt  }
0x71: {  	_ =	shalt  }
0x72: {  	_ =	shalt  }
0x73: {  	_ =	shalt  }
0x74: {  	_ =	shalt  }
0x75: {  	_ =	shalt  }
0x76: {  	_ =	shalt  }
0x77: {  	_ =	shalt  }
0x78: {  	_ =	shalt  }
0x79: {  	_ =	shalt  }
0x7a: {  	_ =	shalt  }
0x7b: {  	_ =	shalt  }
0x7c: {  	_ =	shalt  }
0x7d: {  	_ =	shalt  }
0x7e: {  	_ =	shalt  }
0x7f: {  	_ =	shalt  }
0x80: {  	_ =	shalt  }
0x81: {  	_ =	shalt  }
0x82: {  	_ =	shalt  }
0x83: {  	_ =	shalt  }
0x84: {  	_ =	shalt  }
0x85: {  	_ =	shalt  }
0x86: {  	_ =	shalt  }
0x87: {  	_ =	shalt  }
.Lfunc_end0:
.L_simem_size_0:
called_computation.2_lowered:
.L_overlay_start_0:
0x88: {  	s2 =	sld [smem:$0x3FD9]  }
0x89: {  	s3 =	sld [smem:$0x3FFE];
	_ =	sdelay $0x1  }
0x8a: {  	s1 =	srdreg.scid  }
0x8b: {  	s0 =	sand.u32 $0x1, s1  }
0x8c: {  	s17 =	sshll.u32 s0, $0xA;
	s2 =	sadd.s32 s3, s2  }
0x8d: {  	s2 =	sadd.s32 s2, s17  }
0x8e: {  	[smem:$0x3FC0] =	sst s2  }
0x8f: {  	_ = 	snop  }
0x90: {  	s2 =	sld [smem:$0x3FD0];
	(tm) =	ssettm $0x1  }
0x91: {  	s18 =	sld [smem:$0x3FFB];
	_ =	sdelay $0x3  }
0x92: {  	_ =	strace s18  }
0x93: {  	s3 =	sld [smem:$0x3FFC];
	_ =	sdelay $0x3  }
0x94: {  	_ =	strace s3  }
0x95: {  	s3 =	sld [smem:$0x3FFD];
	_ =	sdelay $0x3  }
0x96: {  	_ =	strace s3  }
0x97: {  	_ =	strace $0x8FFFFFFF  }
0x98: {  	s19 =	sld [smem:$0x3FDB];
	_ =	sdelay $0x1  }
0x99: {  	s4 =	simm.s32 $_scs_section_size  }
0x9a: {  	s5 =	simm.s32 $_size__tile_overlayer_lowered;
	s6 =	simm.s32 $_tile_overlayer_lowered  }
0x9b: {  	s22 =	simm.s32 $0x1BFF;
	s21 =	sshll.u32 s6, $0x1;
	s3 =	sadd.s32 s4, s19  }
0x9c: {  	s7 =	simm.s32 $0x0;
	s20 =	sshll.u32 s5, $0x1;
	s5 =	sadd.s32 s21, s3  }
0x9d: {  	[timem:s7], [sflag:s22] =	dma.local [hbm:s5], s20  }
0x9e: {  	_ =	swait.ge [sflag:s22], s20  }
0x9f: {  	s4 =	ssub.s32 $0x0, s20;
	[sflag:s22] =	ssyncset.done $0x0  }
0xa0: {  	[sflag:s22] =	ssyncadd.s32 s4;
	_ =	sdelay $0x1  }
0xa1: {  	s23 =	simm.s32 $0x1B8B  }
0xa2: {  	_ =	swait.ge [sflag:s23], $0x1  }
0xa3: {  	[sflag:s23] =	ssyncset.done $0x0  }
0xa4: {  	s25 =	simm.s32 $0x1B8E;
	s24 =	sld [smem:$0x3FFE];
	[sflag:s23] =	ssyncadd.s32 $0xFFFFFFFF  }
0xa5: {  	s26 =	simm.s32 $execute0_lowered;
	[smem:$0x3FD2] =	sst s25  }
0xa6: {  	s5 =	sshll.u32 s26, $0x1;
	_ =	strace $0x8000004C;
	[dreg:$0x1] =	wrdreg $0xFFFFFFFF  }
0xa7: {  	s28 =	simm.s32 $_size_execute0_lowered;
	s3 =	sadd.s32 s3, s5;
	[dreg:$0x0] =	wrdreg $0x0  }
0xa8: {  	s5 =	sshll.u32 s28, $0x1;
	[dreg:$0x2] =	wrdreg s3  }
0xa9: {  	[dreg:$0x3] =	wrdreg s5  }
0xaa: {  	[dreg:$0x4] =	wrdreg $0xC0  }
0xab: {  	_ =	task [dreg:s7], $0x5FFFF  }
0xac: {  	[dreg:$0x1] =	wrdreg $0xFFFFFFFF  }
0xad: {  	[dreg:$0x0] =	wrdreg $0x60  }
0xae: {  	[dreg:$0x2] =	wrdreg s24  }
0xaf: {  	[dreg:$0x3] =	wrdreg s2  }
0xb0: {  	[dreg:$0x4] =	wrdreg $0xAA000  }
0xb1: {  	[dreg:$0x5] =	wrdreg $0x9  }
0xb2: {  	_ =	task.clear_ibuf [dreg:s7], $0x6FFFF;
	_ =	strace $0x9000004C  }
0xb3: {  	s29 =	simm.s32 $0x9;
	_ =	strace $0x8000004E  }
0xb4: {  	_ =	swait.ge [sflag:s29], $0x1  }
0xb5: {  	[sflag:s29] =	ssyncadd.s32 $0xFFFFFFFF  }
0xb6: {  	_ =	strace $0x9000004E  }
0xb7: {  	_ =	sfence  }
0xb8: {  	s30 =	sld [smem:$0x0];
	_ =	sdelay $0x2  }
0xb9: {  	s31 =	sshll.u32 s1, $0xD;
	s1 =	sshrl.u32 s1, $0x2  }
0xba: {  	s3 =	sand.u32 $0x4000, s31;
	s1 =	sadd.s32 s1, s30  }
0xbb: {  	s0 =	sor.u32 s3, s0;
	s1 =	sshll.u32 s1, $0x11  }
0xbc: {  	s0 =	sor.u32 s1, s0  }
0xbd: {  	s0 =	sadd.s32 $0x8F2B, s0  }
0xbe: {  	[sflag:s0] =	ssyncadd.remote.s32 $0x1  }
0xbf: {  	_ =	sfence.sel $0xFFFF  }
0xc0: {  	[dreg:$0x0] =	wrdreg $0xFFFFFFFF;
	(pc) =	sbr.abs _section_cstart, $3  }
0xc1: {  	[dreg:$0x1] =	wrdreg $0xFFFFFFFF  }
0xc2: {  	_ =	task.clear_ibuf [dreg:s7], $0x2FFFF;
	_ =	strace $0x9FFFFFFF  }
0xc3: {  	(tm) =	ssettm $0x7FFFFFFF  }
tec
execute0_lowered:
.L_overlay_start_1:
0x0: {  	(tag) =	ssettag $0x1  }
0x1: {  	s0 =	srdreg.scid;
	s1 =	rddreg [dreg:$0x0]  }
0x2: {  	s12 =	stileid.u32;
	s5 =	rddreg [dreg:$0x1]  }
0x3: {  	s3 =	simm.s32 $0x0;
	s14 =	simm.s32 $0x9;
	s28 =	simm.s32 $0x6  }
0x4: {  	s29 =	simm.s32 $0x8;
	s30 =	simm.s32 $0x4;
	s31 =	simm.s32 $0x0  }
0x5: {  	s0 =	sand.u32 $0x1, s0;
	s8 =	smul.u32 $0x2800, s12;
	[smem:$0x7FF] =	sst s3  }
0x6: {  	s4 =	sadd.s32 $0x35400, s1;
	s10 =	smul.u32 $0x50000, s12;
	s18 =	sshll.u32 s12, $0x6  }
0x7: {  	s2 =	sshll.u32 s0, $0x4;
	s9 =	smul.u32 $0x28000, s0;
	s0 =	ssub.s32 $0x2, s0  }
0x8: {  	s6 =	sor.u32 s12, s2;
	s2 =	rddreg [dreg:$0x2];
	_ =	strace $0x8000004D  }
0x9: {  	s11 =	sshrl.u32 s0, $0x1;
	s16 =	sshrl.u32 s10, $0x2;
	s7 =	smul.u32 $0x500, s6  }
0xa: {  	s9 =	sadd.s32 s8, s9;
	s8 =	sadd.s32 s8, s1;
	s0 =	ssub.s32 s0, s11  }
0xb: {  	s15 =	smul.u32 $0x2800, s6;
	s13 =	sadd.s32 s16, s2;
	s6 =	sor.u32 $0x1C09, s18  }
0xc: {  	s16 =	simm.s32 $0x2880;
	s18 =	simm.s32 $0x1;
	s17 =	sadd.s32 $0xD400, s8  }
0xd: {  	s20 =	sor.u32 $0x300, s9;
	s23 =	sor.u32 $0x280, s9;
	s25 =	sor.u32 $0x200, s9  }
0xe: {  	s12 =	smax.u32 s0, $0x1;
	s13 =	sshrl.u32 s13, $0x3;
	s7 =	sadd.s32 s7, s1  }
0xf: {  	s1 =	sadd.s32 s9, s1;
	[dreg:$0x8] =	wrdreg s17;
	s19 =	sshrl.u32 s15, $0x3  }
0x10: {  	s21 =	sshrl.u32 s20, $0x3;
	s24 =	sshrl.u32 s23, $0x3;
	s10 =	sshrl.u32 s25, $0x3  }
0x11: {  	s9 =	sor.u32 $0x180, s9;
	s15 =	simm.s32 $0x2800;
	s7 =	sadd.s32 $0x3400, s7  }
0x12: {  	s17 =	simm.s32 $0x2900;
	s8 =	sadd.s32 s5, s19;
	[dreg:$0x9] =	wrdreg s7  }
0x13: {  	s20 =	simm.s32 $0x2A00;
	s26 =	sadd.s32 s10, s5;
	[dreg:$0xa] =	wrdreg s8  }
0x14: {  	s23 =	simm.s32 $0x6A00;
	s1 =	sadd.s32 $0x5D400, s1;
	[dreg:$0x6] =	wrdreg s26  }
0x15: {  	s25 =	simm.s32 $0x7;
	s22 =	sadd.s32 $0x10, s8;
	[dreg:$0xd] =	wrdreg s1  }
0x16: {  	s9 =	sshrl.u32 s9, $0x3;
	s7 =	sadd.s32 s21, s5;
	[dreg:$0xb] =	wrdreg s22  }
0x17: {  	s19 =	simm.s32 $0x80;
	s8 =	sadd.s32 $0x20, s8;
	[dreg:$0x4] =	wrdreg s7  }
0x18: {  	s21 =	simm.s32 $0x2980;
	s7 =	sadd.s32 s24, s5;
	[dreg:$0xc] =	wrdreg s8  }
0x19: {  	s26 =	simm.s32 $0x3;
	s5 =	sadd.s32 s9, s5;
	[dreg:$0x5] =	wrdreg s7  }
0x1a: {  	s22 =	simm.s32 $0x2;
	s24 =	simm.s32 $0x5;
	[dreg:$0x7] =	wrdreg s5  }
.LBB2_1:
0x1b: {  	s0 =	rddreg [dreg:$0x8]  }
0x1c: {  	[spmem:s13], [sflag:s6] =	dma.local [hbm:s0], $0x2800  }
0x1d: {  	_ =	swait.ge [sflag:s14], $0x2800  }
0x1e: {  	[sflag:s14] =	ssyncset.done $0x0  }
0x1f: {  	s1 =	rddreg [dreg:$0x9];
	[sflag:s14] =	ssyncadd.s32 $0xFFFFD800  }
0x20: {  	[tilespmem:s3], [sflag:$0x9] =	stream.linear.gather [hbm4b:s1+s3], $0x2800, $0x38;
	[tilespmem:$0x1EA00] =	vst v63  }
0x21: {  	_ =	swait.ge [sflag:s14], $0x2800  }
0x22: {  	[sflag:s14] =	ssyncset.done $0x0  }
0x23: {  	[sflag:s14] =	ssyncadd.s32 $0xFFFFD800  }
0x24: {  	[bflag:$0x0] =	sbarrier.arrive $0xFFFF  }
0x25: {  	s5 =	rddreg [dreg:$0xa]  }
0x26: {  	[tilespmem:s15], [sflag:$0x1] =	stream.linear.gather [hbm4b:s5+s3], $0x80, $0x38;
	[tilespmem:$0x1EA00] =	vst v63  }
0x27: {  	s7 =	rddreg [dreg:$0xb]  }
0x28: {  	[tilespmem:s16], [sflag:$0x2] =	stream.linear.gather [hbm4b:s7+s3], $0x80, $0x38;
	[tilespmem:$0x1EA00] =	vst v63  }
0x29: {  	s8 =	rddreg [dreg:$0xc]  }
0x2a: {  	[tilespmem:s17], [sflag:$0x3] =	stream.linear.gather [hbm4b:s8+s3], $0x80, $0x38;
	[tilespmem:$0x1EA00] =	vst v63  }
0x2b: {  	_ =	swait.ge [sflag:s18], $0x80  }
0x2c: {  	[sflag:s18] =	ssyncset.done $0x0  }
0x2d: {  	p0 =	por $0x1, $0x1;
	s9 =	rddreg [dreg:$0x7];
	[sflag:s18] =	ssyncadd.s32 $0xFFFFFF80  }
0x2e: {  	[tilespmem:s20], [sflag:$0x5] =	stream.indirect.gather [hbm4b:s4+s19], $0x80, s15, s19, $0xb8;
	[tilespmem:$0x1EA00] =	vst v63  }
0x2f: {  	s1 =	simm.s32 @!p0 $0x8;
	s0 =	sadd.s32 $0x0, s9  }
0x30: {  	[tilespmem:s21], [sflag:$0x4] =	stream.linear.gather [hbm4b:s0+s3], $0x80, $0x38;
	[tilespmem:$0x1EA00] =	vst v63  }
0x31: {  	_ =	swait.ge @!p0 [sflag:s1], $0x4000  }
0x32: {  	[sflag:s1] =	ssyncset.done @!p0 $0x0  }
0x33: {  	[sflag:s1] =	ssyncadd.s32 @!p0 $0xFFFFC000  }
0x34: {  	_ =	swait.ge [sflag:s22], $0x80  }
0x35: {  	[sflag:s22] =	ssyncset.done $0x0  }
0x36: {  	[sflag:s22] =	ssyncadd.s32 $0xFFFFFF80  }
0x37: {  	[tilespmem:s23], [sflag:$0x6] =	stream.indirect.gather [hbm4b:s4+s19], $0x80, s16, s19, $0xb8;
	[tilespmem:$0x1EA00] =	vst v63  }
0x38: {  	_ =	swait.ge [sflag:s24], $0x4000  }
0x39: {  	s10 =	simm.s32 $0x0;
	[sflag:s24] =	ssyncset.done $0x0  }
0x3a: {  	p0 =	por $0x0, $0x0;
	s0 =	rddreg [dreg:$0x6];
	[sflag:s24] =	ssyncadd.s32 $0xFFFFC000  }
0x3b: {  	[spmem:s2] =	stream.indirect.scatter.add.f32 [tilespmem:s20], [sflag:$0x7], $0x80, s10, s19, $0xb8;
	[tilespmem:$0x1EA00] =	vst v63  }
0x3c: {  	s7 =	simm.s32 @!p0 $0x0;
	s5 =	simm.s32 @!p0 $0x2800;
	s0 =	sadd.s32 @!p0 $0x0, s0  }
0x3d: {  	[tilespmem:s5], [sflag:$0x1] =	stream.linear.gather @!p0 [hbm4b:s0+s7], $0x80, $0x38;
	[tilespmem:$0x1EA00] =	vst v63  }
0x3e: {  	_ =	swait.ge [sflag:s25], $0x4000  }
0x3f: {  	[sflag:s25] =	ssyncset.done $0x0  }
0x40: {  	[sflag:s25] =	ssyncadd.s32 $0xFFFFC000  }
0x41: {  	_ =	swait.ge [sflag:s26], $0x80  }
0x42: {  	[sflag:s26] =	ssyncset.done $0x0  }
0x43: {  	[sflag:s26] =	ssyncadd.s32 $0xFFFFFF80  }
0x44: {  	[tilespmem:s20], [sflag:$0x5] =	stream.indirect.gather [hbm4b:s4+s19], $0x80, s17, s19, $0xb8;
	[tilespmem:$0x1EA00] =	vst v63  }
0x45: {  	_ =	swait.ge [sflag:s28], $0x4000  }
0x46: {  	[sflag:s28] =	ssyncset.done $0x0  }
0x47: {  	s11 =	simm.s32 $0x80;
	s0 =	rddreg [dreg:$0x5];
	[sflag:s28] =	ssyncadd.s32 $0xFFFFC000  }
0x48: {  	[spmem:s2] =	stream.indirect.scatter.add.f32 [tilespmem:s23], [sflag:$0x8], $0x80, s11, s19, $0xb8;
	[tilespmem:$0x1EA00] =	vst v63  }
0x49: {  	s1 =	simm.s32 @!p0 $0x2880;
	s0 =	sadd.s32 @!p0 $0x0, s0  }
0x4a: {  	[tilespmem:s1], [sflag:$0x2] =	stream.linear.gather @!p0 [hbm4b:s0+s7], $0x80, $0x38;
	[tilespmem:$0x1EA00] =	vst v63  }
0x4b: {  	_ =	swait.ge [sflag:s29], $0x4000  }
0x4c: {  	[sflag:s29] =	ssyncset.done $0x0  }
0x4d: {  	[sflag:s29] =	ssyncadd.s32 $0xFFFFC000  }
0x4e: {  	_ =	swait.ge [sflag:s30], $0x80  }
0x4f: {  	[sflag:s30] =	ssyncset.done $0x0  }
0x50: {  	[sflag:s30] =	ssyncadd.s32 $0xFFFFFF80  }
0x51: {  	[tilespmem:s23], [sflag:$0x6] =	stream.indirect.gather [hbm4b:s4+s19], $0x80, s21, s19, $0xb8;
	[tilespmem:$0x1EA00] =	vst v63  }
0x52: {  	_ =	swait.ge [sflag:s24], $0x4000  }
0x53: {  	[sflag:s24] =	ssyncset.done $0x0  }
0x54: {  	s1 =	simm.s32 $0x100;
	s0 =	rddreg [dreg:$0x4];
	[sflag:s24] =	ssyncadd.s32 $0xFFFFC000  }
0x55: {  	[spmem:s2] =	stream.indirect.scatter.add.f32 [tilespmem:s20], [sflag:$0x7], $0x80, s1, s19, $0xb8;
	[tilespmem:$0x1EA00] =	vst v63  }
0x56: {  	s9 =	simm.s32 @!p0 $0x2900;
	s0 =	sadd.s32 @!p0 $0x0, s0  }
0x57: {  	[tilespmem:s9], [sflag:$0x3] =	stream.linear.gather @!p0 [hbm4b:s0+s7], $0x80, $0x38;
	[tilespmem:$0x1EA00] =	vst v63  }
0x58: {  	s0 =	simm.s32 @!p0 $0x7  }
0x59: {  	_ =	swait.ge @!p0 [sflag:s0], $0x4000  }
0x5a: {  	[sflag:s0] =	ssyncset.done @!p0 $0x0  }
0x5b: {  	s9 =	simm.s32 @!p0 $0x1;
	[sflag:s0] =	ssyncadd.s32 @!p0 $0xFFFFC000  }
0x5c: {  	_ =	swait.ge @!p0 [sflag:s9], $0x80  }
0x5d: {  	s7 =	simm.s32 @!p0 $0x80;
	[sflag:s9] =	ssyncset.done @!p0 $0x0  }
0x5e: {  	s0 =	simm.s32 $0x40;
	[sflag:s9] =	ssyncadd.s32 @!p0 $0xFFFFFF80;
	s9 =	simm.s32 @!p0 $0x2A00  }
.LBB2_2:
0x5f: {  	[tilespmem:s9], [sflag:$0x5] =	stream.indirect.gather @!p0 [hbm4b:s4+s7], $0x80, s5, s7, $0xb8;
	[tilespmem:$0x1EA00] =	vst v63  }
0x60: {  	_ =	swait.ge [sflag:s28], $0x4000  }
0x61: {  	s7 =	smov.u32 s0;
	s9 =	sadd.s32 $0x80, s1;
	[sflag:s28] =	ssyncset.done $0x0  }
0x62: {  	p0 =	seq.s32 s7, $0x0;
	s10 =	rddreg [dreg:$0x7];
	[sflag:s28] =	ssyncadd.s32 $0xFFFFC000  }
0x63: {  	[spmem:s2] =	stream.indirect.scatter.add.f32 [tilespmem:s23], [sflag:$0x8], $0x80, s9, s19, $0xb8;
	[tilespmem:$0x1EA00] =	vst v63  }
0x64: {  	s11 =	sadd.s32 s7, s10;
	s9 =	simm.s32 @!p0 $0x8  }
0x65: {  	[tilespmem:s21], [sflag:$0x4] =	stream.linear.gather [hbm4b:s11+s3], $0x80, $0x38;
	[tilespmem:$0x1EA00] =	vst v63  }
0x66: {  	_ =	swait.ge @!p0 [sflag:s9], $0x4000  }
0x67: {  	[sflag:s9] =	ssyncset.done @!p0 $0x0  }
0x68: {  	[sflag:s9] =	ssyncadd.s32 @!p0 $0xFFFFC000  }
0x69: {  	_ =	swait.ge [sflag:s22], $0x80  }
0x6a: {  	[sflag:s22] =	ssyncset.done $0x0  }
0x6b: {  	[sflag:s22] =	ssyncadd.s32 $0xFFFFFF80  }
0x6c: {  	[tilespmem:s23], [sflag:$0x6] =	stream.indirect.gather [hbm4b:s4+s19], $0x80, s16, s19, $0xb8;
	[tilespmem:$0x1EA00] =	vst v63  }
0x6d: {  	s1 =	sadd.s32 $0x200, s1;
	_ =	swait.ge [sflag:s24], $0x4000  }
0x6e: {  	s10 =	sadd.s32 $0xFFFFFF00, s1;
	[sflag:s24] =	ssyncset.done $0x0  }
0x6f: {  	p0 =	seq.s32 s7, $0x4C0;
	s8 =	rddreg [dreg:$0x6];
	[sflag:s24] =	ssyncadd.s32 $0xFFFFC000  }
0x70: {  	[spmem:s2] =	stream.indirect.scatter.add.f32 [tilespmem:s20], [sflag:$0x7], $0x80, s10, s19, $0xb8;
	[tilespmem:$0x1EA00] =	vst v63  }
0x71: {  	s9 =	simm.s32 @!p0 $0x0;
	s5 =	simm.s32 @!p0 $0x2800;
	s8 =	sadd.s32 @!p0 s7, s8  }
0x72: {  	[tilespmem:s5], [sflag:$0x1] =	stream.linear.gather @!p0 [hbm4b:s8+s9], $0x80, $0x38;
	[tilespmem:$0x1EA00] =	vst v63  }
0x73: {  	_ =	swait.ge [sflag:s25], $0x4000  }
0x74: {  	[sflag:s25] =	ssyncset.done $0x0  }
0x75: {  	[sflag:s25] =	ssyncadd.s32 $0xFFFFC000  }
0x76: {  	_ =	swait.ge [sflag:s26], $0x80  }
0x77: {  	[sflag:s26] =	ssyncset.done $0x0  }
0x78: {  	[sflag:s26] =	ssyncadd.s32 $0xFFFFFF80  }
0x79: {  	[tilespmem:s20], [sflag:$0x5] =	stream.indirect.gather [hbm4b:s4+s19], $0x80, s17, s19, $0xb8;
	[tilespmem:$0x1EA00] =	vst v63  }
0x7a: {  	_ =	swait.ge [sflag:s28], $0x4000  }
0x7b: {  	[sflag:s28] =	ssyncset.done $0x0  }
0x7c: {  	s8 =	sadd.s32 $0xFFFFFF80, s1;
	s10 =	rddreg [dreg:$0x5];
	[sflag:s28] =	ssyncadd.s32 $0xFFFFC000  }
0x7d: {  	[spmem:s2] =	stream.indirect.scatter.add.f32 [tilespmem:s23], [sflag:$0x8], $0x80, s8, s19, $0xb8;
	[tilespmem:$0x1EA00] =	vst v63  }
0x7e: {  	s11 =	simm.s32 @!p0 $0x2880;
	s8 =	sadd.s32 @!p0 s7, s10  }
0x7f: {  	[tilespmem:s11], [sflag:$0x2] =	stream.linear.gather @!p0 [hbm4b:s8+s9], $0x80, $0x38;
	[tilespmem:$0x1EA00] =	vst v63  }
0x80: {  	_ =	swait.ge [sflag:s29], $0x4000  }
0x81: {  	[sflag:s29] =	ssyncset.done $0x0  }
0x82: {  	[sflag:s29] =	ssyncadd.s32 $0xFFFFC000  }
0x83: {  	_ =	swait.ge [sflag:s30], $0x80  }
0x84: {  	[sflag:s30] =	ssyncset.done $0x0  }
0x85: {  	[sflag:s30] =	ssyncadd.s32 $0xFFFFFF80  }
0x86: {  	[tilespmem:s23], [sflag:$0x6] =	stream.indirect.gather [hbm4b:s4+s19], $0x80, s21, s19, $0xb8;
	[tilespmem:$0x1EA00] =	vst v63  }
0x87: {  	_ =	swait.ge [sflag:s24], $0x4000  }
0x88: {  	[sflag:s24] =	ssyncset.done $0x0  }
0x89: {  	s0 =	sadd.s32 $0x40, s0;
	s8 =	rddreg [dreg:$0x4];
	[sflag:s24] =	ssyncadd.s32 $0xFFFFC000  }
0x8a: {  	[spmem:s2] =	stream.indirect.scatter.add.f32 [tilespmem:s20], [sflag:$0x7], $0x80, s1, s19, $0xb8;
	[tilespmem:$0x1EA00] =	vst v63  }
0x8b: {  	s10 =	simm.s32 @!p0 $0x2900;
	s7 =	sadd.s32 @!p0 s7, s8;
	s8 =	simm.s32 @!p0 $0x7  }
0x8c: {  	[tilespmem:s10], [sflag:$0x3] =	stream.linear.gather @!p0 [hbm4b:s7+s9], $0x80, $0x38;
	[tilespmem:$0x1EA00] =	vst v63  }
0x8d: {  	p1 =	sne.s32 s0, $0x500;
	_ =	swait.ge @!p0 [sflag:s8], $0x4000  }
.Ltmp0:
0x8e: {  	[sflag:s8] =	ssyncset.done @!p0 $0x0;
	(pc) =	sbr.rel @p1 .LBB2_2-.Ltmp0, $4  }
0x8f: {  	s10 =	simm.s32 @!p0 $0x1;
	[sflag:s8] =	ssyncadd.s32 @!p0 $0xFFFFC000  }
0x90: {  	_ =	swait.ge @!p0 [sflag:s10], $0x80  }
0x91: {  	[sflag:s10] =	ssyncset.done @!p0 $0x0  }
0x92: {  	s7 =	simm.s32 @!p0 $0x80;
	s9 =	simm.s32 @!p0 $0x2A00;
	[sflag:s10] =	ssyncadd.s32 @!p0 $0xFFFFFF80  }
0x93: {  	[tilespmem:s9], [sflag:$0x5] =	stream.indirect.gather @!p0 [hbm4b:s4+s7], $0x80, s5, s7, $0xb8;
	[tilespmem:$0x1EA00] =	vst v63  }
0x94: {  	_ =	swait.ge [sflag:s28], $0x4000  }
0x95: {  	[sflag:s28] =	ssyncset.done $0x0  }
0x96: {  	s0 =	sadd.s32 $0x80, s1;
	[sflag:s28] =	ssyncadd.s32 $0xFFFFC000  }
0x97: {  	[spmem:s2] =	stream.indirect.scatter.add.f32 [tilespmem:s23], [sflag:$0x8], $0x80, s0, s19, $0xb8;
	[tilespmem:$0x1EA00] =	vst v63  }
0x98: {  	_ =	swait.ge [sflag:s25], $0x4000  }
0x99: {  	[sflag:s25] =	ssyncset.done $0x0  }
0x9a: {  	[sflag:s25] =	ssyncadd.s32 $0xFFFFC000  }
0x9b: {  	_ =	swait.ge [sflag:s29], $0x4000  }
0x9c: {  	[sflag:s29] =	ssyncset.done $0x0  }
0x9d: {  	s31 =	sadd.s32 $0x1, s31;
	[sflag:s29] =	ssyncadd.s32 $0xFFFFC000  }
0x9e: {  	p0 =	sne.s32 s31, s12;
	[bflag:$0x0] =	sbarrier.arrive $0xFFFF  }
.Ltmp1:
0x9f: {  	s11 =	rddreg [dreg:$0xd];
	(pc) =	sbr.rel @p0 .LBB2_1-.Ltmp1, $4  }
0xa0: {  	[hbm:s11], [sflag:s6] =	dma.local [spmem:s13], $0x2800  }
0xa1: {  	_ =	swait.ge [sflag:s14], $0x2800  }
0xa2: {  	[sflag:s14] =	ssyncset.done $0x0  }
0xa3: {  	[sflag:s14] =	ssyncadd.s32 $0xFFFFD800  }
0xa4: {  	_ =	sfence.sel $0x180000  }
0xa5: {  	[bflag:$0x0] =	sbarrier.arrive $0xFFFF  }
0xa6: {  	_ =	strace $0x9000004D  }
0xa7: {  	s0 =	stileid.u32;
	[bflag:$0x2] =	sbarrier.arrive $0xFFFF  }
0xa8: {  	p0 =	sne.s32 s0, $0x0;
	s0 =	rddreg [dreg:$0x3]  }
0xa9: {  	s0 =	sadd.s32 @!p0 $0x100000, s0  }
0xaa: {  	[sflag:s0] =	ssyncadd.tile.s32 @!p0 $0x1;
	_ =	shalt  }
.Lfunc_end2:
_tile_overlayer_lowered:
.L_overlay_start_2:
0xab: {  	(tag) =	ssettag $0x2  }
0xac: {  	s0 =	rddreg [dreg:$0x0];
	s2 =	stileid.u32  }
0xad: {  	s1 =	rddreg [dreg:$0x1];
	p0 =	sne.s32 s2, $0x0  }
0xae: {  	s3 =	rddreg [dreg:$0x2];
	[bflag:$0x3] =	sbarrier.arrive $0xFFFF;
	s2 =	simm.s32 @!p0 $0x1C09  }
0xaf: {  	[timem:s3], [sflag:s2] =	dma.local @!p0 [hbm:s0], s1  }
0xb0: {  	s0 =	simm.s32 @!p0 $0x9  }
0xb1: {  	_ =	swait.ge @!p0 [sflag:s0], s1  }
0xb2: {  	s1 =	ssub.s32 @!p0 $0x0, s1;
	[sflag:s0] =	ssyncset.done @!p0 $0x0  }
0xb3: {  	[sflag:s0] =	ssyncadd.s32 @!p0 s1  }
0xb4: {  	[bflag:$0x3] =	sbarrier.arrive $0xFFFF  }
0xb5: {  	_ =	shalt  }

// kernel: kernel.19.cloned.1.call-start
scs
__scs_entry_jumppad:
0x0: {  	(pc) =	sbr.rel $0x88, $3  }
0x1: {  	(tag) =	ssettag $0x0;
	lr =	simm.s32 $0x1  }
0x2: {  	[smem:$0x3F99] =	sst lr;
	_ =	strace $0xD0000000  }
0x3: {  	_ = 	snop  }
0x4: {  	_ = 	snop  }
0x5: {  	_ = 	snop  }
0x6: {  	_ = 	snop  }
0x7: {  	_ = 	snop  }
__scs_overlays_trampoline_lowered:
0x8: {  	[smem:$0x3FA8] =	sst s0  }
0x9: {  	[smem:$0x3FA9] =	sst s1  }
0xa: {  	[smem:$0x3FAA] =	sst s2  }
0xb: {  	[smem:$0x3FAB] =	sst s3  }
0xc: {  	[smem:$0x3FAC] =	sst s4  }
0xd: {  	[smem:$0x3FAD] =	sst s5  }
0xe: {  	[smem:$0x3FAE] =	sst s6  }
0xf: {  	[smem:$0x3FAF] =	sst s7  }
0x10: {  	[smem:$0x3FB0] =	sst s8  }
0x11: {  	[smem:$0x3FB1] =	sst s9;
	s0 =	simm.s32 @!p0 $0x0  }
0x12: {  	s1 =	sld [smem:$0x3F97];
	s0 =	simm.s32 @p0 $0x1  }
0x13: {  	[smem:$0x3FB2] =	sst s0;
	s0 =	simm.s32 @!p1 $0x0  }
0x14: {  	s2 =	sld [smem:$0x3F96];
	s0 =	simm.s32 @p1 $0x1  }
0x15: {  	[smem:$0x3FB3] =	sst s0;
	s0 =	simm.s32 @!p2 $0x0  }
0x16: {  	s3 =	sld [smem:$0x3FDB];
	s0 =	simm.s32 @p2 $0x1  }
0x17: {  	s4 =	simm.s32 $0x1BF5;
	[smem:$0x3FB5] =	sst s0  }
0x18: {  	s0 =	sld [smem:$0x3F98];
	_ =	swait.ge [sflag:s4], $0x0  }
0x19: {  	s7 =	sld [smem:$0x3F99]  }
0x1a: {  	s8 =	sadd.s32 $0xFFFFE003, lr  }
0x1b: {  	s9 =	sadd.s32 $0xFFFFFEF7, lr;
	s5 =	simm.s32 $0xFFFFFFFF;
	p2 =	slt.u32 s8, $0xFFFFF086  }
0x1c: {  	p1 =	slt.u32 s9, $0xF7A;
	s5 =	simm.s32 @!p2 $0x0  }
0x1d: {  	s5 =	simm.s32 @p1 $0x1;
	p0 =	seq.s32 s7, s2  }
0x1e: {  	s7 =	smul.u32 @!p0 $0xF7A, s2;
	p2 =	seq.s32 @!p0 s5, $0x0  }
0x1f: {  	s9 =	smul.u32 $0xF7A, s1;
	s8 =	simm.s32 @!p0 $0x1BF5;
	p2 =	por !p2, p0  }
0x20: {  	[sflag:s8] =	ssyncset.s32 @!p0 $0xFFFFF086;
	s6 =	sadd.s32 @!p0 s3, s7;
	s7 =	simm.s32 @!p0 $0x108  }
0x21: {  	s3 =	sadd.s32 s3, s9;
	s6 =	sadd.s32 @!p0 $0x88, s6;
	s7 =	simm.s32 @p2 $0x1082  }
0x22: {  	[simem:s7], [sflag:s8] =	dma.local @!p0 [hbm:s6], $0xF7A  }
0x23: {  	s9 =	sor.u32 $0xD0000000, s2;
	s6 =	simm.s32 $0x108;
	_ =	swait.ge @!p0 [sflag:s8], $0x0  }
0x24: {  	s3 =	sadd.s32 $0x88, s3;
	s6 =	simm.s32 @!p1 $0x1082;
	[sflag:s4] =	ssyncset.s32 $0xFFFFF086  }
0x25: {  	[simem:s6], [sflag:s4] =	dma.local [hbm:s3], $0xF7A  }
0x26: {  	[smem:$0x3F99] =	sst s1;
	(tag) =	ssettag s2;
	_ =	strace s9  }
0x27: {  	s1 =	sld [smem:$0x3FA9]  }
0x28: {  	s2 =	sld [smem:$0x3FAA]  }
0x29: {  	s4 =	sld [smem:$0x3FAC]  }
0x2a: {  	p0 =	seq.s32 s5, $0x0;
	s5 =	sld [smem:$0x3FAD]  }
0x2b: {  	s6 =	sld [smem:$0x3FAE]  }
0x2c: {  	s7 =	sld [smem:$0x3FAF]  }
0x2d: {  	s3 =	simm.s32 $0x108;
	s8 =	sld [smem:$0x3FB0]  }
0x2e: {  	s3 =	simm.s32 @!p0 $0x1082;
	s9 =	sld [smem:$0x3FB1]  }
0x2f: {  	lr =	sadd.s32 s0, s3;
	s0 =	sld [smem:$0x3FA8]  }
0x30: {  	s3 =	sld [smem:$0x3FAB]  }
0x31: {  	[smem:$0x3FB4] =	sst s10  }
0x32: {  	s10 =	sld [smem:$0x3FB2];
	_ =	sdelay $0x3  }
0x33: {  	p0 =	seq.s32 s10, $0x1;
	s10 =	sld [smem:$0x3FB4];
	_ =	sdelay $0x3  }
0x34: {  	[smem:$0x3FB4] =	sst s10  }
0x35: {  	s10 =	sld [smem:$0x3FB3];
	_ =	sdelay $0x3  }
0x36: {  	p1 =	seq.s32 s10, $0x1;
	s10 =	sld [smem:$0x3FB4];
	_ =	sdelay $0x3  }
0x37: {  	[smem:$0x3FB4] =	sst s10  }
0x38: {  	s10 =	sld [smem:$0x3FB5]  }
0x39: {  	_ = 	snop;
	(pc) =	sbr.ind lr, $3  }
0x3a: {  	_ = 	snop  }
0x3b: {  	_ = 	snop  }
0x3c: {  	p2 =	seq.s32 s10, $0x1;
	s10 =	sld [smem:$0x3FB4]  }
0x3d: {  	_ =	shalt  }
0x3e: {  	_ =	shalt  }
0x3f: {  	_ =	shalt  }
0x40: {  	_ =	shalt  }
0x41: {  	_ =	shalt  }
0x42: {  	_ =	shalt  }
0x43: {  	_ =	shalt  }
0x44: {  	_ =	shalt  }
0x45: {  	_ =	shalt  }
0x46: {  	_ =	shalt  }
0x47: {  	_ =	shalt  }
0x48: {  	_ =	shalt  }
0x49: {  	_ =	shalt  }
0x4a: {  	_ =	shalt  }
0x4b: {  	_ =	shalt  }
0x4c: {  	_ =	shalt  }
0x4d: {  	_ =	shalt  }
0x4e: {  	_ =	shalt  }
0x4f: {  	_ =	shalt  }
0x50: {  	_ =	shalt  }
0x51: {  	_ =	shalt  }
0x52: {  	_ =	shalt  }
0x53: {  	_ =	shalt  }
0x54: {  	_ =	shalt  }
0x55: {  	_ =	shalt  }
0x56: {  	_ =	shalt  }
0x57: {  	_ =	shalt  }
0x58: {  	_ =	shalt  }
0x59: {  	_ =	shalt  }
0x5a: {  	_ =	shalt  }
0x5b: {  	_ =	shalt  }
0x5c: {  	_ =	shalt  }
0x5d: {  	_ =	shalt  }
0x5e: {  	_ =	shalt  }
0x5f: {  	_ =	shalt  }
0x60: {  	_ =	shalt  }
0x61: {  	_ =	shalt  }
0x62: {  	_ =	shalt  }
0x63: {  	_ =	shalt  }
0x64: {  	_ =	shalt  }
0x65: {  	_ =	shalt  }
0x66: {  	_ =	shalt  }
0x67: {  	_ =	shalt  }
0x68: {  	_ =	shalt  }
0x69: {  	_ =	shalt  }
0x6a: {  	_ =	shalt  }
0x6b: {  	_ =	shalt  }
0x6c: {  	_ =	shalt  }
0x6d: {  	_ =	shalt  }
0x6e: {  	_ =	shalt  }
0x6f: {  	_ =	shalt  }
0x70: {  	_ =	shalt  }
0x71: {  	_ =	shalt  }
0x72: {  	_ =	shalt  }
0x73: {  	_ =	shalt  }
0x74: {  	_ =	shalt  }
0x75: {  	_ =	shalt  }
0x76: {  	_ =	shalt  }
0x77: {  	_ =	shalt  }
0x78: {  	_ =	shalt  }
0x79: {  	_ =	shalt  }
0x7a: {  	_ =	shalt  }
0x7b: {  	_ =	shalt  }
0x7c: {  	_ =	shalt  }
0x7d: {  	_ =	shalt  }
0x7e: {  	_ =	shalt  }
0x7f: {  	_ =	shalt  }
0x80: {  	_ =	shalt  }
0x81: {  	_ =	shalt  }
0x82: {  	_ =	shalt  }
0x83: {  	_ =	shalt  }
0x84: {  	_ =	shalt  }
0x85: {  	_ =	shalt  }
0x86: {  	_ =	shalt  }
0x87: {  	_ =	shalt  }
.Lfunc_end0:
.L_simem_size_0:
called_computation.3_lowered:
.L_overlay_start_0:
0x88: {  	s2 =	sld [smem:$0x3FD9]  }
0x89: {  	s3 =	sld [smem:$0x3FFE];
	_ =	sdelay $0x1  }
0x8a: {  	s1 =	srdreg.scid  }
0x8b: {  	s0 =	sand.u32 $0x1, s1  }
0x8c: {  	s16 =	sshll.u32 s0, $0xA;
	s2 =	sadd.s32 s3, s2  }
0x8d: {  	s2 =	sadd.s32 s2, s16  }
0x8e: {  	[smem:$0x3FC0] =	sst s2  }
0x8f: {  	_ = 	snop  }
0x90: {  	(tm) =	ssettm $0x1  }
0x91: {  	s17 =	sld [smem:$0x3FFB];
	_ =	sdelay $0x3  }
0x92: {  	_ =	strace s17  }
0x93: {  	s2 =	sld [smem:$0x3FFC];
	_ =	sdelay $0x3  }
0x94: {  	_ =	strace s2  }
0x95: {  	s2 =	sld [smem:$0x3FFD];
	_ =	sdelay $0x3  }
0x96: {  	_ =	strace s2  }
0x97: {  	_ =	strace $0x8FFFFFFF  }
0x98: {  	s18 =	sld [smem:$0x3FDB];
	_ =	sdelay $0x1  }
0x99: {  	s19 =	simm.s32 $_scs_section_size  }
0x9a: {  	s4 =	simm.s32 $_size__tile_overlayer_lowered;
	s5 =	simm.s32 $_tile_overlayer_lowered  }
0x9b: {  	s22 =	simm.s32 $0x1BFF;
	s21 =	sshll.u32 s5, $0x1;
	s2 =	sadd.s32 s19, s18  }
0x9c: {  	s6 =	simm.s32 $0x0;
	s20 =	sshll.u32 s4, $0x1;
	s4 =	sadd.s32 s21, s2  }
0x9d: {  	[timem:s6], [sflag:s22] =	dma.local [hbm:s4], s20  }
0x9e: {  	_ =	swait.ge [sflag:s22], s20  }
0x9f: {  	s3 =	ssub.s32 $0x0, s20;
	[sflag:s22] =	ssyncset.done $0x0  }
0xa0: {  	[sflag:s22] =	ssyncadd.s32 s3;
	_ =	sdelay $0x1  }
0xa1: {  	s23 =	simm.s32 $0x1B8B  }
0xa2: {  	_ =	swait.ge [sflag:s23], $0x1  }
0xa3: {  	[sflag:s23] =	ssyncset.done $0x0  }
0xa4: {  	s25 =	simm.s32 $0x1B8E;
	s24 =	sld [smem:$0x3FFE];
	[sflag:s23] =	ssyncadd.s32 $0xFFFFFFFF  }
0xa5: {  	s26 =	simm.s32 $execute0_lowered;
	[smem:$0x3FD2] =	sst s25  }
0xa6: {  	s4 =	sshll.u32 s26, $0x1;
	_ =	strace $0x8000004F;
	[dreg:$0x1] =	wrdreg $0xFFFFFFFF  }
0xa7: {  	s28 =	simm.s32 $_size_execute0_lowered;
	s2 =	sadd.s32 s2, s4;
	[dreg:$0x0] =	wrdreg $0x0  }
0xa8: {  	s4 =	sshll.u32 s28, $0x1;
	[dreg:$0x2] =	wrdreg s2  }
0xa9: {  	[dreg:$0x3] =	wrdreg s4  }
0xaa: {  	[dreg:$0x4] =	wrdreg $0xC0  }
0xab: {  	_ =	task [dreg:s6], $0x5FFFF  }
0xac: {  	[dreg:$0x1] =	wrdreg $0xFFFFFFFF  }
0xad: {  	[dreg:$0x0] =	wrdreg $0x60  }
0xae: {  	[dreg:$0x2] =	wrdreg s24  }
0xaf: {  	[dreg:$0x3] =	wrdreg $0x9  }
0xb0: {  	_ =	task.clear_ibuf [dreg:s6], $0x4FFFF;
	_ =	strace $0x9000004F  }
0xb1: {  	s29 =	simm.s32 $0x9;
	_ =	strace $0x80000051  }
0xb2: {  	_ =	swait.ge [sflag:s29], $0x1  }
0xb3: {  	[sflag:s29] =	ssyncadd.s32 $0xFFFFFFFF  }
0xb4: {  	_ =	strace $0x90000051  }
0xb5: {  	_ =	sfence  }
0xb6: {  	s30 =	sld [smem:$0x0];
	_ =	sdelay $0x2  }
0xb7: {  	s31 =	sshll.u32 s1, $0xD;
	s1 =	sshrl.u32 s1, $0x2  }
0xb8: {  	s3 =	sand.u32 $0x4000, s31;
	s1 =	sadd.s32 s1, s30  }
0xb9: {  	s0 =	sor.u32 s3, s0;
	s1 =	sshll.u32 s1, $0x11  }
0xba: {  	s0 =	sor.u32 s1, s0  }
0xbb: {  	s0 =	sadd.s32 $0x8F2B, s0  }
0xbc: {  	[sflag:s0] =	ssyncadd.remote.s32 $0x1  }
0xbd: {  	_ =	sfence.sel $0xFFFF  }
0xbe: {  	[dreg:$0x0] =	wrdreg $0xFFFFFFFF;
	(pc) =	sbr.abs _section_cstart, $3  }
0xbf: {  	[dreg:$0x1] =	wrdreg $0xFFFFFFFF  }
0xc0: {  	_ =	task.clear_ibuf [dreg:s6], $0x2FFFF;
	_ =	strace $0x9FFFFFFF  }
0xc1: {  	(tm) =	ssettm $0x7FFFFFFF  }
tec
execute0_lowered:
.L_overlay_start_1:
0x0: {  	(tag) =	ssettag $0x1  }
0x1: {  	s0 =	srdreg.scid  }
0x2: {  	s21 =	sand.u32 $0x1, s0  }
0x3: {  	s0 =	stileid.u32;
	s1 =	sshll.u32 s21, $0x4  }
0x4: {  	s9 =	sor.u32 s0, s1  }
0x5: {  	s3 =	smul.u32 $0x300, s9  }
0x6: {  	s11 =	rddreg [dreg:$0x0];
	s2 =	simm.s32 $0x0  }
0x7: {  	[smem:$0x7FF] =	sst s2;
	s3 =	sshrl.u32 s3, $0x3  }
0x8: {  	s1 =	rddreg [dreg:$0x1];
	s19 =	sadd.s32 s3, s11  }
0x9: {  	_ =	strace $0x80000050;
	s3 =	simm.s32 $0x3;
	s4 =	sadd.s32 $0xAD400, s19  }
0xa: {  	[tilespmem:s2], [sflag:$0x3] =	stream.linear.gather [hbm4b:s4+s2], $0x80, $0x38;
	[tilespmem:$0x8100] =	vst v63  }
0xb: {  	_ =	swait.ge [sflag:s3], $0x80  }
0xc: {  	s6 =	simm.s32 $0x80;
	[sflag:s3] =	ssyncset.done $0x0  }
0xd: {  	s7 =	simm.s32 $0x100;
	s5 =	sadd.s32 $0x3400, s11;
	[sflag:s3] =	ssyncadd.s32 $0xFFFFFF80  }
0xe: {  	[tilespmem:s7], [sflag:$0x1] =	stream.indirect.gather [hbm4b:s5+s6], $0x80, s2, s6, $0xb8;
	[tilespmem:$0x8100] =	vst v63  }
0xf: {  	s8 =	sadd.s32 $0xAD410, s19  }
0x10: {  	[tilespmem:s6], [sflag:$0x3] =	stream.linear.gather [hbm4b:s8+s2], $0x80, $0x38;
	[tilespmem:$0x8100] =	vst v63  }
0x11: {  	_ =	swait.ge [sflag:s3], $0x80  }
0x12: {  	s10 =	simm.s32 $0x1;
	[sflag:s3] =	ssyncset.done $0x0  }
0x13: {  	s12 =	smul.u32 $0x18000, s9;
	s9 =	simm.s32 $0x4100;
	[sflag:s3] =	ssyncadd.s32 $0xFFFFFF80  }
0x14: {  	[tilespmem:s9], [sflag:$0x2] =	stream.indirect.gather [hbm4b:s5+s6], $0x80, s6, s6, $0xb8;
	[tilespmem:$0x8100] =	vst v63  }
0x15: {  	s12 =	sshrl.u32 s12, $0x3;
	_ =	swait.ge [sflag:s10], $0x4000  }
0x16: {  	s22 =	sadd.s32 s12, s11;
	[sflag:s10] =	ssyncset.done $0x0  }
0x17: {  	s11 =	sadd.s32 $0x2B400, s22;
	[sflag:s10] =	ssyncadd.s32 $0xFFFFC000  }
0x18: {  	[hbm4b:s11+s2] =	stream.linear.scatter [tilespmem:s7], [sflag:$0x3], $0x4000, $0x38;
	[tilespmem:$0x8100] =	vst v63  }
0x19: {  	_ =	swait.ge [sflag:s3], $0x4000  }
0x1a: {  	[sflag:s3] =	ssyncset.done $0x0  }
0x1b: {  	s12 =	sadd.s32 $0xAD420, s19;
	[sflag:s3] =	ssyncadd.s32 $0xFFFFC000  }
0x1c: {  	[tilespmem:s2], [sflag:$0x3] =	stream.linear.gather [hbm4b:s12+s2], $0x80, $0x38;
	[tilespmem:$0x8100] =	vst v63  }
0x1d: {  	_ =	swait.ge [sflag:s3], $0x80  }
0x1e: {  	[sflag:s3] =	ssyncset.done $0x0  }
0x1f: {  	s13 =	simm.s32 $0x2;
	[sflag:s3] =	ssyncadd.s32 $0xFFFFFF80  }
0x20: {  	[tilespmem:s7], [sflag:$0x1] =	stream.indirect.gather [hbm4b:s5+s6], $0x80, s2, s6, $0xb8;
	[tilespmem:$0x8100] =	vst v63  }
0x21: {  	_ =	swait.ge [sflag:s13], $0x4000  }
0x22: {  	[sflag:s13] =	ssyncset.done $0x0  }
0x23: {  	s14 =	sadd.s32 $0x2BC00, s22;
	[sflag:s13] =	ssyncadd.s32 $0xFFFFC000  }
0x24: {  	[hbm4b:s14+s2] =	stream.linear.scatter [tilespmem:s9], [sflag:$0x3], $0x4000, $0x38;
	[tilespmem:$0x8100] =	vst v63  }
0x25: {  	_ =	swait.ge [sflag:s3], $0x4000  }
0x26: {  	[sflag:s3] =	ssyncset.done $0x0  }
0x27: {  	s15 =	sadd.s32 $0xAD430, s19;
	[sflag:s3] =	ssyncadd.s32 $0xFFFFC000  }
0x28: {  	[tilespmem:s6], [sflag:$0x3] =	stream.linear.gather [hbm4b:s15+s2], $0x80, $0x38;
	[tilespmem:$0x8100] =	vst v63  }
0x29: {  	_ =	swait.ge [sflag:s3], $0x80  }
0x2a: {  	[sflag:s3] =	ssyncset.done $0x0  }
0x2b: {  	[sflag:s3] =	ssyncadd.s32 $0xFFFFFF80  }
0x2c: {  	[tilespmem:s9], [sflag:$0x2] =	stream.indirect.gather [hbm4b:s5+s6], $0x80, s6, s6, $0xb8;
	[tilespmem:$0x8100] =	vst v63  }
0x2d: {  	_ =	swait.ge [sflag:s10], $0x4000  }
0x2e: {  	[sflag:s10] =	ssyncset.done $0x0  }
0x2f: {  	s16 =	sadd.s32 $0x2C400, s22;
	[sflag:s10] =	ssyncadd.s32 $0xFFFFC000  }
0x30: {  	[hbm4b:s16+s2] =	stream.linear.scatter [tilespmem:s7], [sflag:$0x3], $0x4000, $0x38;
	[tilespmem:$0x8100] =	vst v63  }
0x31: {  	_ =	swait.ge [sflag:s3], $0x4000  }
0x32: {  	[sflag:s3] =	ssyncset.done $0x0  }
0x33: {  	s17 =	sadd.s32 $0xAD440, s19;
	[sflag:s3] =	ssyncadd.s32 $0xFFFFC000  }
0x34: {  	[tilespmem:s2], [sflag:$0x3] =	stream.linear.gather [hbm4b:s17+s2], $0x80, $0x38;
	[tilespmem:$0x8100] =	vst v63  }
0x35: {  	_ =	swait.ge [sflag:s3], $0x80  }
0x36: {  	[sflag:s3] =	ssyncset.done $0x0  }
0x37: {  	[sflag:s3] =	ssyncadd.s32 $0xFFFFFF80  }
0x38: {  	[tilespmem:s7], [sflag:$0x1] =	stream.indirect.gather [hbm4b:s5+s6], $0x80, s2, s6, $0xb8;
	[tilespmem:$0x8100] =	vst v63  }
0x39: {  	_ =	swait.ge [sflag:s13], $0x4000  }
0x3a: {  	[sflag:s13] =	ssyncset.done $0x0  }
0x3b: {  	s18 =	sadd.s32 $0x2CC00, s22;
	[sflag:s13] =	ssyncadd.s32 $0xFFFFC000  }
0x3c: {  	[hbm4b:s18+s2] =	stream.linear.scatter [tilespmem:s9], [sflag:$0x3], $0x4000, $0x38;
	[tilespmem:$0x8100] =	vst v63  }
0x3d: {  	_ =	swait.ge [sflag:s3], $0x4000  }
0x3e: {  	[sflag:s3] =	ssyncset.done $0x0  }
0x3f: {  	s19 =	sadd.s32 $0xAD450, s19;
	[sflag:s3] =	ssyncadd.s32 $0xFFFFC000  }
0x40: {  	[tilespmem:s6], [sflag:$0x3] =	stream.linear.gather [hbm4b:s19+s2], $0x80, $0x38;
	[tilespmem:$0x8100] =	vst v63  }
0x41: {  	_ =	swait.ge [sflag:s3], $0x80  }
0x42: {  	[sflag:s3] =	ssyncset.done $0x0  }
0x43: {  	[sflag:s3] =	ssyncadd.s32 $0xFFFFFF80  }
0x44: {  	[tilespmem:s9], [sflag:$0x2] =	stream.indirect.gather [hbm4b:s5+s6], $0x80, s6, s6, $0xb8;
	[tilespmem:$0x8100] =	vst v63  }
0x45: {  	_ =	swait.ge [sflag:s10], $0x4000  }
0x46: {  	[sflag:s10] =	ssyncset.done $0x0  }
0x47: {  	s21 =	ssub.s32 $0x2, s21;
	s20 =	sadd.s32 $0x2D400, s22;
	[sflag:s10] =	ssyncadd.s32 $0xFFFFC000  }
0x48: {  	[hbm4b:s20+s2] =	stream.linear.scatter [tilespmem:s7], [sflag:$0x3], $0x4000, $0x38;
	[tilespmem:$0x8100] =	vst v63  }
0x49: {  	s23 =	sshrl.u32 s21, $0x1;
	_ =	swait.ge [sflag:s3], $0x4000  }
0x4a: {  	s21 =	ssub.s32 s21, s23;
	[sflag:s3] =	ssyncset.done $0x0  }
0x4b: {  	s23 =	smax.u32 s21, $0x1;
	[sflag:s3] =	ssyncadd.s32 $0xFFFFC000  }
0x4c: {  	p0 =	sne.s32 s23, $0x1;
	_ =	swait.ge [sflag:s13], $0x4000  }
.Ltmp0:
0x4d: {  	[sflag:s13] =	ssyncset.done $0x0;
	(pc) =	sbr.rel @!p0 .LBB2_2-.Ltmp0, $4  }
0x4e: {  	s21 =	sadd.s32 $0x2DC00, s22;
	[sflag:s13] =	ssyncadd.s32 $0xFFFFC000  }
0x4f: {  	[hbm4b:s21+s2] =	stream.linear.scatter [tilespmem:s9], [sflag:$0x3], $0x4000, $0x38;
	[tilespmem:$0x8100] =	vst v63  }
0x50: {  	_ =	swait.ge [sflag:s3], $0x4000  }
0x51: {  	s22 =	sadd.s32 $0xFFFFFFFF, s23;
	[sflag:s3] =	ssyncset.done $0x0  }
.LBB2_1:
0x52: {  	p0 =	sne.s32 s22, $0x1;
	s22 =	sadd.s32 $0xFFFFFFFF, s22;
	[sflag:s3] =	ssyncadd.s32 $0xFFFFC000  }
0x53: {  	[tilespmem:s2], [sflag:$0x3] =	stream.linear.gather [hbm4b:s4+s2], $0x80, $0x38;
	[tilespmem:$0x8100] =	vst v63  }
0x54: {  	_ =	swait.ge [sflag:s3], $0x80  }
0x55: {  	[sflag:s3] =	ssyncset.done $0x0  }
0x56: {  	[sflag:s3] =	ssyncadd.s32 $0xFFFFFF80  }
0x57: {  	[tilespmem:s7], [sflag:$0x1] =	stream.indirect.gather [hbm4b:s5+s6], $0x80, s2, s6, $0xb8;
	[tilespmem:$0x8100] =	vst v63  }
0x58: {  	_ = 	snop  }
0x59: {  	[tilespmem:s6], [sflag:$0x3] =	stream.linear.gather [hbm4b:s8+s2], $0x80, $0x38;
	[tilespmem:$0x8100] =	vst v63  }
0x5a: {  	_ =	swait.ge [sflag:s3], $0x80  }
0x5b: {  	[sflag:s3] =	ssyncset.done $0x0  }
0x5c: {  	[sflag:s3] =	ssyncadd.s32 $0xFFFFFF80  }
0x5d: {  	[tilespmem:s9], [sflag:$0x2] =	stream.indirect.gather [hbm4b:s5+s6], $0x80, s6, s6, $0xb8;
	[tilespmem:$0x8100] =	vst v63  }
0x5e: {  	_ =	swait.ge [sflag:s10], $0x4000  }
0x5f: {  	[sflag:s10] =	ssyncset.done $0x0  }
0x60: {  	[sflag:s10] =	ssyncadd.s32 $0xFFFFC000  }
0x61: {  	[hbm4b:s11+s2] =	stream.linear.scatter [tilespmem:s7], [sflag:$0x3], $0x4000, $0x38;
	[tilespmem:$0x8100] =	vst v63  }
0x62: {  	_ =	swait.ge [sflag:s3], $0x4000  }
0x63: {  	[sflag:s3] =	ssyncset.done $0x0  }
0x64: {  	[sflag:s3] =	ssyncadd.s32 $0xFFFFC000  }
0x65: {  	[tilespmem:s2], [sflag:$0x3] =	stream.linear.gather [hbm4b:s12+s2], $0x80, $0x38;
	[tilespmem:$0x8100] =	vst v63  }
0x66: {  	_ =	swait.ge [sflag:s3], $0x80  }
0x67: {  	[sflag:s3] =	ssyncset.done $0x0  }
0x68: {  	[sflag:s3] =	ssyncadd.s32 $0xFFFFFF80  }
0x69: {  	[tilespmem:s7], [sflag:$0x1] =	stream.indirect.gather [hbm4b:s5+s6], $0x80, s2, s6, $0xb8;
	[tilespmem:$0x8100] =	vst v63  }
0x6a: {  	_ =	swait.ge [sflag:s13], $0x4000  }
0x6b: {  	[sflag:s13] =	ssyncset.done $0x0  }
0x6c: {  	[sflag:s13] =	ssyncadd.s32 $0xFFFFC000  }
0x6d: {  	[hbm4b:s14+s2] =	stream.linear.scatter [tilespmem:s9], [sflag:$0x3], $0x4000, $0x38;
	[tilespmem:$0x8100] =	vst v63  }
0x6e: {  	_ =	swait.ge [sflag:s3], $0x4000  }
0x6f: {  	[sflag:s3] =	ssyncset.done $0x0  }
0x70: {  	[sflag:s3] =	ssyncadd.s32 $0xFFFFC000  }
0x71: {  	[tilespmem:s6], [sflag:$0x3] =	stream.linear.gather [hbm4b:s15+s2], $0x80, $0x38;
	[tilespmem:$0x8100] =	vst v63  }
0x72: {  	_ =	swait.ge [sflag:s3], $0x80  }
0x73: {  	[sflag:s3] =	ssyncset.done $0x0  }
0x74: {  	[sflag:s3] =	ssyncadd.s32 $0xFFFFFF80  }
0x75: {  	[tilespmem:s9], [sflag:$0x2] =	stream.indirect.gather [hbm4b:s5+s6], $0x80, s6, s6, $0xb8;
	[tilespmem:$0x8100] =	vst v63  }
0x76: {  	_ =	swait.ge [sflag:s10], $0x4000  }
0x77: {  	[sflag:s10] =	ssyncset.done $0x0  }
0x78: {  	[sflag:s10] =	ssyncadd.s32 $0xFFFFC000  }
0x79: {  	[hbm4b:s16+s2] =	stream.linear.scatter [tilespmem:s7], [sflag:$0x3], $0x4000, $0x38;
	[tilespmem:$0x8100] =	vst v63  }
0x7a: {  	_ =	swait.ge [sflag:s3], $0x4000  }
0x7b: {  	[sflag:s3] =	ssyncset.done $0x0  }
0x7c: {  	[sflag:s3] =	ssyncadd.s32 $0xFFFFC000  }
0x7d: {  	[tilespmem:s2], [sflag:$0x3] =	stream.linear.gather [hbm4b:s17+s2], $0x80, $0x38;
	[tilespmem:$0x8100] =	vst v63  }
0x7e: {  	_ =	swait.ge [sflag:s3], $0x80  }
0x7f: {  	[sflag:s3] =	ssyncset.done $0x0  }
0x80: {  	[sflag:s3] =	ssyncadd.s32 $0xFFFFFF80  }
0x81: {  	[tilespmem:s7], [sflag:$0x1] =	stream.indirect.gather [hbm4b:s5+s6], $0x80, s2, s6, $0xb8;
	[tilespmem:$0x8100] =	vst v63  }
0x82: {  	_ =	swait.ge [sflag:s13], $0x4000  }
0x83: {  	[sflag:s13] =	ssyncset.done $0x0  }
0x84: {  	[sflag:s13] =	ssyncadd.s32 $0xFFFFC000  }
0x85: {  	[hbm4b:s18+s2] =	stream.linear.scatter [tilespmem:s9], [sflag:$0x3], $0x4000, $0x38;
	[tilespmem:$0x8100] =	vst v63  }
0x86: {  	_ =	swait.ge [sflag:s3], $0x4000  }
0x87: {  	[sflag:s3] =	ssyncset.done $0x0  }
0x88: {  	[sflag:s3] =	ssyncadd.s32 $0xFFFFC000  }
0x89: {  	[tilespmem:s6], [sflag:$0x3] =	stream.linear.gather [hbm4b:s19+s2], $0x80, $0x38;
	[tilespmem:$0x8100] =	vst v63  }
0x8a: {  	_ =	swait.ge [sflag:s3], $0x80  }
0x8b: {  	[sflag:s3] =	ssyncset.done $0x0  }
0x8c: {  	[sflag:s3] =	ssyncadd.s32 $0xFFFFFF80  }
0x8d: {  	[tilespmem:s9], [sflag:$0x2] =	stream.indirect.gather [hbm4b:s5+s6], $0x80, s6, s6, $0xb8;
	[tilespmem:$0x8100] =	vst v63  }
0x8e: {  	_ =	swait.ge [sflag:s10], $0x4000  }
0x8f: {  	[sflag:s10] =	ssyncset.done $0x0  }
0x90: {  	[sflag:s10] =	ssyncadd.s32 $0xFFFFC000  }
0x91: {  	[hbm4b:s20+s2] =	stream.linear.scatter [tilespmem:s7], [sflag:$0x3], $0x4000, $0x38;
	[tilespmem:$0x8100] =	vst v63  }
0x92: {  	_ =	swait.ge [sflag:s3], $0x4000  }
0x93: {  	[sflag:s3] =	ssyncset.done $0x0  }
0x94: {  	[sflag:s3] =	ssyncadd.s32 $0xFFFFC000  }
0x95: {  	_ =	swait.ge [sflag:s13], $0x4000  }
.Ltmp1:
0x96: {  	[sflag:s13] =	ssyncset.done $0x0;
	(pc) =	sbr.rel @p0 .LBB2_1-.Ltmp1, $4  }
0x97: {  	[sflag:s13] =	ssyncadd.s32 $0xFFFFC000  }
0x98: {  	[hbm4b:s21+s2] =	stream.linear.scatter [tilespmem:s9], [sflag:$0x3], $0x4000, $0x38;
	[tilespmem:$0x8100] =	vst v63  }
0x99: {  	_ =	swait.ge [sflag:s3], $0x4000  }
0x9a: {  	[sflag:s3] =	ssyncset.done $0x0  }
.LBB2_2:
0x9b: {  	[sflag:s3] =	ssyncadd.s32 $0xFFFFC000  }
0x9c: {  	_ =	sfence.sel $0x180000  }
0x9d: {  	[bflag:$0x0] =	sbarrier.arrive $0xFFFF  }
0x9e: {  	p0 =	sne.s32 s0, $0x0;
	_ =	strace $0x90000050  }
0x9f: {  	s0 =	sadd.s32 @!p0 $0x100000, s1;
	[bflag:$0x2] =	sbarrier.arrive $0xFFFF  }
0xa0: {  	[sflag:s0] =	ssyncadd.tile.s32 @!p0 $0x1;
	_ =	shalt  }
.Lfunc_end2:
_tile_overlayer_lowered:
.L_overlay_start_2:
0xa1: {  	(tag) =	ssettag $0x2  }
0xa2: {  	s0 =	rddreg [dreg:$0x0];
	s2 =	stileid.u32  }
0xa3: {  	s1 =	rddreg [dreg:$0x1];
	p0 =	sne.s32 s2, $0x0  }
0xa4: {  	s3 =	rddreg [dreg:$0x2];
	[bflag:$0x3] =	sbarrier.arrive $0xFFFF;
	s2 =	simm.s32 @!p0 $0x1C03  }
0xa5: {  	[timem:s3], [sflag:s2] =	dma.local @!p0 [hbm:s0], s1  }
0xa6: {  	s0 =	simm.s32 @!p0 $0x3  }
0xa7: {  	_ =	swait.ge @!p0 [sflag:s0], s1  }
0xa8: {  	s1 =	ssub.s32 @!p0 $0x0, s1;
	[sflag:s0] =	ssyncset.done @!p0 $0x0  }
0xa9: {  	[sflag:s0] =	ssyncadd.s32 @!p0 s1  }
0xaa: {  	[bflag:$0x3] =	sbarrier.arrive $0xFFFF  }
0xab: {  	_ =	shalt  }

</sc_bundles>
